<compile_context>
chip_gen: v7x
topology: tpu7x:2x2x1
jax: 0.10.2.dev20260603
libtpu: 0.0.44.dev20260713+nightly
codegen_flags: <defaults>
</compile_context>

<pallas_src>
import functools

import numpy as np
import jax
import jax.numpy as jnp
from jax import lax
from jax.experimental import pallas as pl
from jax.experimental.pallas import tpu as pltpu
from jax.experimental.pallas import tpu_sc as plsc

_VOCAB = 1000000
_EMB = 64
_SEQ = 200
_BATCH = 4096
_NC = 2
_NS = 16
_NW = _NC * _NS
_BT = _BATCH // _NW
_EPS = 1e-3
_L = 16


def _pos_centered() -> np.ndarray:
    pos = np.arange(_SEQ)[:, np.newaxis]
    i = np.arange(_EMB)[np.newaxis, :]
    angle = pos * (1.0 / np.power(10000, 2 * (i // 2) / np.float32(_EMB)))
    angle[:, 0::2] = np.sin(angle[:, 0::2])
    angle[:, 1::2] = np.cos(angle[:, 1::2])
    p = angle.astype(np.float32)
    return p - p.mean(axis=1, keepdims=True)


_POS = _pos_centered()

_mesh = plsc.VectorSubcoreMesh(
    core_axis_name="c", subcore_axis_name="s", num_cores=_NC, num_subcores=_NS
)


@functools.partial(
    pl.kernel,
    out_type=jax.ShapeDtypeStruct((_SEQ, 8, _NW, 8, _BT), jnp.float32),
    mesh=_mesh,
    compiler_params=pltpu.CompilerParams(
        needs_layout_passes=False, use_tc_tiling_on_sc=False
    ),
    scratch_types=[
        pltpu.VMEM((_SEQ // 8, 8, _BT), jnp.int32),
        pltpu.VMEM((_SEQ, _EMB), jnp.float32),
        pltpu.VMEM((_EMB,), jnp.float32),
        pltpu.VMEM((_EMB,), jnp.float32),
        pltpu.VMEM((2, _BT, _EMB), jnp.float32),
        pltpu.VMEM((2, 8, 8, _BT), jnp.float32),
        pltpu.VMEM((_BT, _EMB), jnp.float32),
        pltpu.VMEM((_BT, _L), jnp.float32),
        pltpu.VMEM((_BT, _L), jnp.float32),
        pltpu.VMEM((_BT,), jnp.float32),
        pltpu.VMEM((_BT,), jnp.float32),
        pltpu.SemaphoreType.DMA,
        pltpu.SemaphoreType.DMA,
    ],
)
def _emb_ln(idx_hbm, pos_hbm, gam_hbm, bet_hbm, table_hbm, out_hbm,
            idx_v, pos_v, gam_v, bet_v, inb, outb, ubuf, sbuf, qbuf,
            mbuf, rbuf, gsem, ssem):
    wid = lax.axis_index("s") * _NC + lax.axis_index("c")

    pltpu.sync_copy(idx_hbm.at[:, wid], idx_v)
    pltpu.sync_copy(pos_hbm, pos_v)
    pltpu.sync_copy(gam_hbm, gam_v)
    pltpu.sync_copy(bet_hbm, bet_v)

    def gather_start(g, b):
        ts = lax.div(g, 8)
        sr = lax.rem(g, 8)
        pltpu.async_copy(
            table_hbm.at[idx_v.at[ts, sr]], inb.at[b], gsem
        )

    def gather_wait(g, b):
        ts = lax.div(g, 8)
        sr = lax.rem(g, 8)
        pltpu.make_async_copy(
            table_hbm.at[idx_v.at[ts, sr]], inb.at[b], gsem
        ).wait()

    def store_start(g, b):
        pltpu.async_copy(
            outb.at[b], out_hbm.at[g, :, wid], ssem
        )

    def store_wait(g, b):
        pltpu.make_async_copy(
            outb.at[b], out_hbm.at[g, :, wid], ssem
        ).wait()

    gs = [gam_v[pl.ds(j * _L, _L)] for j in range(4)]
    bs = [bet_v[pl.ds(j * _L, _L)] for j in range(4)]

    lane = lax.iota(jnp.int32, _L)
    lane15 = jnp.full((_L,), 15, jnp.int32)
    tjv = [(lane + 16 * jg) >> 3 for jg in range(4)]
    jrv = [(lane + 16 * jg) & 7 for jg in range(4)]

    def compute(g, b):
        ib = inb.at[b]
        ob = outb.at[b]
        ps = [pos_v[g, pl.ds(jg * _L, _L)] for jg in range(4)]

        @plsc.parallel_loop(0, _BT, step=1, unroll=4)
        def row_a(r):
            u = []
            for jg in range(4):
                e = ib[r, pl.ds(jg * _L, _L)]
                u.append(e + ps[jg])
            for jg in range(4):
                ubuf[r, pl.ds(jg * _L, _L)] = u[jg]
            s = (u[0] + u[1]) + (u[2] + u[3])
            q = (u[0] * u[0] + u[1] * u[1]) + (u[2] * u[2] + u[3] * u[3])
            sbuf[r, pl.ds(0, _L)] = plsc.cumsum(s)
            qbuf[r, pl.ds(0, _L)] = plsc.cumsum(q)

        @plsc.parallel_loop(0, _BT // _L, step=1, unroll=2)
        def group(i):
            r0 = i * _L
            rows = r0 + lane
            ssum = plsc.load_gather(sbuf, [rows, lane15])
            qsum = plsc.load_gather(qbuf, [rows, lane15])
            mean = ssum * jnp.float32(1.0 / _EMB)
            x = qsum * jnp.float32(1.0 / _EMB) - mean * mean + jnp.float32(_EPS)
            ii = plsc.bitcast(x, jnp.int32)
            ii = jnp.int32(0x5F3759DF) - (ii >> 1)
            y = plsc.bitcast(ii, jnp.float32)
            hx = jnp.float32(0.5) * x
            for _ in range(2):
                y = y * (jnp.float32(1.5) - hx * y * y)
            mbuf[pl.ds(r0, _L)] = mean
            rbuf[pl.ds(r0, _L)] = y

        @plsc.parallel_loop(0, _BT, step=1, unroll=4)
        def row_c(r):
            rr = jnp.full((_L,), r, jnp.int32)
            mean = plsc.load_gather(mbuf, [rr])
            rstd = plsc.load_gather(rbuf, [rr])
            for jg in range(4):
                u = ubuf[r, pl.ds(jg * _L, _L)]
                y = (u - mean) * rstd * gs[jg] + bs[jg]
                plsc.store_scatter(ob, [tjv[jg], jrv[jg], rr], y)

    gather_start(0, 0)
    gather_start(1, 1)

    def step(i, carry):
        for b in (0, 1):
            g = i * 2 + b

            @pl.when(i > 0)
            def _():
                store_wait(g - 2, b)

            gather_wait(g, b)
            compute(g, b)
            store_start(g, b)

            @pl.when(g + 2 < _SEQ)
            def _():
                gather_start(g + 2, b)
        return carry

    lax.fori_loop(0, _SEQ // 2, step, 0)

    store_wait(_SEQ - 2, 0)
    store_wait(_SEQ - 1, 1)


def kernel(input_ids, token_type_ids, table, gamma, beta):
    del token_type_ids
    idx = (
        input_ids.T.reshape(_SEQ // 8, 8, _NW, _BT)
        .transpose(0, 2, 1, 3)
        .astype(jnp.int32)
    )
    out5 = _emb_ln(idx, jnp.asarray(_POS), gamma, beta, table)
    return out5.transpose(2, 4, 0, 1, 3).reshape(_BATCH, _SEQ, _EMB)

# --- scband reference (transcript-rebuilt; emitter-appended) ---
"""Pipeline reference for scband-embedding-24678882083214 (READ-ONLY COPY).

The authoritative reference and input builder live on the scoring server;
editing this copy changes nothing except your own understanding.
"""

import jax, jax.numpy as jnp
import numpy as np

VOCAB = 1000000
EMB = 64
MAX_LEN = 200
BATCH = 4096
SEQ = 200
LN_EPS = 1e-3  # keras LayerNormalization default epsilon


def positional_encoding(max_len, d):
    pos = np.arange(max_len)[:, np.newaxis]
    i = np.arange(d)[np.newaxis, :]
    angle_rads = pos * (1.0 / np.power(10000, 2 * (i // 2) / np.float32(d)))
    angle_rads[:, 0::2] = np.sin(angle_rads[:, 0::2])
    angle_rads[:, 1::2] = np.cos(angle_rads[:, 1::2])
    return jnp.asarray(angle_rads[np.newaxis, ...], dtype=jnp.float32)


def setup_inputs(seed: int = 0) -> dict:
    key = jax.random.key(seed)
    k1, k2, k3 = jax.random.split(key, 3)
    input_ids = jax.random.randint(k1, (BATCH, SEQ), 0, VOCAB, dtype=jnp.int64 if jax.config.jax_enable_x64 else jnp.int32)
    token_type_ids = jax.random.randint(k2, (BATCH, SEQ), 0, 2, dtype=jnp.int64 if jax.config.jax_enable_x64 else jnp.int32)
    # learned params
    table = jax.random.normal(k3, (VOCAB, EMB), dtype=jnp.float32) * 0.02  # TruncatedNormal(stddev=0.02) approx
    gamma = jnp.ones((EMB,), dtype=jnp.float32)
    beta = jnp.zeros((EMB,), dtype=jnp.float32)
    return {"input_ids": input_ids, "token_type_ids": token_type_ids, "table": table, "gamma": gamma, "beta": beta}


def reference(input_ids, token_type_ids, table, gamma, beta):
    pos_enc = positional_encoding(MAX_LEN, EMB)
    # embedding gather
    word_embedding = jnp.take(table, input_ids, axis=0)  # [B, S, E]
    segment_embedding = jnp.repeat(token_type_ids.astype(word_embedding.dtype)[:, :, None], EMB, axis=-1)
    input_len = word_embedding.shape[1]
    embedding = word_embedding + pos_enc[:, :input_len, :] + segment_embedding[:, :input_len, :]
    # LayerNormalization over last axis
    mean = jnp.mean(embedding, axis=-1, keepdims=True)
    var = jnp.mean(jnp.square(embedding - mean), axis=-1, keepdims=True)
    normed = (embedding - mean) / jnp.sqrt(var + LN_EPS)
    out = normed * gamma + beta
    # dropout is identity in inference mode
    return out

if __name__ == "__main__":
    import jax
    _d = setup_inputs()
    print(jax.jit(kernel)(*tuple(_d.values())))

</pallas_src>

<mosaic_0001>
#map = affine_map<(d0, d1) -> (0, 0, 0, 0)>
#map1 = affine_map<(d0, d1) -> (0, 0)>
#map2 = affine_map<(d0, d1) -> (0)>
#map3 = affine_map<(d0, d1) -> (0, 0, 0, 0, 0)>
module attributes {stable_mosaic.version = 14 : i64} {
  func.func @_emb_ln(%arg0: i32, %arg1: i32, %arg2: memref<25x32x8x128xi32, #tpu.memory_space<hbm>>, %arg3: memref<200x64xf32, #tpu.memory_space<hbm>>, %arg4: memref<64xf32, #tpu.memory_space<hbm>>, %arg5: memref<64xf32, #tpu.memory_space<hbm>>, %arg6: memref<1000000x64xf32, #tpu.memory_space<hbm>>, %arg7: memref<200x8x32x8x128xf32, #tpu.memory_space<hbm>>, %arg8: memref<25x8x128xi32, #tpu.memory_space<vmem>>, %arg9: memref<200x64xf32, #tpu.memory_space<vmem>>, %arg10: memref<64xf32, #tpu.memory_space<vmem>>, %arg11: memref<64xf32, #tpu.memory_space<vmem>>, %arg12: memref<2x128x64xf32, #tpu.memory_space<vmem>>, %arg13: memref<2x8x8x128xf32, #tpu.memory_space<vmem>>, %arg14: memref<128x64xf32, #tpu.memory_space<vmem>>, %arg15: memref<128x16xf32, #tpu.memory_space<vmem>>, %arg16: memref<128x16xf32, #tpu.memory_space<vmem>>, %arg17: memref<128xf32, #tpu.memory_space<vmem>>, %arg18: memref<128xf32, #tpu.memory_space<vmem>>, %arg19: memref<!tpu.dma_semaphore, #tpu.memory_space<semaphore_mem>>, %arg20: memref<!tpu.dma_semaphore, #tpu.memory_space<semaphore_mem>>) attributes {dimension_semantics = [#tpu.dimension_semantics<core_parallel>, #tpu.dimension_semantics<subcore_parallel>], iteration_bounds = array<i64: 2, 16>, scalar_prefetch = 0 : i64, scratch_operands = 13 : i64, tpu.core_type = #tpu.core_type<sc_vector_subcore>, window_params = [{transform_indices = #map}, {transform_indices = #map1}, {transform_indices = #map2}, {transform_indices = #map2}, {transform_indices = #map1}, {transform_indices = #map3}]} {
    %mul3A = arith.constant 2 : i32
    %mul3A_0 = arith.muli %arg1, %mul3A : i32
    %add3A = arith.addi %mul3A_0, %arg0 : i32
    "tpu.region"() ({
      %run_scoped3A = tpu.sem_alloc : memref<!tpu.dma_semaphore, #tpu.memory_space<semaphore_mem>>
      %dma_start3A_142 = arith.constant 0 : i32
      %dma_start3A_143 = arith.constant 0 : i32
      %dma_start3A_144 = arith.constant 0 : i32
      %dma_start3A_145 = tpu.memref_slice %arg2[%dma_start3A_142, %add3A, %dma_start3A_143, %dma_start3A_144] : memref<25x32x8x128xi32, #tpu.memory_space<hbm>> -> memref<25x1x8x128xi32, #tpu.memory_space<hbm>>
      %dma_start3A_146 = tpu.memref_squeeze %dma_start3A_145 : memref<25x1x8x128xi32, #tpu.memory_space<hbm>> -> memref<25x8x128xi32, #tpu.memory_space<hbm>>
      %dma_start3A_147 = arith.constant 0 : i32
      %dma_start3A_148 = arith.constant 0 : i32
      %dma_start3A_149 = arith.constant 0 : i32
      %dma_start3A_150 = tpu.memref_slice %arg2[%dma_start3A_147, %add3A, %dma_start3A_148, %dma_start3A_149] : memref<25x32x8x128xi32, #tpu.memory_space<hbm>> -> memref<25x1x8x128xi32, #tpu.memory_space<hbm>>
      %dma_start3A_151 = tpu.memref_squeeze %dma_start3A_150 : memref<25x1x8x128xi32, #tpu.memory_space<hbm>> -> memref<25x8x128xi32, #tpu.memory_space<hbm>>
      tpu.enqueue_dma source(%dma_start3A_151 : memref<25x8x128xi32, #tpu.memory_space<hbm>>) target(%arg8 : memref<25x8x128xi32, #tpu.memory_space<vmem>>) target_semaphore(%run_scoped3A : memref<!tpu.dma_semaphore, #tpu.memory_space<semaphore_mem>>)
      %dma_wait3A_152 = arith.constant 0 : i32
      %dma_wait3A_153 = arith.constant 0 : i32
      %dma_wait3A_154 = arith.constant 0 : i32
      %dma_wait3A_155 = tpu.memref_slice %arg2[%dma_wait3A_152, %add3A, %dma_wait3A_153, %dma_wait3A_154] : memref<25x32x8x128xi32, #tpu.memory_space<hbm>> -> memref<25x1x8x128xi32, #tpu.memory_space<hbm>>
      %dma_wait3A_156 = tpu.memref_squeeze %dma_wait3A_155 : memref<25x1x8x128xi32, #tpu.memory_space<hbm>> -> memref<25x8x128xi32, #tpu.memory_space<hbm>>
      %dma_wait3A_157 = arith.constant 0 : i32
      %dma_wait3A_158 = arith.constant 0 : i32
      %dma_wait3A_159 = arith.constant 0 : i32
      %dma_wait3A_160 = tpu.memref_slice %arg2[%dma_wait3A_157, %add3A, %dma_wait3A_158, %dma_wait3A_159] : memref<25x32x8x128xi32, #tpu.memory_space<hbm>> -> memref<25x1x8x128xi32, #tpu.memory_space<hbm>>
      %dma_wait3A_161 = tpu.memref_squeeze %dma_wait3A_160 : memref<25x1x8x128xi32, #tpu.memory_space<hbm>> -> memref<25x8x128xi32, #tpu.memory_space<hbm>>
      tpu.wait_dma2 semaphore(%run_scoped3A : memref<!tpu.dma_semaphore, #tpu.memory_space<semaphore_mem>>) src(%dma_wait3A_161 : memref<25x8x128xi32, #tpu.memory_space<hbm>>) dst(%arg8 : memref<25x8x128xi32, #tpu.memory_space<vmem>>)
      tpu.yield
    }) : () -> ()
    "tpu.region"() ({
      %run_scoped3A = tpu.sem_alloc : memref<!tpu.dma_semaphore, #tpu.memory_space<semaphore_mem>>
      tpu.enqueue_dma source(%arg3 : memref<200x64xf32, #tpu.memory_space<hbm>>) target(%arg9 : memref<200x64xf32, #tpu.memory_space<vmem>>) target_semaphore(%run_scoped3A : memref<!tpu.dma_semaphore, #tpu.memory_space<semaphore_mem>>)
      tpu.wait_dma2 semaphore(%run_scoped3A : memref<!tpu.dma_semaphore, #tpu.memory_space<semaphore_mem>>) src(%arg3 : memref<200x64xf32, #tpu.memory_space<hbm>>) dst(%arg9 : memref<200x64xf32, #tpu.memory_space<vmem>>)
      tpu.yield
    }) : () -> ()
    "tpu.region"() ({
      %run_scoped3A = tpu.sem_alloc : memref<!tpu.dma_semaphore, #tpu.memory_space<semaphore_mem>>
      tpu.enqueue_dma source(%arg4 : memref<64xf32, #tpu.memory_space<hbm>>) target(%arg10 : memref<64xf32, #tpu.memory_space<vmem>>) target_semaphore(%run_scoped3A : memref<!tpu.dma_semaphore, #tpu.memory_space<semaphore_mem>>)
      tpu.wait_dma2 semaphore(%run_scoped3A : memref<!tpu.dma_semaphore, #tpu.memory_space<semaphore_mem>>) src(%arg4 : memref<64xf32, #tpu.memory_space<hbm>>) dst(%arg10 : memref<64xf32, #tpu.memory_space<vmem>>)
      tpu.yield
    }) : () -> ()
    "tpu.region"() ({
      %run_scoped3A = tpu.sem_alloc : memref<!tpu.dma_semaphore, #tpu.memory_space<semaphore_mem>>
      tpu.enqueue_dma source(%arg5 : memref<64xf32, #tpu.memory_space<hbm>>) target(%arg11 : memref<64xf32, #tpu.memory_space<vmem>>) target_semaphore(%run_scoped3A : memref<!tpu.dma_semaphore, #tpu.memory_space<semaphore_mem>>)
      tpu.wait_dma2 semaphore(%run_scoped3A : memref<!tpu.dma_semaphore, #tpu.memory_space<semaphore_mem>>) src(%arg5 : memref<64xf32, #tpu.memory_space<hbm>>) dst(%arg11 : memref<64xf32, #tpu.memory_space<vmem>>)
      tpu.yield
    }) : () -> ()
    %get3A = arith.constant 0 : index
    %get3A_1 = tpu.vector_load %arg10[%get3A] {strides = array<i32>} : memref<64xf32, #tpu.memory_space<vmem>>, vector<16xf32>,
    %get3A_2 = arith.constant 16 : index
    %get3A_3 = tpu.vector_load %arg10[%get3A_2] {strides = array<i32>} : memref<64xf32, #tpu.memory_space<vmem>>, vector<16xf32>,
    %get3A_4 = arith.constant 32 : index
    %get3A_5 = tpu.vector_load %arg10[%get3A_4] {strides = array<i32>} : memref<64xf32, #tpu.memory_space<vmem>>, vector<16xf32>,
    %get3A_6 = arith.constant 48 : index
    %get3A_7 = tpu.vector_load %arg10[%get3A_6] {strides = array<i32>} : memref<64xf32, #tpu.memory_space<vmem>>, vector<16xf32>,
    %get3A_8 = arith.constant 0 : index
    %get3A_9 = tpu.vector_load %arg11[%get3A_8] {strides = array<i32>} : memref<64xf32, #tpu.memory_space<vmem>>, vector<16xf32>,
    %get3A_10 = arith.constant 16 : index
    %get3A_11 = tpu.vector_load %arg11[%get3A_10] {strides = array<i32>} : memref<64xf32, #tpu.memory_space<vmem>>, vector<16xf32>,
    %get3A_12 = arith.constant 32 : index
    %get3A_13 = tpu.vector_load %arg11[%get3A_12] {strides = array<i32>} : memref<64xf32, #tpu.memory_space<vmem>>, vector<16xf32>,
    %get3A_14 = arith.constant 48 : index
    %get3A_15 = tpu.vector_load %arg11[%get3A_14] {strides = array<i32>} : memref<64xf32, #tpu.memory_space<vmem>>, vector<16xf32>,
    %iota3A = tpu.iota {dimensions = array<i32: 0>} : vector<16xi32>
    %broadcast_in_dim3A = arith.constant 15 : i32
    %broadcast_in_dim3A_16 = vector.broadcast %broadcast_in_dim3A : i32 to vector<16xi32>
    %add3A_17 = arith.constant 0 : i32
    %add3A_18 = vector.broadcast %add3A_17 : i32 to vector<16xi32>
    %add3A_19 = arith.addi %iota3A, %add3A_18 : vector<16xi32>
    %shift_right_arithmetic3A = arith.constant 3 : i32
    %shift_right_arithmetic3A_20 = vector.broadcast %shift_right_arithmetic3A : i32 to vector<16xi32>
    %shift_right_arithmetic3A_21 = arith.shrsi %add3A_19, %shift_right_arithmetic3A_20 : vector<16xi32>
    %add3A_22 = arith.constant 16 : i32
    %add3A_23 = vector.broadcast %add3A_22 : i32 to vector<16xi32>
    %add3A_24 = arith.addi %iota3A, %add3A_23 : vector<16xi32>
    %shift_right_arithmetic3A_25 = arith.constant 3 : i32
    %shift_right_arithmetic3A_26 = vector.broadcast %shift_right_arithmetic3A_25 : i32 to vector<16xi32>
    %shift_right_arithmetic3A_27 = arith.shrsi %add3A_24, %shift_right_arithmetic3A_26 : vector<16xi32>
    %add3A_28 = arith.constant 32 : i32
    %add3A_29 = vector.broadcast %add3A_28 : i32 to vector<16xi32>
    %add3A_30 = arith.addi %iota3A, %add3A_29 : vector<16xi32>
    %shift_right_arithmetic3A_31 = arith.constant 3 : i32
    %shift_right_arithmetic3A_32 = vector.broadcast %shift_right_arithmetic3A_31 : i32 to vector<16xi32>
    %shift_right_arithmetic3A_33 = arith.shrsi %add3A_30, %shift_right_arithmetic3A_32 : vector<16xi32>
    %add3A_34 = arith.constant 48 : i32
    %add3A_35 = vector.broadcast %add3A_34 : i32 to vector<16xi32>
    %add3A_36 = arith.addi %iota3A, %add3A_35 : vector<16xi32>
    %shift_right_arithmetic3A_37 = arith.constant 3 : i32
    %shift_right_arithmetic3A_38 = vector.broadcast %shift_right_arithmetic3A_37 : i32 to vector<16xi32>
    %shift_right_arithmetic3A_39 = arith.shrsi %add3A_36, %shift_right_arithmetic3A_38 : vector<16xi32>
    %add3A_40 = arith.constant 0 : i32
    %add3A_41 = vector.broadcast %add3A_40 : i32 to vector<16xi32>
    %add3A_42 = arith.addi %iota3A, %add3A_41 : vector<16xi32>
    %and3A = arith.constant 7 : i32
    %and3A_43 = vector.broadcast %and3A : i32 to vector<16xi32>
    %and3A_44 = arith.andi %add3A_42, %and3A_43 : vector<16xi32>
    %add3A_45 = arith.constant 16 : i32
    %add3A_46 = vector.broadcast %add3A_45 : i32 to vector<16xi32>
    %add3A_47 = arith.addi %iota3A, %add3A_46 : vector<16xi32>
    %and3A_48 = arith.constant 7 : i32
    %and3A_49 = vector.broadcast %and3A_48 : i32 to vector<16xi32>
    %and3A_50 = arith.andi %add3A_47, %and3A_49 : vector<16xi32>
    %add3A_51 = arith.constant 32 : i32
    %add3A_52 = vector.broadcast %add3A_51 : i32 to vector<16xi32>
    %add3A_53 = arith.addi %iota3A, %add3A_52 : vector<16xi32>
    %and3A_54 = arith.constant 7 : i32
    %and3A_55 = vector.broadcast %and3A_54 : i32 to vector<16xi32>
    %and3A_56 = arith.andi %add3A_53, %and3A_55 : vector<16xi32>
    %add3A_57 = arith.constant 48 : i32
    %add3A_58 = vector.broadcast %add3A_57 : i32 to vector<16xi32>
    %add3A_59 = arith.addi %iota3A, %add3A_58 : vector<16xi32>
    %and3A_60 = arith.constant 7 : i32
    %and3A_61 = vector.broadcast %and3A_60 : i32 to vector<16xi32>
    %and3A_62 = arith.andi %add3A_59, %and3A_61 : vector<16xi32>
    %div3A = arith.constant 0 : i32
    %div3A_63 = arith.constant 8 : i32
    %div3A_64 = arith.divsi %div3A, %div3A_63 : i32
    %rem3A = arith.constant 0 : i32
    %rem3A_65 = arith.constant 8 : i32
    %rem3A_66 = arith.remsi %rem3A, %rem3A_65 : i32
    %dma_start3A = arith.constant 0 : i32
    %dma_start3A_67 = arith.constant 0 : i32
    %dma_start3A_68 = arith.constant 0 : i32
    %dma_start3A_69 = tpu.memref_slice %arg12[%dma_start3A, %dma_start3A_67, %dma_start3A_68] : memref<2x128x64xf32, #tpu.memory_space<vmem>> -> memref<1x128x64xf32, #tpu.memory_space<vmem>>
    %dma_start3A_70 = tpu.memref_squeeze %dma_start3A_69 : memref<1x128x64xf32, #tpu.memory_space<vmem>> -> memref<128x64xf32, #tpu.memory_space<vmem>>
    %dma_start3A_71 = arith.constant 0 : i32
    %dma_start3A_72 = tpu.memref_slice %arg8[%div3A_64, %rem3A_66, %dma_start3A_71] : memref<25x8x128xi32, #tpu.memory_space<vmem>> -> memref<1x1x128xi32, #tpu.memory_space<vmem>>
    %dma_start3A_73 = tpu.memref_squeeze %dma_start3A_72 : memref<1x1x128xi32, #tpu.memory_space<vmem>> -> memref<128xi32, #tpu.memory_space<vmem>>
    %dma_start3A_74 = arith.constant 0 : i32
    %dma_start3A_75 = arith.constant 0 : i32
    %dma_start3A_76 = tpu.memref_slice %arg6[%dma_start3A_74, %dma_start3A_75] : memref<1000000x64xf32, #tpu.memory_space<hbm>> -> memref<1000000x64xf32, #tpu.memory_space<hbm>>
    tpu.enqueue_indirect_dma source(%dma_start3A_76 : memref<1000000x64xf32, #tpu.memory_space<hbm>>) target(%dma_start3A_70 : memref<128x64xf32, #tpu.memory_space<vmem>>) offsets(%dma_start3A_73 : memref<128xi32, #tpu.memory_space<vmem>>) semaphore(%arg19 : memref<!tpu.dma_semaphore, #tpu.memory_space<semaphore_mem>>)
    %div3A_77 = arith.constant 1 : i32
    %div3A_78 = arith.constant 8 : i32
    %div3A_79 = arith.divsi %div3A_77, %div3A_78 : i32
    %rem3A_80 = arith.constant 1 : i32
    %rem3A_81 = arith.constant 8 : i32
    %rem3A_82 = arith.remsi %rem3A_80, %rem3A_81 : i32
    %dma_start3A_83 = arith.constant 1 : i32
    %dma_start3A_84 = arith.constant 0 : i32
    %dma_start3A_85 = arith.constant 0 : i32
    %dma_start3A_86 = tpu.memref_slice %arg12[%dma_start3A_83, %dma_start3A_84, %dma_start3A_85] : memref<2x128x64xf32, #tpu.memory_space<vmem>> -> memref<1x128x64xf32, #tpu.memory_space<vmem>>
    %dma_start3A_87 = tpu.memref_squeeze %dma_start3A_86 : memref<1x128x64xf32, #tpu.memory_space<vmem>> -> memref<128x64xf32, #tpu.memory_space<vmem>>
    %dma_start3A_88 = arith.constant 0 : i32
    %dma_start3A_89 = tpu.memref_slice %arg8[%div3A_79, %rem3A_82, %dma_start3A_88] : memref<25x8x128xi32, #tpu.memory_space<vmem>> -> memref<1x1x128xi32, #tpu.memory_space<vmem>>
    %dma_start3A_90 = tpu.memref_squeeze %dma_start3A_89 : memref<1x1x128xi32, #tpu.memory_space<vmem>> -> memref<128xi32, #tpu.memory_space<vmem>>
    %dma_start3A_91 = arith.constant 0 : i32
    %dma_start3A_92 = arith.constant 0 : i32
    %dma_start3A_93 = tpu.memref_slice %arg6[%dma_start3A_91, %dma_start3A_92] : memref<1000000x64xf32, #tpu.memory_space<hbm>> -> memref<1000000x64xf32, #tpu.memory_space<hbm>>
    tpu.enqueue_indirect_dma source(%dma_start3A_93 : memref<1000000x64xf32, #tpu.memory_space<hbm>>) target(%dma_start3A_87 : memref<128x64xf32, #tpu.memory_space<vmem>>) offsets(%dma_start3A_90 : memref<128xi32, #tpu.memory_space<vmem>>) semaphore(%arg19 : memref<!tpu.dma_semaphore, #tpu.memory_space<semaphore_mem>>)
    %scan3A = arith.constant 0 : i32
    %scan3A_94 = arith.constant 0 : i32
    %scan3A_95 = arith.constant 100 : i32
    %scan3A_96 = arith.addi %scan3A_94, %scan3A_95 : i32
    %scan3A_97 = arith.constant 1 : i32
    scf.for %scan3A_142 = %scan3A_94 to %scan3A_96 step %scan3A_97  : i32 {
      %mul3A_143 = arith.constant 2 : i32
      %mul3A_144 = arith.muli %scan3A_142, %mul3A_143 : i32
      %add3A_145 = arith.constant 0 : i32
      %add3A_146 = arith.addi %mul3A_144, %add3A_145 : i32
      %gt3A = arith.constant 0 : i32
      %gt3A_147 = arith.cmpi sgt, %scan3A_142, %gt3A : i32
      %convert_element_type3A = arith.extui %gt3A_147 : i1 to i32
      %cond3A = arith.constant 0 : i32
      %cond3A_148 = arith.cmpi ne, %convert_element_type3A, %cond3A : i32
      scf.if %cond3A_148 {
        %sub3A = arith.constant 2 : i32
        %sub3A_288 = arith.subi %add3A_146, %sub3A : i32
        %dma_wait3A_289 = arith.constant 0 : i32
        %dma_wait3A_290 = arith.constant 0 : i32
        %dma_wait3A_291 = arith.constant 0 : i32
        %dma_wait3A_292 = arith.constant 0 : i32
        %dma_wait3A_293 = tpu.memref_slice %arg13[%dma_wait3A_289, %dma_wait3A_290, %dma_wait3A_291, %dma_wait3A_292] : memref<2x8x8x128xf32, #tpu.memory_space<vmem>> -> memref<1x8x8x128xf32, #tpu.memory_space<vmem>>
        %dma_wait3A_294 = tpu.memref_squeeze %dma_wait3A_293 : memref<1x8x8x128xf32, #tpu.memory_space<vmem>> -> memref<8x8x128xf32, #tpu.memory_space<vmem>>
        %dma_wait3A_295 = arith.constant 0 : i32
        %dma_wait3A_296 = arith.constant 0 : i32
        %dma_wait3A_297 = arith.constant 0 : i32
        %dma_wait3A_298 = tpu.memref_slice %arg7[%sub3A_288, %dma_wait3A_295, %add3A, %dma_wait3A_296, %dma_wait3A_297] : memref<200x8x32x8x128xf32, #tpu.memory_space<hbm>> -> memref<1x8x1x8x128xf32, #tpu.memory_space<hbm>>
        %dma_wait3A_299 = tpu.memref_squeeze %dma_wait3A_298 : memref<1x8x1x8x128xf32, #tpu.memory_space<hbm>> -> memref<8x8x128xf32, #tpu.memory_space<hbm>>
        %dma_wait3A_300 = arith.constant 0 : i32
        %dma_wait3A_301 = arith.constant 0 : i32
        %dma_wait3A_302 = arith.constant 0 : i32
        %dma_wait3A_303 = tpu.memref_slice %arg7[%sub3A_288, %dma_wait3A_300, %add3A, %dma_wait3A_301, %dma_wait3A_302] : memref<200x8x32x8x128xf32, #tpu.memory_space<hbm>> -> memref<1x8x1x8x128xf32, #tpu.memory_space<hbm>>
        %dma_wait3A_304 = tpu.memref_squeeze %dma_wait3A_303 : memref<1x8x1x8x128xf32, #tpu.memory_space<hbm>> -> memref<8x8x128xf32, #tpu.memory_space<hbm>>
        %dma_wait3A_305 = arith.constant 0 : i32
        %dma_wait3A_306 = arith.constant 0 : i32
        %dma_wait3A_307 = arith.constant 0 : i32
        %dma_wait3A_308 = tpu.memref_slice %arg13[%dma_wait3A_289, %dma_wait3A_305, %dma_wait3A_306, %dma_wait3A_307] : memref<2x8x8x128xf32, #tpu.memory_space<vmem>> -> memref<1x8x8x128xf32, #tpu.memory_space<vmem>>
        %dma_wait3A_309 = tpu.memref_squeeze %dma_wait3A_308 : memref<1x8x8x128xf32, #tpu.memory_space<vmem>> -> memref<8x8x128xf32, #tpu.memory_space<vmem>>
        tpu.wait_dma2 semaphore(%arg20 : memref<!tpu.dma_semaphore, #tpu.memory_space<semaphore_mem>>) src(%dma_wait3A_309 : memref<8x8x128xf32, #tpu.memory_space<vmem>>) dst(%dma_wait3A_304 : memref<8x8x128xf32, #tpu.memory_space<hbm>>)
      } else {
      }
      %div3A_149 = arith.constant 8 : i32
      %div3A_150 = arith.divsi %add3A_146, %div3A_149 : i32
      %rem3A_151 = arith.constant 8 : i32
      %rem3A_152 = arith.remsi %add3A_146, %rem3A_151 : i32
      %dma_wait3A_153 = arith.constant 0 : i32
      %dma_wait3A_154 = arith.constant 0 : i32
      %dma_wait3A_155 = arith.constant 0 : i32
      %dma_wait3A_156 = tpu.memref_slice %arg12[%dma_wait3A_153, %dma_wait3A_154, %dma_wait3A_155] : memref<2x128x64xf32, #tpu.memory_space<vmem>> -> memref<1x128x64xf32, #tpu.memory_space<vmem>>
      %dma_wait3A_157 = tpu.memref_squeeze %dma_wait3A_156 : memref<1x128x64xf32, #tpu.memory_space<vmem>> -> memref<128x64xf32, #tpu.memory_space<vmem>>
      %dma_wait3A_158 = arith.constant 0 : i32
      %dma_wait3A_159 = tpu.memref_slice %arg8[%div3A_150, %rem3A_152, %dma_wait3A_158] : memref<25x8x128xi32, #tpu.memory_space<vmem>> -> memref<1x1x128xi32, #tpu.memory_space<vmem>>
      %dma_wait3A_160 = tpu.memref_squeeze %dma_wait3A_159 : memref<1x1x128xi32, #tpu.memory_space<vmem>> -> memref<128xi32, #tpu.memory_space<vmem>>
      %dma_wait3A_161 = arith.constant 0 : i32
      %dma_wait3A_162 = arith.constant 0 : i32
      %dma_wait3A_163 = tpu.memref_slice %arg6[%dma_wait3A_161, %dma_wait3A_162] : memref<1000000x64xf32, #tpu.memory_space<hbm>> -> memref<1000000x64xf32, #tpu.memory_space<hbm>>
      tpu.wait_indirect_dma semaphore(%arg19 : memref<!tpu.dma_semaphore, #tpu.memory_space<semaphore_mem>>) src(%dma_wait3A_163 : memref<1000000x64xf32, #tpu.memory_space<hbm>>) dst(%dma_wait3A_157 : memref<128x64xf32, #tpu.memory_space<vmem>>)
      %get3A_164 = arith.index_cast %add3A_146 : i32 to index
      %get3A_165 = arith.constant 0 : index
      %get3A_166 = tpu.vector_load %arg9[%get3A_164, %get3A_165] {strides = array<i32>} : memref<200x64xf32, #tpu.memory_space<vmem>>, vector<16xf32>,
      %get3A_167 = arith.index_cast %add3A_146 : i32 to index
      %get3A_168 = arith.constant 16 : index
      %get3A_169 = tpu.vector_load %arg9[%get3A_167, %get3A_168] {strides = array<i32>} : memref<200x64xf32, #tpu.memory_space<vmem>>, vector<16xf32>,
      %get3A_170 = arith.index_cast %add3A_146 : i32 to index
      %get3A_171 = arith.constant 32 : index
      %get3A_172 = tpu.vector_load %arg9[%get3A_170, %get3A_171] {strides = array<i32>} : memref<200x64xf32, #tpu.memory_space<vmem>>, vector<16xf32>,
      %get3A_173 = arith.index_cast %add3A_146 : i32 to index
      %get3A_174 = arith.constant 48 : index
      %get3A_175 = tpu.vector_load %arg9[%get3A_173, %get3A_174] {strides = array<i32>} : memref<200x64xf32, #tpu.memory_space<vmem>>, vector<16xf32>,
      %parallel_loop3A = arith.constant 0 : i32
      %parallel_loop3A_176 = arith.constant 128 : i32
      %parallel_loop3A_177 = arith.constant 1 : i32
      %parallel_loop3A_178 = arith.constant 0 : i32
      scf.for %parallel_loop3A_288 = %parallel_loop3A to %parallel_loop3A_176 step %parallel_loop3A_177  : i32 {
        %parallel_loop3A_289 = arith.constant 0 : i32
        %parallel_loop3A_290 = arith.constant 0 : i32
        %parallel_loop3A_291 = tpu.memref_slice %arg12[%parallel_loop3A_178, %parallel_loop3A_289, %parallel_loop3A_290] : memref<2x128x64xf32, #tpu.memory_space<vmem>> -> memref<1x128x64xf32, #tpu.memory_space<vmem>>
        %parallel_loop3A_292 = tpu.memref_squeeze %parallel_loop3A_291 : memref<1x128x64xf32, #tpu.memory_space<vmem>> -> memref<128x64xf32, #tpu.memory_space<vmem>>
        %parallel_loop3A_293 = arith.index_cast %parallel_loop3A_288 : i32 to index
        %parallel_loop3A_294 = arith.constant 0 : index
        %parallel_loop3A_295 = tpu.vector_load %parallel_loop3A_292[%parallel_loop3A_293, %parallel_loop3A_294] {strides = array<i32>} : memref<128x64xf32, #tpu.memory_space<vmem>>, vector<16xf32>,
        %parallel_loop3A_296 = arith.addf %parallel_loop3A_295, %get3A_166 : vector<16xf32>
        %parallel_loop3A_297 = arith.constant 0 : i32
        %parallel_loop3A_298 = arith.constant 0 : i32
        %parallel_loop3A_299 = tpu.memref_slice %arg12[%parallel_loop3A_178, %parallel_loop3A_297, %parallel_loop3A_298] : memref<2x128x64xf32, #tpu.memory_space<vmem>> -> memref<1x128x64xf32, #tpu.memory_space<vmem>>
        %parallel_loop3A_300 = tpu.memref_squeeze %parallel_loop3A_299 : memref<1x128x64xf32, #tpu.memory_space<vmem>> -> memref<128x64xf32, #tpu.memory_space<vmem>>
        %parallel_loop3A_301 = arith.index_cast %parallel_loop3A_288 : i32 to index
        %parallel_loop3A_302 = arith.constant 16 : index
        %parallel_loop3A_303 = tpu.vector_load %parallel_loop3A_300[%parallel_loop3A_301, %parallel_loop3A_302] {strides = array<i32>} : memref<128x64xf32, #tpu.memory_space<vmem>>, vector<16xf32>,
        %parallel_loop3A_304 = arith.addf %parallel_loop3A_303, %get3A_169 : vector<16xf32>
        %parallel_loop3A_305 = arith.constant 0 : i32
        %parallel_loop3A_306 = arith.constant 0 : i32
        %parallel_loop3A_307 = tpu.memref_slice %arg12[%parallel_loop3A_178, %parallel_loop3A_305, %parallel_loop3A_306] : memref<2x128x64xf32, #tpu.memory_space<vmem>> -> memref<1x128x64xf32, #tpu.memory_space<vmem>>
        %parallel_loop3A_308 = tpu.memref_squeeze %parallel_loop3A_307 : memref<1x128x64xf32, #tpu.memory_space<vmem>> -> memref<128x64xf32, #tpu.memory_space<vmem>>
        %parallel_loop3A_309 = arith.index_cast %parallel_loop3A_288 : i32 to index
        %parallel_loop3A_310 = arith.constant 32 : index
        %parallel_loop3A_311 = tpu.vector_load %parallel_loop3A_308[%parallel_loop3A_309, %parallel_loop3A_310] {strides = array<i32>} : memref<128x64xf32, #tpu.memory_space<vmem>>, vector<16xf32>,
        %parallel_loop3A_312 = arith.addf %parallel_loop3A_311, %get3A_172 : vector<16xf32>
        %parallel_loop3A_313 = arith.constant 0 : i32
        %parallel_loop3A_314 = arith.constant 0 : i32
        %parallel_loop3A_315 = tpu.memref_slice %arg12[%parallel_loop3A_178, %parallel_loop3A_313, %parallel_loop3A_314] : memref<2x128x64xf32, #tpu.memory_space<vmem>> -> memref<1x128x64xf32, #tpu.memory_space<vmem>>
        %parallel_loop3A_316 = tpu.memref_squeeze %parallel_loop3A_315 : memref<1x128x64xf32, #tpu.memory_space<vmem>> -> memref<128x64xf32, #tpu.memory_space<vmem>>
        %parallel_loop3A_317 = arith.index_cast %parallel_loop3A_288 : i32 to index
        %parallel_loop3A_318 = arith.constant 48 : index
        %parallel_loop3A_319 = tpu.vector_load %parallel_loop3A_316[%parallel_loop3A_317, %parallel_loop3A_318] {strides = array<i32>} : memref<128x64xf32, #tpu.memory_space<vmem>>, vector<16xf32>,
        %parallel_loop3A_320 = arith.addf %parallel_loop3A_319, %get3A_175 : vector<16xf32>
        %parallel_loop3A_321 = arith.index_cast %parallel_loop3A_288 : i32 to index
        %parallel_loop3A_322 = arith.constant 0 : index
        %parallel_loop3A_323 = tpu.vector_load %arg14[%parallel_loop3A_321, %parallel_loop3A_322] {strides = array<i32>} : memref<128x64xf32, #tpu.memory_space<vmem>>, vector<16xf32>,
        tpu.vector_store %arg14[%parallel_loop3A_321, %parallel_loop3A_322], %parallel_loop3A_296 {strides = array<i32>} : memref<128x64xf32, #tpu.memory_space<vmem>>, vector<16xf32>,
        %parallel_loop3A_324 = arith.index_cast %parallel_loop3A_288 : i32 to index
        %parallel_loop3A_325 = arith.constant 16 : index
        %parallel_loop3A_326 = tpu.vector_load %arg14[%parallel_loop3A_324, %parallel_loop3A_325] {strides = array<i32>} : memref<128x64xf32, #tpu.memory_space<vmem>>, vector<16xf32>,
        tpu.vector_store %arg14[%parallel_loop3A_324, %parallel_loop3A_325], %parallel_loop3A_304 {strides = array<i32>} : memref<128x64xf32, #tpu.memory_space<vmem>>, vector<16xf32>,
        %parallel_loop3A_327 = arith.index_cast %parallel_loop3A_288 : i32 to index
        %parallel_loop3A_328 = arith.constant 32 : index
        %parallel_loop3A_329 = tpu.vector_load %arg14[%parallel_loop3A_327, %parallel_loop3A_328] {strides = array<i32>} : memref<128x64xf32, #tpu.memory_space<vmem>>, vector<16xf32>,
        tpu.vector_store %arg14[%parallel_loop3A_327, %parallel_loop3A_328], %parallel_loop3A_312 {strides = array<i32>} : memref<128x64xf32, #tpu.memory_space<vmem>>, vector<16xf32>,
        %parallel_loop3A_330 = arith.index_cast %parallel_loop3A_288 : i32 to index
        %parallel_loop3A_331 = arith.constant 48 : index
        %parallel_loop3A_332 = tpu.vector_load %arg14[%parallel_loop3A_330, %parallel_loop3A_331] {strides = array<i32>} : memref<128x64xf32, #tpu.memory_space<vmem>>, vector<16xf32>,
        tpu.vector_store %arg14[%parallel_loop3A_330, %parallel_loop3A_331], %parallel_loop3A_320 {strides = array<i32>} : memref<128x64xf32, #tpu.memory_space<vmem>>, vector<16xf32>,
        %parallel_loop3A_333 = arith.addf %parallel_loop3A_296, %parallel_loop3A_304 : vector<16xf32>
        %parallel_loop3A_334 = arith.addf %parallel_loop3A_312, %parallel_loop3A_320 : vector<16xf32>
        %parallel_loop3A_335 = arith.addf %parallel_loop3A_333, %parallel_loop3A_334 : vector<16xf32>
        %parallel_loop3A_336 = arith.mulf %parallel_loop3A_296, %parallel_loop3A_296 : vector<16xf32>
        %parallel_loop3A_337 = arith.mulf %parallel_loop3A_304, %parallel_loop3A_304 : vector<16xf32>
        %parallel_loop3A_338 = arith.addf %parallel_loop3A_336, %parallel_loop3A_337 : vector<16xf32>
        %parallel_loop3A_339 = arith.mulf %parallel_loop3A_312, %parallel_loop3A_312 : vector<16xf32>
        %parallel_loop3A_340 = arith.mulf %parallel_loop3A_320, %parallel_loop3A_320 : vector<16xf32>
        %parallel_loop3A_341 = arith.addf %parallel_loop3A_339, %parallel_loop3A_340 : vector<16xf32>
        %parallel_loop3A_342 = arith.addf %parallel_loop3A_338, %parallel_loop3A_341 : vector<16xf32>
        %parallel_loop3A_343 = arith.constant true
        %parallel_loop3A_344 = vector.broadcast %parallel_loop3A_343 : i1 to vector<16xi1>
        %parallel_loop3A_345 = tpu.scan <sum>, %parallel_loop3A_335 masked %parallel_loop3A_344 : vector<16xf32>, vector<16xi1> -> vector<16xf32>
        %parallel_loop3A_346 = arith.index_cast %parallel_loop3A_288 : i32 to index
        %parallel_loop3A_347 = arith.constant 0 : index
        %parallel_loop3A_348 = tpu.vector_load %arg15[%parallel_loop3A_346, %parallel_loop3A_347] {strides = array<i32>} : memref<128x16xf32, #tpu.memory_space<vmem>>, vector<16xf32>,
        tpu.vector_store %arg15[%parallel_loop3A_346, %parallel_loop3A_347], %parallel_loop3A_345 {strides = array<i32>} : memref<128x16xf32, #tpu.memory_space<vmem>>, vector<16xf32>,
        %parallel_loop3A_349 = arith.constant true
        %parallel_loop3A_350 = vector.broadcast %parallel_loop3A_349 : i1 to vector<16xi1>
        %parallel_loop3A_351 = tpu.scan <sum>, %parallel_loop3A_342 masked %parallel_loop3A_350 : vector<16xf32>, vector<16xi1> -> vector<16xf32>
        %parallel_loop3A_352 = arith.index_cast %parallel_loop3A_288 : i32 to index
        %parallel_loop3A_353 = arith.constant 0 : index
        %parallel_loop3A_354 = tpu.vector_load %arg16[%parallel_loop3A_352, %parallel_loop3A_353] {strides = array<i32>} : memref<128x16xf32, #tpu.memory_space<vmem>>, vector<16xf32>,
        tpu.vector_store %arg16[%parallel_loop3A_352, %parallel_loop3A_353], %parallel_loop3A_351 {strides = array<i32>} : memref<128x16xf32, #tpu.memory_space<vmem>>, vector<16xf32>,
      } {sc.loop_unroll_factor = 4 : i64, sc.parallel_access}
      %parallel_loop3A_179 = arith.constant 0 : i32
      %parallel_loop3A_180 = arith.constant 8 : i32
      %parallel_loop3A_181 = arith.constant 1 : i32
      scf.for %parallel_loop3A_288 = %parallel_loop3A_179 to %parallel_loop3A_180 step %parallel_loop3A_181  : i32 {
        %parallel_loop3A_289 = arith.constant 16 : i32
        %parallel_loop3A_290 = arith.muli %parallel_loop3A_288, %parallel_loop3A_289 : i32
        %parallel_loop3A_291 = vector.broadcast %parallel_loop3A_290 : i32 to vector<16xi32>
        %parallel_loop3A_292 = arith.addi %parallel_loop3A_291, %iota3A : vector<16xi32>
        %parallel_loop3A_293 = tpu.vector_load_idx %arg15[%parallel_loop3A_292, %broadcast_in_dim3A_16] : memref<128x16xf32, #tpu.memory_space<vmem>>[vector<16xi32>, vector<16xi32>], vector<16xf32>,
        %parallel_loop3A_294 = tpu.vector_load_idx %arg16[%parallel_loop3A_292, %broadcast_in_dim3A_16] : memref<128x16xf32, #tpu.memory_space<vmem>>[vector<16xi32>, vector<16xi32>], vector<16xf32>,
        %parallel_loop3A_295 = arith.constant 1.562500e-02 : f32
        %parallel_loop3A_296 = vector.broadcast %parallel_loop3A_295 : f32 to vector<16xf32>
        %parallel_loop3A_297 = arith.mulf %parallel_loop3A_293, %parallel_loop3A_296 : vector<16xf32>
        %parallel_loop3A_298 = arith.constant 1.562500e-02 : f32
        %parallel_loop3A_299 = vector.broadcast %parallel_loop3A_298 : f32 to vector<16xf32>
        %parallel_loop3A_300 = arith.mulf %parallel_loop3A_294, %parallel_loop3A_299 : vector<16xf32>
        %parallel_loop3A_301 = arith.mulf %parallel_loop3A_297, %parallel_loop3A_297 : vector<16xf32>
        %parallel_loop3A_302 = arith.subf %parallel_loop3A_300, %parallel_loop3A_301 : vector<16xf32>
        %parallel_loop3A_303 = arith.constant 1.000000e-03 : f32
        %parallel_loop3A_304 = vector.broadcast %parallel_loop3A_303 : f32 to vector<16xf32>
        %parallel_loop3A_305 = arith.addf %parallel_loop3A_302, %parallel_loop3A_304 : vector<16xf32>
        %parallel_loop3A_306 = vector.bitcast %parallel_loop3A_305 : vector<16xf32> to vector<16xi32>
        %parallel_loop3A_307 = arith.constant 1 : i32
        %parallel_loop3A_308 = vector.broadcast %parallel_loop3A_307 : i32 to vector<16xi32>
        %parallel_loop3A_309 = arith.shrsi %parallel_loop3A_306, %parallel_loop3A_308 : vector<16xi32>
        %parallel_loop3A_310 = arith.constant 1597463007 : i32
        %parallel_loop3A_311 = vector.broadcast %parallel_loop3A_310 : i32 to vector<16xi32>
        %parallel_loop3A_312 = arith.subi %parallel_loop3A_311, %parallel_loop3A_309 : vector<16xi32>
        %parallel_loop3A_313 = vector.bitcast %parallel_loop3A_312 : vector<16xi32> to vector<16xf32>
        %parallel_loop3A_314 = arith.constant 5.000000e-01 : f32
        %parallel_loop3A_315 = vector.broadcast %parallel_loop3A_314 : f32 to vector<16xf32>
        %parallel_loop3A_316 = arith.mulf %parallel_loop3A_315, %parallel_loop3A_305 : vector<16xf32>
        %parallel_loop3A_317 = arith.mulf %parallel_loop3A_316, %parallel_loop3A_313 : vector<16xf32>
        %parallel_loop3A_318 = arith.mulf %parallel_loop3A_317, %parallel_loop3A_313 : vector<16xf32>
        %parallel_loop3A_319 = arith.constant 1.500000e+00 : f32
        %parallel_loop3A_320 = vector.broadcast %parallel_loop3A_319 : f32 to vector<16xf32>
        %parallel_loop3A_321 = arith.subf %parallel_loop3A_320, %parallel_loop3A_318 : vector<16xf32>
        %parallel_loop3A_322 = arith.mulf %parallel_loop3A_313, %parallel_loop3A_321 : vector<16xf32>
        %parallel_loop3A_323 = arith.mulf %parallel_loop3A_316, %parallel_loop3A_322 : vector<16xf32>
        %parallel_loop3A_324 = arith.mulf %parallel_loop3A_323, %parallel_loop3A_322 : vector<16xf32>
        %parallel_loop3A_325 = arith.constant 1.500000e+00 : f32
        %parallel_loop3A_326 = vector.broadcast %parallel_loop3A_325 : f32 to vector<16xf32>
        %parallel_loop3A_327 = arith.subf %parallel_loop3A_326, %parallel_loop3A_324 : vector<16xf32>
        %parallel_loop3A_328 = arith.mulf %parallel_loop3A_322, %parallel_loop3A_327 : vector<16xf32>
        %parallel_loop3A_329 = arith.index_cast %parallel_loop3A_290 : i32 to index
        %parallel_loop3A_330 = tpu.vector_load %arg17[%parallel_loop3A_329] {strides = array<i32>} : memref<128xf32, #tpu.memory_space<vmem>>, vector<16xf32>,
        tpu.vector_store %arg17[%parallel_loop3A_329], %parallel_loop3A_297 {strides = array<i32>} : memref<128xf32, #tpu.memory_space<vmem>>, vector<16xf32>,
        %parallel_loop3A_331 = arith.index_cast %parallel_loop3A_290 : i32 to index
        %parallel_loop3A_332 = tpu.vector_load %arg18[%parallel_loop3A_331] {strides = array<i32>} : memref<128xf32, #tpu.memory_space<vmem>>, vector<16xf32>,
        tpu.vector_store %arg18[%parallel_loop3A_331], %parallel_loop3A_328 {strides = array<i32>} : memref<128xf32, #tpu.memory_space<vmem>>, vector<16xf32>,
      } {sc.loop_unroll_factor = 2 : i64, sc.parallel_access}
      %parallel_loop3A_182 = arith.constant 0 : i32
      %parallel_loop3A_183 = arith.constant 128 : i32
      %parallel_loop3A_184 = arith.constant 1 : i32
      %parallel_loop3A_185 = arith.constant 0 : i32
      scf.for %parallel_loop3A_288 = %parallel_loop3A_182 to %parallel_loop3A_183 step %parallel_loop3A_184  : i32 {
        %parallel_loop3A_289 = vector.broadcast %parallel_loop3A_288 : i32 to vector<16xi32>
        %parallel_loop3A_290 = tpu.vector_load_idx %arg17[%parallel_loop3A_289] : memref<128xf32, #tpu.memory_space<vmem>>[vector<16xi32>], vector<16xf32>,
        %parallel_loop3A_291 = tpu.vector_load_idx %arg18[%parallel_loop3A_289] : memref<128xf32, #tpu.memory_space<vmem>>[vector<16xi32>], vector<16xf32>,
        %parallel_loop3A_292 = arith.index_cast %parallel_loop3A_288 : i32 to index
        %parallel_loop3A_293 = arith.constant 0 : index
        %parallel_loop3A_294 = tpu.vector_load %arg14[%parallel_loop3A_292, %parallel_loop3A_293] {strides = array<i32>} : memref<128x64xf32, #tpu.memory_space<vmem>>, vector<16xf32>,
        %parallel_loop3A_295 = arith.subf %parallel_loop3A_294, %parallel_loop3A_290 : vector<16xf32>
        %parallel_loop3A_296 = arith.mulf %parallel_loop3A_295, %parallel_loop3A_291 : vector<16xf32>
        %parallel_loop3A_297 = arith.mulf %parallel_loop3A_296, %get3A_1 : vector<16xf32>
        %parallel_loop3A_298 = arith.addf %parallel_loop3A_297, %get3A_9 : vector<16xf32>
        %parallel_loop3A_299 = arith.constant 0 : i32
        %parallel_loop3A_300 = arith.constant 0 : i32
        %parallel_loop3A_301 = arith.constant 0 : i32
        %parallel_loop3A_302 = tpu.memref_slice %arg13[%parallel_loop3A_185, %parallel_loop3A_299, %parallel_loop3A_300, %parallel_loop3A_301] : memref<2x8x8x128xf32, #tpu.memory_space<vmem>> -> memref<1x8x8x128xf32, #tpu.memory_space<vmem>>
        %parallel_loop3A_303 = tpu.memref_squeeze %parallel_loop3A_302 : memref<1x8x8x128xf32, #tpu.memory_space<vmem>> -> memref<8x8x128xf32, #tpu.memory_space<vmem>>
        tpu.vector_store_idx %parallel_loop3A_303[%shift_right_arithmetic3A_21, %and3A_44, %parallel_loop3A_289], %parallel_loop3A_298 : memref<8x8x128xf32, #tpu.memory_space<vmem>>[vector<16xi32>, vector<16xi32>, vector<16xi32>], vector<16xf32>,
        %parallel_loop3A_304 = arith.index_cast %parallel_loop3A_288 : i32 to index
        %parallel_loop3A_305 = arith.constant 16 : index
        %parallel_loop3A_306 = tpu.vector_load %arg14[%parallel_loop3A_304, %parallel_loop3A_305] {strides = array<i32>} : memref<128x64xf32, #tpu.memory_space<vmem>>, vector<16xf32>,
        %parallel_loop3A_307 = arith.subf %parallel_loop3A_306, %parallel_loop3A_290 : vector<16xf32>
        %parallel_loop3A_308 = arith.mulf %parallel_loop3A_307, %parallel_loop3A_291 : vector<16xf32>
        %parallel_loop3A_309 = arith.mulf %parallel_loop3A_308, %get3A_3 : vector<16xf32>
        %parallel_loop3A_310 = arith.addf %parallel_loop3A_309, %get3A_11 : vector<16xf32>
        %parallel_loop3A_311 = arith.constant 0 : i32
        %parallel_loop3A_312 = arith.constant 0 : i32
        %parallel_loop3A_313 = arith.constant 0 : i32
        %parallel_loop3A_314 = tpu.memref_slice %arg13[%parallel_loop3A_185, %parallel_loop3A_311, %parallel_loop3A_312, %parallel_loop3A_313] : memref<2x8x8x128xf32, #tpu.memory_space<vmem>> -> memref<1x8x8x128xf32, #tpu.memory_space<vmem>>
        %parallel_loop3A_315 = tpu.memref_squeeze %parallel_loop3A_314 : memref<1x8x8x128xf32, #tpu.memory_space<vmem>> -> memref<8x8x128xf32, #tpu.memory_space<vmem>>
        tpu.vector_store_idx %parallel_loop3A_315[%shift_right_arithmetic3A_27, %and3A_50, %parallel_loop3A_289], %parallel_loop3A_310 : memref<8x8x128xf32, #tpu.memory_space<vmem>>[vector<16xi32>, vector<16xi32>, vector<16xi32>], vector<16xf32>,
        %parallel_loop3A_316 = arith.index_cast %parallel_loop3A_288 : i32 to index
        %parallel_loop3A_317 = arith.constant 32 : index
        %parallel_loop3A_318 = tpu.vector_load %arg14[%parallel_loop3A_316, %parallel_loop3A_317] {strides = array<i32>} : memref<128x64xf32, #tpu.memory_space<vmem>>, vector<16xf32>,
        %parallel_loop3A_319 = arith.subf %parallel_loop3A_318, %parallel_loop3A_290 : vector<16xf32>
        %parallel_loop3A_320 = arith.mulf %parallel_loop3A_319, %parallel_loop3A_291 : vector<16xf32>
        %parallel_loop3A_321 = arith.mulf %parallel_loop3A_320, %get3A_5 : vector<16xf32>
        %parallel_loop3A_322 = arith.addf %parallel_loop3A_321, %get3A_13 : vector<16xf32>
        %parallel_loop3A_323 = arith.constant 0 : i32
        %parallel_loop3A_324 = arith.constant 0 : i32
        %parallel_loop3A_325 = arith.constant 0 : i32
        %parallel_loop3A_326 = tpu.memref_slice %arg13[%parallel_loop3A_185, %parallel_loop3A_323, %parallel_loop3A_324, %parallel_loop3A_325] : memref<2x8x8x128xf32, #tpu.memory_space<vmem>> -> memref<1x8x8x128xf32, #tpu.memory_space<vmem>>
        %parallel_loop3A_327 = tpu.memref_squeeze %parallel_loop3A_326 : memref<1x8x8x128xf32, #tpu.memory_space<vmem>> -> memref<8x8x128xf32, #tpu.memory_space<vmem>>
        tpu.vector_store_idx %parallel_loop3A_327[%shift_right_arithmetic3A_33, %and3A_56, %parallel_loop3A_289], %parallel_loop3A_322 : memref<8x8x128xf32, #tpu.memory_space<vmem>>[vector<16xi32>, vector<16xi32>, vector<16xi32>], vector<16xf32>,
        %parallel_loop3A_328 = arith.index_cast %parallel_loop3A_288 : i32 to index
        %parallel_loop3A_329 = arith.constant 48 : index
        %parallel_loop3A_330 = tpu.vector_load %arg14[%parallel_loop3A_328, %parallel_loop3A_329] {strides = array<i32>} : memref<128x64xf32, #tpu.memory_space<vmem>>, vector<16xf32>,
        %parallel_loop3A_331 = arith.subf %parallel_loop3A_330, %parallel_loop3A_290 : vector<16xf32>
        %parallel_loop3A_332 = arith.mulf %parallel_loop3A_331, %parallel_loop3A_291 : vector<16xf32>
        %parallel_loop3A_333 = arith.mulf %parallel_loop3A_332, %get3A_7 : vector<16xf32>
        %parallel_loop3A_334 = arith.addf %parallel_loop3A_333, %get3A_15 : vector<16xf32>
        %parallel_loop3A_335 = arith.constant 0 : i32
        %parallel_loop3A_336 = arith.constant 0 : i32
        %parallel_loop3A_337 = arith.constant 0 : i32
        %parallel_loop3A_338 = tpu.memref_slice %arg13[%parallel_loop3A_185, %parallel_loop3A_335, %parallel_loop3A_336, %parallel_loop3A_337] : memref<2x8x8x128xf32, #tpu.memory_space<vmem>> -> memref<1x8x8x128xf32, #tpu.memory_space<vmem>>
        %parallel_loop3A_339 = tpu.memref_squeeze %parallel_loop3A_338 : memref<1x8x8x128xf32, #tpu.memory_space<vmem>> -> memref<8x8x128xf32, #tpu.memory_space<vmem>>
        tpu.vector_store_idx %parallel_loop3A_339[%shift_right_arithmetic3A_39, %and3A_62, %parallel_loop3A_289], %parallel_loop3A_334 : memref<8x8x128xf32, #tpu.memory_space<vmem>>[vector<16xi32>, vector<16xi32>, vector<16xi32>], vector<16xf32>,
      } {sc.loop_unroll_factor = 4 : i64, sc.parallel_access}
      %dma_start3A_186 = arith.constant 0 : i32
      %dma_start3A_187 = arith.constant 0 : i32
      %dma_start3A_188 = arith.constant 0 : i32
      %dma_start3A_189 = arith.constant 0 : i32
      %dma_start3A_190 = tpu.memref_slice %arg13[%dma_start3A_186, %dma_start3A_187, %dma_start3A_188, %dma_start3A_189] : memref<2x8x8x128xf32, #tpu.memory_space<vmem>> -> memref<1x8x8x128xf32, #tpu.memory_space<vmem>>
      %dma_start3A_191 = tpu.memref_squeeze %dma_start3A_190 : memref<1x8x8x128xf32, #tpu.memory_space<vmem>> -> memref<8x8x128xf32, #tpu.memory_space<vmem>>
      %dma_start3A_192 = arith.constant 0 : i32
      %dma_start3A_193 = arith.constant 0 : i32
      %dma_start3A_194 = arith.constant 0 : i32
      %dma_start3A_195 = tpu.memref_slice %arg7[%add3A_146, %dma_start3A_192, %add3A, %dma_start3A_193, %dma_start3A_194] : memref<200x8x32x8x128xf32, #tpu.memory_space<hbm>> -> memref<1x8x1x8x128xf32, #tpu.memory_space<hbm>>
      %dma_start3A_196 = tpu.memref_squeeze %dma_start3A_195 : memref<1x8x1x8x128xf32, #tpu.memory_space<hbm>> -> memref<8x8x128xf32, #tpu.memory_space<hbm>>
      %dma_start3A_197 = arith.constant 0 : i32
      %dma_start3A_198 = arith.constant 0 : i32
      %dma_start3A_199 = arith.constant 0 : i32
      %dma_start3A_200 = tpu.memref_slice %arg7[%add3A_146, %dma_start3A_197, %add3A, %dma_start3A_198, %dma_start3A_199] : memref<200x8x32x8x128xf32, #tpu.memory_space<hbm>> -> memref<1x8x1x8x128xf32, #tpu.memory_space<hbm>>
      %dma_start3A_201 = tpu.memref_squeeze %dma_start3A_200 : memref<1x8x1x8x128xf32, #tpu.memory_space<hbm>> -> memref<8x8x128xf32, #tpu.memory_space<hbm>>
      %dma_start3A_202 = arith.constant 0 : i32
      %dma_start3A_203 = arith.constant 0 : i32
      %dma_start3A_204 = arith.constant 0 : i32
      %dma_start3A_205 = tpu.memref_slice %arg13[%dma_start3A_186, %dma_start3A_202, %dma_start3A_203, %dma_start3A_204] : memref<2x8x8x128xf32, #tpu.memory_space<vmem>> -> memref<1x8x8x128xf32, #tpu.memory_space<vmem>>
      %dma_start3A_206 = tpu.memref_squeeze %dma_start3A_205 : memref<1x8x8x128xf32, #tpu.memory_space<vmem>> -> memref<8x8x128xf32, #tpu.memory_space<vmem>>
      tpu.enqueue_dma source(%dma_start3A_206 : memref<8x8x128xf32, #tpu.memory_space<vmem>>) target(%dma_start3A_201 : memref<8x8x128xf32, #tpu.memory_space<hbm>>) target_semaphore(%arg20 : memref<!tpu.dma_semaphore, #tpu.memory_space<semaphore_mem>>)
      %add3A_207 = arith.constant 2 : i32
      %add3A_208 = arith.addi %add3A_146, %add3A_207 : i32
      %lt3A = arith.constant 200 : i32
      %lt3A_209 = arith.cmpi slt, %add3A_208, %lt3A : i32
      %convert_element_type3A_210 = arith.extui %lt3A_209 : i1 to i32
      %cond3A_211 = arith.constant 0 : i32
      %cond3A_212 = arith.cmpi ne, %convert_element_type3A_210, %cond3A_211 : i32
      scf.if %cond3A_212 {
        %add3A_288 = arith.constant 2 : i32
        %add3A_289 = arith.addi %add3A_146, %add3A_288 : i32
        %div3A_290 = arith.constant 8 : i32
        %div3A_291 = arith.divsi %add3A_289, %div3A_290 : i32
        %rem3A_292 = arith.constant 8 : i32
        %rem3A_293 = arith.remsi %add3A_289, %rem3A_292 : i32
        %dma_start3A_294 = arith.constant 0 : i32
        %dma_start3A_295 = arith.constant 0 : i32
        %dma_start3A_296 = arith.constant 0 : i32
        %dma_start3A_297 = tpu.memref_slice %arg12[%dma_start3A_294, %dma_start3A_295, %dma_start3A_296] : memref<2x128x64xf32, #tpu.memory_space<vmem>> -> memref<1x128x64xf32, #tpu.memory_space<vmem>>
        %dma_start3A_298 = tpu.memref_squeeze %dma_start3A_297 : memref<1x128x64xf32, #tpu.memory_space<vmem>> -> memref<128x64xf32, #tpu.memory_space<vmem>>
        %dma_start3A_299 = arith.constant 0 : i32
        %dma_start3A_300 = tpu.memref_slice %arg8[%div3A_291, %rem3A_293, %dma_start3A_299] : memref<25x8x128xi32, #tpu.memory_space<vmem>> -> memref<1x1x128xi32, #tpu.memory_space<vmem>>
        %dma_start3A_301 = tpu.memref_squeeze %dma_start3A_300 : memref<1x1x128xi32, #tpu.memory_space<vmem>> -> memref<128xi32, #tpu.memory_space<vmem>>
        %dma_start3A_302 = arith.constant 0 : i32
        %dma_start3A_303 = arith.constant 0 : i32
        %dma_start3A_304 = tpu.memref_slice %arg6[%dma_start3A_302, %dma_start3A_303] : memref<1000000x64xf32, #tpu.memory_space<hbm>> -> memref<1000000x64xf32, #tpu.memory_space<hbm>>
        tpu.enqueue_indirect_dma source(%dma_start3A_304 : memref<1000000x64xf32, #tpu.memory_space<hbm>>) target(%dma_start3A_298 : memref<128x64xf32, #tpu.memory_space<vmem>>) offsets(%dma_start3A_301 : memref<128xi32, #tpu.memory_space<vmem>>) semaphore(%arg19 : memref<!tpu.dma_semaphore, #tpu.memory_space<semaphore_mem>>)
      } else {
      }
      %mul3A_213 = arith.constant 2 : i32
      %mul3A_214 = arith.muli %scan3A_142, %mul3A_213 : i32
      %add3A_215 = arith.constant 1 : i32
      %add3A_216 = arith.addi %mul3A_214, %add3A_215 : i32
      %gt3A_217 = arith.constant 0 : i32
      %gt3A_218 = arith.cmpi sgt, %scan3A_142, %gt3A_217 : i32
      %convert_element_type3A_219 = arith.extui %gt3A_218 : i1 to i32
      %cond3A_220 = arith.constant 0 : i32
      %cond3A_221 = arith.cmpi ne, %convert_element_type3A_219, %cond3A_220 : i32
      scf.if %cond3A_221 {
        %sub3A = arith.constant 2 : i32
        %sub3A_288 = arith.subi %add3A_216, %sub3A : i32
        %dma_wait3A_289 = arith.constant 1 : i32
        %dma_wait3A_290 = arith.constant 0 : i32
        %dma_wait3A_291 = arith.constant 0 : i32
        %dma_wait3A_292 = arith.constant 0 : i32
        %dma_wait3A_293 = tpu.memref_slice %arg13[%dma_wait3A_289, %dma_wait3A_290, %dma_wait3A_291, %dma_wait3A_292] : memref<2x8x8x128xf32, #tpu.memory_space<vmem>> -> memref<1x8x8x128xf32, #tpu.memory_space<vmem>>
        %dma_wait3A_294 = tpu.memref_squeeze %dma_wait3A_293 : memref<1x8x8x128xf32, #tpu.memory_space<vmem>> -> memref<8x8x128xf32, #tpu.memory_space<vmem>>
        %dma_wait3A_295 = arith.constant 0 : i32
        %dma_wait3A_296 = arith.constant 0 : i32
        %dma_wait3A_297 = arith.constant 0 : i32
        %dma_wait3A_298 = tpu.memref_slice %arg7[%sub3A_288, %dma_wait3A_295, %add3A, %dma_wait3A_296, %dma_wait3A_297] : memref<200x8x32x8x128xf32, #tpu.memory_space<hbm>> -> memref<1x8x1x8x128xf32, #tpu.memory_space<hbm>>
        %dma_wait3A_299 = tpu.memref_squeeze %dma_wait3A_298 : memref<1x8x1x8x128xf32, #tpu.memory_space<hbm>> -> memref<8x8x128xf32, #tpu.memory_space<hbm>>
        %dma_wait3A_300 = arith.constant 0 : i32
        %dma_wait3A_301 = arith.constant 0 : i32
        %dma_wait3A_302 = arith.constant 0 : i32
        %dma_wait3A_303 = tpu.memref_slice %arg7[%sub3A_288, %dma_wait3A_300, %add3A, %dma_wait3A_301, %dma_wait3A_302] : memref<200x8x32x8x128xf32, #tpu.memory_space<hbm>> -> memref<1x8x1x8x128xf32, #tpu.memory_space<hbm>>
        %dma_wait3A_304 = tpu.memref_squeeze %dma_wait3A_303 : memref<1x8x1x8x128xf32, #tpu.memory_space<hbm>> -> memref<8x8x128xf32, #tpu.memory_space<hbm>>
        %dma_wait3A_305 = arith.constant 0 : i32
        %dma_wait3A_306 = arith.constant 0 : i32
        %dma_wait3A_307 = arith.constant 0 : i32
        %dma_wait3A_308 = tpu.memref_slice %arg13[%dma_wait3A_289, %dma_wait3A_305, %dma_wait3A_306, %dma_wait3A_307] : memref<2x8x8x128xf32, #tpu.memory_space<vmem>> -> memref<1x8x8x128xf32, #tpu.memory_space<vmem>>
        %dma_wait3A_309 = tpu.memref_squeeze %dma_wait3A_308 : memref<1x8x8x128xf32, #tpu.memory_space<vmem>> -> memref<8x8x128xf32, #tpu.memory_space<vmem>>
        tpu.wait_dma2 semaphore(%arg20 : memref<!tpu.dma_semaphore, #tpu.memory_space<semaphore_mem>>) src(%dma_wait3A_309 : memref<8x8x128xf32, #tpu.memory_space<vmem>>) dst(%dma_wait3A_304 : memref<8x8x128xf32, #tpu.memory_space<hbm>>)
      } else {
      }
      %div3A_222 = arith.constant 8 : i32
      %div3A_223 = arith.divsi %add3A_216, %div3A_222 : i32
      %rem3A_224 = arith.constant 8 : i32
      %rem3A_225 = arith.remsi %add3A_216, %rem3A_224 : i32
      %dma_wait3A_226 = arith.constant 1 : i32
      %dma_wait3A_227 = arith.constant 0 : i32
      %dma_wait3A_228 = arith.constant 0 : i32
      %dma_wait3A_229 = tpu.memref_slice %arg12[%dma_wait3A_226, %dma_wait3A_227, %dma_wait3A_228] : memref<2x128x64xf32, #tpu.memory_space<vmem>> -> memref<1x128x64xf32, #tpu.memory_space<vmem>>
      %dma_wait3A_230 = tpu.memref_squeeze %dma_wait3A_229 : memref<1x128x64xf32, #tpu.memory_space<vmem>> -> memref<128x64xf32, #tpu.memory_space<vmem>>
      %dma_wait3A_231 = arith.constant 0 : i32
      %dma_wait3A_232 = tpu.memref_slice %arg8[%div3A_223, %rem3A_225, %dma_wait3A_231] : memref<25x8x128xi32, #tpu.memory_space<vmem>> -> memref<1x1x128xi32, #tpu.memory_space<vmem>>
      %dma_wait3A_233 = tpu.memref_squeeze %dma_wait3A_232 : memref<1x1x128xi32, #tpu.memory_space<vmem>> -> memref<128xi32, #tpu.memory_space<vmem>>
      %dma_wait3A_234 = arith.constant 0 : i32
      %dma_wait3A_235 = arith.constant 0 : i32
      %dma_wait3A_236 = tpu.memref_slice %arg6[%dma_wait3A_234, %dma_wait3A_235] : memref<1000000x64xf32, #tpu.memory_space<hbm>> -> memref<1000000x64xf32, #tpu.memory_space<hbm>>
      tpu.wait_indirect_dma semaphore(%arg19 : memref<!tpu.dma_semaphore, #tpu.memory_space<semaphore_mem>>) src(%dma_wait3A_236 : memref<1000000x64xf32, #tpu.memory_space<hbm>>) dst(%dma_wait3A_230 : memref<128x64xf32, #tpu.memory_space<vmem>>)
      %get3A_237 = arith.index_cast %add3A_216 : i32 to index
      %get3A_238 = arith.constant 0 : index
      %get3A_239 = tpu.vector_load %arg9[%get3A_237, %get3A_238] {strides = array<i32>} : memref<200x64xf32, #tpu.memory_space<vmem>>, vector<16xf32>,
      %get3A_240 = arith.index_cast %add3A_216 : i32 to index
      %get3A_241 = arith.constant 16 : index
      %get3A_242 = tpu.vector_load %arg9[%get3A_240, %get3A_241] {strides = array<i32>} : memref<200x64xf32, #tpu.memory_space<vmem>>, vector<16xf32>,
      %get3A_243 = arith.index_cast %add3A_216 : i32 to index
      %get3A_244 = arith.constant 32 : index
      %get3A_245 = tpu.vector_load %arg9[%get3A_243, %get3A_244] {strides = array<i32>} : memref<200x64xf32, #tpu.memory_space<vmem>>, vector<16xf32>,
      %get3A_246 = arith.index_cast %add3A_216 : i32 to index
      %get3A_247 = arith.constant 48 : index
      %get3A_248 = tpu.vector_load %arg9[%get3A_246, %get3A_247] {strides = array<i32>} : memref<200x64xf32, #tpu.memory_space<vmem>>, vector<16xf32>,
      %parallel_loop3A_249 = arith.constant 0 : i32
      %parallel_loop3A_250 = arith.constant 128 : i32
      %parallel_loop3A_251 = arith.constant 1 : i32
      %parallel_loop3A_252 = arith.constant 1 : i32
      scf.for %parallel_loop3A_288 = %parallel_loop3A_249 to %parallel_loop3A_250 step %parallel_loop3A_251  : i32 {
        %parallel_loop3A_289 = arith.constant 0 : i32
        %parallel_loop3A_290 = arith.constant 0 : i32
        %parallel_loop3A_291 = tpu.memref_slice %arg12[%parallel_loop3A_252, %parallel_loop3A_289, %parallel_loop3A_290] : memref<2x128x64xf32, #tpu.memory_space<vmem>> -> memref<1x128x64xf32, #tpu.memory_space<vmem>>
        %parallel_loop3A_292 = tpu.memref_squeeze %parallel_loop3A_291 : memref<1x128x64xf32, #tpu.memory_space<vmem>> -> memref<128x64xf32, #tpu.memory_space<vmem>>
        %parallel_loop3A_293 = arith.index_cast %parallel_loop3A_288 : i32 to index
        %parallel_loop3A_294 = arith.constant 0 : index
        %parallel_loop3A_295 = tpu.vector_load %parallel_loop3A_292[%parallel_loop3A_293, %parallel_loop3A_294] {strides = array<i32>} : memref<128x64xf32, #tpu.memory_space<vmem>>, vector<16xf32>,
        %parallel_loop3A_296 = arith.addf %parallel_loop3A_295, %get3A_239 : vector<16xf32>
        %parallel_loop3A_297 = arith.constant 0 : i32
        %parallel_loop3A_298 = arith.constant 0 : i32
        %parallel_loop3A_299 = tpu.memref_slice %arg12[%parallel_loop3A_252, %parallel_loop3A_297, %parallel_loop3A_298] : memref<2x128x64xf32, #tpu.memory_space<vmem>> -> memref<1x128x64xf32, #tpu.memory_space<vmem>>
        %parallel_loop3A_300 = tpu.memref_squeeze %parallel_loop3A_299 : memref<1x128x64xf32, #tpu.memory_space<vmem>> -> memref<128x64xf32, #tpu.memory_space<vmem>>
        %parallel_loop3A_301 = arith.index_cast %parallel_loop3A_288 : i32 to index
        %parallel_loop3A_302 = arith.constant 16 : index
        %parallel_loop3A_303 = tpu.vector_load %parallel_loop3A_300[%parallel_loop3A_301, %parallel_loop3A_302] {strides = array<i32>} : memref<128x64xf32, #tpu.memory_space<vmem>>, vector<16xf32>,
        %parallel_loop3A_304 = arith.addf %parallel_loop3A_303, %get3A_242 : vector<16xf32>
        %parallel_loop3A_305 = arith.constant 0 : i32
        %parallel_loop3A_306 = arith.constant 0 : i32
        %parallel_loop3A_307 = tpu.memref_slice %arg12[%parallel_loop3A_252, %parallel_loop3A_305, %parallel_loop3A_306] : memref<2x128x64xf32, #tpu.memory_space<vmem>> -> memref<1x128x64xf32, #tpu.memory_space<vmem>>
        %parallel_loop3A_308 = tpu.memref_squeeze %parallel_loop3A_307 : memref<1x128x64xf32, #tpu.memory_space<vmem>> -> memref<128x64xf32, #tpu.memory_space<vmem>>
        %parallel_loop3A_309 = arith.index_cast %parallel_loop3A_288 : i32 to index
        %parallel_loop3A_310 = arith.constant 32 : index
        %parallel_loop3A_311 = tpu.vector_load %parallel_loop3A_308[%parallel_loop3A_309, %parallel_loop3A_310] {strides = array<i32>} : memref<128x64xf32, #tpu.memory_space<vmem>>, vector<16xf32>,
        %parallel_loop3A_312 = arith.addf %parallel_loop3A_311, %get3A_245 : vector<16xf32>
        %parallel_loop3A_313 = arith.constant 0 : i32
        %parallel_loop3A_314 = arith.constant 0 : i32
        %parallel_loop3A_315 = tpu.memref_slice %arg12[%parallel_loop3A_252, %parallel_loop3A_313, %parallel_loop3A_314] : memref<2x128x64xf32, #tpu.memory_space<vmem>> -> memref<1x128x64xf32, #tpu.memory_space<vmem>>
        %parallel_loop3A_316 = tpu.memref_squeeze %parallel_loop3A_315 : memref<1x128x64xf32, #tpu.memory_space<vmem>> -> memref<128x64xf32, #tpu.memory_space<vmem>>
        %parallel_loop3A_317 = arith.index_cast %parallel_loop3A_288 : i32 to index
        %parallel_loop3A_318 = arith.constant 48 : index
        %parallel_loop3A_319 = tpu.vector_load %parallel_loop3A_316[%parallel_loop3A_317, %parallel_loop3A_318] {strides = array<i32>} : memref<128x64xf32, #tpu.memory_space<vmem>>, vector<16xf32>,
        %parallel_loop3A_320 = arith.addf %parallel_loop3A_319, %get3A_248 : vector<16xf32>
        %parallel_loop3A_321 = arith.index_cast %parallel_loop3A_288 : i32 to index
        %parallel_loop3A_322 = arith.constant 0 : index
        %parallel_loop3A_323 = tpu.vector_load %arg14[%parallel_loop3A_321, %parallel_loop3A_322] {strides = array<i32>} : memref<128x64xf32, #tpu.memory_space<vmem>>, vector<16xf32>,
        tpu.vector_store %arg14[%parallel_loop3A_321, %parallel_loop3A_322], %parallel_loop3A_296 {strides = array<i32>} : memref<128x64xf32, #tpu.memory_space<vmem>>, vector<16xf32>,
        %parallel_loop3A_324 = arith.index_cast %parallel_loop3A_288 : i32 to index
        %parallel_loop3A_325 = arith.constant 16 : index
        %parallel_loop3A_326 = tpu.vector_load %arg14[%parallel_loop3A_324, %parallel_loop3A_325] {strides = array<i32>} : memref<128x64xf32, #tpu.memory_space<vmem>>, vector<16xf32>,
        tpu.vector_store %arg14[%parallel_loop3A_324, %parallel_loop3A_325], %parallel_loop3A_304 {strides = array<i32>} : memref<128x64xf32, #tpu.memory_space<vmem>>, vector<16xf32>,
        %parallel_loop3A_327 = arith.index_cast %parallel_loop3A_288 : i32 to index
        %parallel_loop3A_328 = arith.constant 32 : index
        %parallel_loop3A_329 = tpu.vector_load %arg14[%parallel_loop3A_327, %parallel_loop3A_328] {strides = array<i32>} : memref<128x64xf32, #tpu.memory_space<vmem>>, vector<16xf32>,
        tpu.vector_store %arg14[%parallel_loop3A_327, %parallel_loop3A_328], %parallel_loop3A_312 {strides = array<i32>} : memref<128x64xf32, #tpu.memory_space<vmem>>, vector<16xf32>,
        %parallel_loop3A_330 = arith.index_cast %parallel_loop3A_288 : i32 to index
        %parallel_loop3A_331 = arith.constant 48 : index
        %parallel_loop3A_332 = tpu.vector_load %arg14[%parallel_loop3A_330, %parallel_loop3A_331] {strides = array<i32>} : memref<128x64xf32, #tpu.memory_space<vmem>>, vector<16xf32>,
        tpu.vector_store %arg14[%parallel_loop3A_330, %parallel_loop3A_331], %parallel_loop3A_320 {strides = array<i32>} : memref<128x64xf32, #tpu.memory_space<vmem>>, vector<16xf32>,
        %parallel_loop3A_333 = arith.addf %parallel_loop3A_296, %parallel_loop3A_304 : vector<16xf32>
        %parallel_loop3A_334 = arith.addf %parallel_loop3A_312, %parallel_loop3A_320 : vector<16xf32>
        %parallel_loop3A_335 = arith.addf %parallel_loop3A_333, %parallel_loop3A_334 : vector<16xf32>
        %parallel_loop3A_336 = arith.mulf %parallel_loop3A_296, %parallel_loop3A_296 : vector<16xf32>
        %parallel_loop3A_337 = arith.mulf %parallel_loop3A_304, %parallel_loop3A_304 : vector<16xf32>
        %parallel_loop3A_338 = arith.addf %parallel_loop3A_336, %parallel_loop3A_337 : vector<16xf32>
        %parallel_loop3A_339 = arith.mulf %parallel_loop3A_312, %parallel_loop3A_312 : vector<16xf32>
        %parallel_loop3A_340 = arith.mulf %parallel_loop3A_320, %parallel_loop3A_320 : vector<16xf32>
        %parallel_loop3A_341 = arith.addf %parallel_loop3A_339, %parallel_loop3A_340 : vector<16xf32>
        %parallel_loop3A_342 = arith.addf %parallel_loop3A_338, %parallel_loop3A_341 : vector<16xf32>
        %parallel_loop3A_343 = arith.constant true
        %parallel_loop3A_344 = vector.broadcast %parallel_loop3A_343 : i1 to vector<16xi1>
        %parallel_loop3A_345 = tpu.scan <sum>, %parallel_loop3A_335 masked %parallel_loop3A_344 : vector<16xf32>, vector<16xi1> -> vector<16xf32>
        %parallel_loop3A_346 = arith.index_cast %parallel_loop3A_288 : i32 to index
        %parallel_loop3A_347 = arith.constant 0 : index
        %parallel_loop3A_348 = tpu.vector_load %arg15[%parallel_loop3A_346, %parallel_loop3A_347] {strides = array<i32>} : memref<128x16xf32, #tpu.memory_space<vmem>>, vector<16xf32>,
        tpu.vector_store %arg15[%parallel_loop3A_346, %parallel_loop3A_347], %parallel_loop3A_345 {strides = array<i32>} : memref<128x16xf32, #tpu.memory_space<vmem>>, vector<16xf32>,
        %parallel_loop3A_349 = arith.constant true
        %parallel_loop3A_350 = vector.broadcast %parallel_loop3A_349 : i1 to vector<16xi1>
        %parallel_loop3A_351 = tpu.scan <sum>, %parallel_loop3A_342 masked %parallel_loop3A_350 : vector<16xf32>, vector<16xi1> -> vector<16xf32>
        %parallel_loop3A_352 = arith.index_cast %parallel_loop3A_288 : i32 to index
        %parallel_loop3A_353 = arith.constant 0 : index
        %parallel_loop3A_354 = tpu.vector_load %arg16[%parallel_loop3A_352, %parallel_loop3A_353] {strides = array<i32>} : memref<128x16xf32, #tpu.memory_space<vmem>>, vector<16xf32>,
        tpu.vector_store %arg16[%parallel_loop3A_352, %parallel_loop3A_353], %parallel_loop3A_351 {strides = array<i32>} : memref<128x16xf32, #tpu.memory_space<vmem>>, vector<16xf32>,
      } {sc.loop_unroll_factor = 4 : i64, sc.parallel_access}
      %parallel_loop3A_253 = arith.constant 0 : i32
      %parallel_loop3A_254 = arith.constant 8 : i32
      %parallel_loop3A_255 = arith.constant 1 : i32
      scf.for %parallel_loop3A_288 = %parallel_loop3A_253 to %parallel_loop3A_254 step %parallel_loop3A_255  : i32 {
        %parallel_loop3A_289 = arith.constant 16 : i32
        %parallel_loop3A_290 = arith.muli %parallel_loop3A_288, %parallel_loop3A_289 : i32
        %parallel_loop3A_291 = vector.broadcast %parallel_loop3A_290 : i32 to vector<16xi32>
        %parallel_loop3A_292 = arith.addi %parallel_loop3A_291, %iota3A : vector<16xi32>
        %parallel_loop3A_293 = tpu.vector_load_idx %arg15[%parallel_loop3A_292, %broadcast_in_dim3A_16] : memref<128x16xf32, #tpu.memory_space<vmem>>[vector<16xi32>, vector<16xi32>], vector<16xf32>,
        %parallel_loop3A_294 = tpu.vector_load_idx %arg16[%parallel_loop3A_292, %broadcast_in_dim3A_16] : memref<128x16xf32, #tpu.memory_space<vmem>>[vector<16xi32>, vector<16xi32>], vector<16xf32>,
        %parallel_loop3A_295 = arith.constant 1.562500e-02 : f32
        %parallel_loop3A_296 = vector.broadcast %parallel_loop3A_295 : f32 to vector<16xf32>
        %parallel_loop3A_297 = arith.mulf %parallel_loop3A_293, %parallel_loop3A_296 : vector<16xf32>
        %parallel_loop3A_298 = arith.constant 1.562500e-02 : f32
        %parallel_loop3A_299 = vector.broadcast %parallel_loop3A_298 : f32 to vector<16xf32>
        %parallel_loop3A_300 = arith.mulf %parallel_loop3A_294, %parallel_loop3A_299 : vector<16xf32>
        %parallel_loop3A_301 = arith.mulf %parallel_loop3A_297, %parallel_loop3A_297 : vector<16xf32>
        %parallel_loop3A_302 = arith.subf %parallel_loop3A_300, %parallel_loop3A_301 : vector<16xf32>
        %parallel_loop3A_303 = arith.constant 1.000000e-03 : f32
        %parallel_loop3A_304 = vector.broadcast %parallel_loop3A_303 : f32 to vector<16xf32>
        %parallel_loop3A_305 = arith.addf %parallel_loop3A_302, %parallel_loop3A_304 : vector<16xf32>
        %parallel_loop3A_306 = vector.bitcast %parallel_loop3A_305 : vector<16xf32> to vector<16xi32>
        %parallel_loop3A_307 = arith.constant 1 : i32
        %parallel_loop3A_308 = vector.broadcast %parallel_loop3A_307 : i32 to vector<16xi32>
        %parallel_loop3A_309 = arith.shrsi %parallel_loop3A_306, %parallel_loop3A_308 : vector<16xi32>
        %parallel_loop3A_310 = arith.constant 1597463007 : i32
        %parallel_loop3A_311 = vector.broadcast %parallel_loop3A_310 : i32 to vector<16xi32>
        %parallel_loop3A_312 = arith.subi %parallel_loop3A_311, %parallel_loop3A_309 : vector<16xi32>
        %parallel_loop3A_313 = vector.bitcast %parallel_loop3A_312 : vector<16xi32> to vector<16xf32>
        %parallel_loop3A_314 = arith.constant 5.000000e-01 : f32
        %parallel_loop3A_315 = vector.broadcast %parallel_loop3A_314 : f32 to vector<16xf32>
        %parallel_loop3A_316 = arith.mulf %parallel_loop3A_315, %parallel_loop3A_305 : vector<16xf32>
        %parallel_loop3A_317 = arith.mulf %parallel_loop3A_316, %parallel_loop3A_313 : vector<16xf32>
        %parallel_loop3A_318 = arith.mulf %parallel_loop3A_317, %parallel_loop3A_313 : vector<16xf32>
        %parallel_loop3A_319 = arith.constant 1.500000e+00 : f32
        %parallel_loop3A_320 = vector.broadcast %parallel_loop3A_319 : f32 to vector<16xf32>
        %parallel_loop3A_321 = arith.subf %parallel_loop3A_320, %parallel_loop3A_318 : vector<16xf32>
        %parallel_loop3A_322 = arith.mulf %parallel_loop3A_313, %parallel_loop3A_321 : vector<16xf32>
        %parallel_loop3A_323 = arith.mulf %parallel_loop3A_316, %parallel_loop3A_322 : vector<16xf32>
        %parallel_loop3A_324 = arith.mulf %parallel_loop3A_323, %parallel_loop3A_322 : vector<16xf32>
        %parallel_loop3A_325 = arith.constant 1.500000e+00 : f32
        %parallel_loop3A_326 = vector.broadcast %parallel_loop3A_325 : f32 to vector<16xf32>
        %parallel_loop3A_327 = arith.subf %parallel_loop3A_326, %parallel_loop3A_324 : vector<16xf32>
        %parallel_loop3A_328 = arith.mulf %parallel_loop3A_322, %parallel_loop3A_327 : vector<16xf32>
        %parallel_loop3A_329 = arith.index_cast %parallel_loop3A_290 : i32 to index
        %parallel_loop3A_330 = tpu.vector_load %arg17[%parallel_loop3A_329] {strides = array<i32>} : memref<128xf32, #tpu.memory_space<vmem>>, vector<16xf32>,
        tpu.vector_store %arg17[%parallel_loop3A_329], %parallel_loop3A_297 {strides = array<i32>} : memref<128xf32, #tpu.memory_space<vmem>>, vector<16xf32>,
        %parallel_loop3A_331 = arith.index_cast %parallel_loop3A_290 : i32 to index
        %parallel_loop3A_332 = tpu.vector_load %arg18[%parallel_loop3A_331] {strides = array<i32>} : memref<128xf32, #tpu.memory_space<vmem>>, vector<16xf32>,
        tpu.vector_store %arg18[%parallel_loop3A_331], %parallel_loop3A_328 {strides = array<i32>} : memref<128xf32, #tpu.memory_space<vmem>>, vector<16xf32>,
      } {sc.loop_unroll_factor = 2 : i64, sc.parallel_access}
      %parallel_loop3A_256 = arith.constant 0 : i32
      %parallel_loop3A_257 = arith.constant 128 : i32
      %parallel_loop3A_258 = arith.constant 1 : i32
      %parallel_loop3A_259 = arith.constant 1 : i32
      scf.for %parallel_loop3A_288 = %parallel_loop3A_256 to %parallel_loop3A_257 step %parallel_loop3A_258  : i32 {
        %parallel_loop3A_289 = vector.broadcast %parallel_loop3A_288 : i32 to vector<16xi32>
        %parallel_loop3A_290 = tpu.vector_load_idx %arg17[%parallel_loop3A_289] : memref<128xf32, #tpu.memory_space<vmem>>[vector<16xi32>], vector<16xf32>,
        %parallel_loop3A_291 = tpu.vector_load_idx %arg18[%parallel_loop3A_289] : memref<128xf32, #tpu.memory_space<vmem>>[vector<16xi32>], vector<16xf32>,
        %parallel_loop3A_292 = arith.index_cast %parallel_loop3A_288 : i32 to index
        %parallel_loop3A_293 = arith.constant 0 : index
        %parallel_loop3A_294 = tpu.vector_load %arg14[%parallel_loop3A_292, %parallel_loop3A_293] {strides = array<i32>} : memref<128x64xf32, #tpu.memory_space<vmem>>, vector<16xf32>,
        %parallel_loop3A_295 = arith.subf %parallel_loop3A_294, %parallel_loop3A_290 : vector<16xf32>
        %parallel_loop3A_296 = arith.mulf %parallel_loop3A_295, %parallel_loop3A_291 : vector<16xf32>
        %parallel_loop3A_297 = arith.mulf %parallel_loop3A_296, %get3A_1 : vector<16xf32>
        %parallel_loop3A_298 = arith.addf %parallel_loop3A_297, %get3A_9 : vector<16xf32>
        %parallel_loop3A_299 = arith.constant 0 : i32
        %parallel_loop3A_300 = arith.constant 0 : i32
        %parallel_loop3A_301 = arith.constant 0 : i32
        %parallel_loop3A_302 = tpu.memref_slice %arg13[%parallel_loop3A_259, %parallel_loop3A_299, %parallel_loop3A_300, %parallel_loop3A_301] : memref<2x8x8x128xf32, #tpu.memory_space<vmem>> -> memref<1x8x8x128xf32, #tpu.memory_space<vmem>>
        %parallel_loop3A_303 = tpu.memref_squeeze %parallel_loop3A_302 : memref<1x8x8x128xf32, #tpu.memory_space<vmem>> -> memref<8x8x128xf32, #tpu.memory_space<vmem>>
        tpu.vector_store_idx %parallel_loop3A_303[%shift_right_arithmetic3A_21, %and3A_44, %parallel_loop3A_289], %parallel_loop3A_298 : memref<8x8x128xf32, #tpu.memory_space<vmem>>[vector<16xi32>, vector<16xi32>, vector<16xi32>], vector<16xf32>,
        %parallel_loop3A_304 = arith.index_cast %parallel_loop3A_288 : i32 to index
        %parallel_loop3A_305 = arith.constant 16 : index
        %parallel_loop3A_306 = tpu.vector_load %arg14[%parallel_loop3A_304, %parallel_loop3A_305] {strides = array<i32>} : memref<128x64xf32, #tpu.memory_space<vmem>>, vector<16xf32>,
        %parallel_loop3A_307 = arith.subf %parallel_loop3A_306, %parallel_loop3A_290 : vector<16xf32>
        %parallel_loop3A_308 = arith.mulf %parallel_loop3A_307, %parallel_loop3A_291 : vector<16xf32>
        %parallel_loop3A_309 = arith.mulf %parallel_loop3A_308, %get3A_3 : vector<16xf32>
        %parallel_loop3A_310 = arith.addf %parallel_loop3A_309, %get3A_11 : vector<16xf32>
        %parallel_loop3A_311 = arith.constant 0 : i32
        %parallel_loop3A_312 = arith.constant 0 : i32
        %parallel_loop3A_313 = arith.constant 0 : i32
        %parallel_loop3A_314 = tpu.memref_slice %arg13[%parallel_loop3A_259, %parallel_loop3A_311, %parallel_loop3A_312, %parallel_loop3A_313] : memref<2x8x8x128xf32, #tpu.memory_space<vmem>> -> memref<1x8x8x128xf32, #tpu.memory_space<vmem>>
        %parallel_loop3A_315 = tpu.memref_squeeze %parallel_loop3A_314 : memref<1x8x8x128xf32, #tpu.memory_space<vmem>> -> memref<8x8x128xf32, #tpu.memory_space<vmem>>
        tpu.vector_store_idx %parallel_loop3A_315[%shift_right_arithmetic3A_27, %and3A_50, %parallel_loop3A_289], %parallel_loop3A_310 : memref<8x8x128xf32, #tpu.memory_space<vmem>>[vector<16xi32>, vector<16xi32>, vector<16xi32>], vector<16xf32>,
        %parallel_loop3A_316 = arith.index_cast %parallel_loop3A_288 : i32 to index
        %parallel_loop3A_317 = arith.constant 32 : index
        %parallel_loop3A_318 = tpu.vector_load %arg14[%parallel_loop3A_316, %parallel_loop3A_317] {strides = array<i32>} : memref<128x64xf32, #tpu.memory_space<vmem>>, vector<16xf32>,
        %parallel_loop3A_319 = arith.subf %parallel_loop3A_318, %parallel_loop3A_290 : vector<16xf32>
        %parallel_loop3A_320 = arith.mulf %parallel_loop3A_319, %parallel_loop3A_291 : vector<16xf32>
        %parallel_loop3A_321 = arith.mulf %parallel_loop3A_320, %get3A_5 : vector<16xf32>
        %parallel_loop3A_322 = arith.addf %parallel_loop3A_321, %get3A_13 : vector<16xf32>
        %parallel_loop3A_323 = arith.constant 0 : i32
        %parallel_loop3A_324 = arith.constant 0 : i32
        %parallel_loop3A_325 = arith.constant 0 : i32
        %parallel_loop3A_326 = tpu.memref_slice %arg13[%parallel_loop3A_259, %parallel_loop3A_323, %parallel_loop3A_324, %parallel_loop3A_325] : memref<2x8x8x128xf32, #tpu.memory_space<vmem>> -> memref<1x8x8x128xf32, #tpu.memory_space<vmem>>
        %parallel_loop3A_327 = tpu.memref_squeeze %parallel_loop3A_326 : memref<1x8x8x128xf32, #tpu.memory_space<vmem>> -> memref<8x8x128xf32, #tpu.memory_space<vmem>>
        tpu.vector_store_idx %parallel_loop3A_327[%shift_right_arithmetic3A_33, %and3A_56, %parallel_loop3A_289], %parallel_loop3A_322 : memref<8x8x128xf32, #tpu.memory_space<vmem>>[vector<16xi32>, vector<16xi32>, vector<16xi32>], vector<16xf32>,
        %parallel_loop3A_328 = arith.index_cast %parallel_loop3A_288 : i32 to index
        %parallel_loop3A_329 = arith.constant 48 : index
        %parallel_loop3A_330 = tpu.vector_load %arg14[%parallel_loop3A_328, %parallel_loop3A_329] {strides = array<i32>} : memref<128x64xf32, #tpu.memory_space<vmem>>, vector<16xf32>,
        %parallel_loop3A_331 = arith.subf %parallel_loop3A_330, %parallel_loop3A_290 : vector<16xf32>
        %parallel_loop3A_332 = arith.mulf %parallel_loop3A_331, %parallel_loop3A_291 : vector<16xf32>
        %parallel_loop3A_333 = arith.mulf %parallel_loop3A_332, %get3A_7 : vector<16xf32>
        %parallel_loop3A_334 = arith.addf %parallel_loop3A_333, %get3A_15 : vector<16xf32>
        %parallel_loop3A_335 = arith.constant 0 : i32
        %parallel_loop3A_336 = arith.constant 0 : i32
        %parallel_loop3A_337 = arith.constant 0 : i32
        %parallel_loop3A_338 = tpu.memref_slice %arg13[%parallel_loop3A_259, %parallel_loop3A_335, %parallel_loop3A_336, %parallel_loop3A_337] : memref<2x8x8x128xf32, #tpu.memory_space<vmem>> -> memref<1x8x8x128xf32, #tpu.memory_space<vmem>>
        %parallel_loop3A_339 = tpu.memref_squeeze %parallel_loop3A_338 : memref<1x8x8x128xf32, #tpu.memory_space<vmem>> -> memref<8x8x128xf32, #tpu.memory_space<vmem>>
        tpu.vector_store_idx %parallel_loop3A_339[%shift_right_arithmetic3A_39, %and3A_62, %parallel_loop3A_289], %parallel_loop3A_334 : memref<8x8x128xf32, #tpu.memory_space<vmem>>[vector<16xi32>, vector<16xi32>, vector<16xi32>], vector<16xf32>,
      } {sc.loop_unroll_factor = 4 : i64, sc.parallel_access}
      %dma_start3A_260 = arith.constant 1 : i32
      %dma_start3A_261 = arith.constant 0 : i32
      %dma_start3A_262 = arith.constant 0 : i32
      %dma_start3A_263 = arith.constant 0 : i32
      %dma_start3A_264 = tpu.memref_slice %arg13[%dma_start3A_260, %dma_start3A_261, %dma_start3A_262, %dma_start3A_263] : memref<2x8x8x128xf32, #tpu.memory_space<vmem>> -> memref<1x8x8x128xf32, #tpu.memory_space<vmem>>
      %dma_start3A_265 = tpu.memref_squeeze %dma_start3A_264 : memref<1x8x8x128xf32, #tpu.memory_space<vmem>> -> memref<8x8x128xf32, #tpu.memory_space<vmem>>
      %dma_start3A_266 = arith.constant 0 : i32
      %dma_start3A_267 = arith.constant 0 : i32
      %dma_start3A_268 = arith.constant 0 : i32
      %dma_start3A_269 = tpu.memref_slice %arg7[%add3A_216, %dma_start3A_266, %add3A, %dma_start3A_267, %dma_start3A_268] : memref<200x8x32x8x128xf32, #tpu.memory_space<hbm>> -> memref<1x8x1x8x128xf32, #tpu.memory_space<hbm>>
      %dma_start3A_270 = tpu.memref_squeeze %dma_start3A_269 : memref<1x8x1x8x128xf32, #tpu.memory_space<hbm>> -> memref<8x8x128xf32, #tpu.memory_space<hbm>>
      %dma_start3A_271 = arith.constant 0 : i32
      %dma_start3A_272 = arith.constant 0 : i32
      %dma_start3A_273 = arith.constant 0 : i32
      %dma_start3A_274 = tpu.memref_slice %arg7[%add3A_216, %dma_start3A_271, %add3A, %dma_start3A_272, %dma_start3A_273] : memref<200x8x32x8x128xf32, #tpu.memory_space<hbm>> -> memref<1x8x1x8x128xf32, #tpu.memory_space<hbm>>
      %dma_start3A_275 = tpu.memref_squeeze %dma_start3A_274 : memref<1x8x1x8x128xf32, #tpu.memory_space<hbm>> -> memref<8x8x128xf32, #tpu.memory_space<hbm>>
      %dma_start3A_276 = arith.constant 0 : i32
      %dma_start3A_277 = arith.constant 0 : i32
      %dma_start3A_278 = arith.constant 0 : i32
      %dma_start3A_279 = tpu.memref_slice %arg13[%dma_start3A_260, %dma_start3A_276, %dma_start3A_277, %dma_start3A_278] : memref<2x8x8x128xf32, #tpu.memory_space<vmem>> -> memref<1x8x8x128xf32, #tpu.memory_space<vmem>>
      %dma_start3A_280 = tpu.memref_squeeze %dma_start3A_279 : memref<1x8x8x128xf32, #tpu.memory_space<vmem>> -> memref<8x8x128xf32, #tpu.memory_space<vmem>>
      tpu.enqueue_dma source(%dma_start3A_280 : memref<8x8x128xf32, #tpu.memory_space<vmem>>) target(%dma_start3A_275 : memref<8x8x128xf32, #tpu.memory_space<hbm>>) target_semaphore(%arg20 : memref<!tpu.dma_semaphore, #tpu.memory_space<semaphore_mem>>)
      %add3A_281 = arith.constant 2 : i32
      %add3A_282 = arith.addi %add3A_216, %add3A_281 : i32
      %lt3A_283 = arith.constant 200 : i32
      %lt3A_284 = arith.cmpi slt, %add3A_282, %lt3A_283 : i32
      %convert_element_type3A_285 = arith.extui %lt3A_284 : i1 to i32
      %cond3A_286 = arith.constant 0 : i32
      %cond3A_287 = arith.cmpi ne, %convert_element_type3A_285, %cond3A_286 : i32
      scf.if %cond3A_287 {
        %add3A_288 = arith.constant 2 : i32
        %add3A_289 = arith.addi %add3A_216, %add3A_288 : i32
        %div3A_290 = arith.constant 8 : i32
        %div3A_291 = arith.divsi %add3A_289, %div3A_290 : i32
        %rem3A_292 = arith.constant 8 : i32
        %rem3A_293 = arith.remsi %add3A_289, %rem3A_292 : i32
        %dma_start3A_294 = arith.constant 1 : i32
        %dma_start3A_295 = arith.constant 0 : i32
        %dma_start3A_296 = arith.constant 0 : i32
        %dma_start3A_297 = tpu.memref_slice %arg12[%dma_start3A_294, %dma_start3A_295, %dma_start3A_296] : memref<2x128x64xf32, #tpu.memory_space<vmem>> -> memref<1x128x64xf32, #tpu.memory_space<vmem>>
        %dma_start3A_298 = tpu.memref_squeeze %dma_start3A_297 : memref<1x128x64xf32, #tpu.memory_space<vmem>> -> memref<128x64xf32, #tpu.memory_space<vmem>>
        %dma_start3A_299 = arith.constant 0 : i32
        %dma_start3A_300 = tpu.memref_slice %arg8[%div3A_291, %rem3A_293, %dma_start3A_299] : memref<25x8x128xi32, #tpu.memory_space<vmem>> -> memref<1x1x128xi32, #tpu.memory_space<vmem>>
        %dma_start3A_301 = tpu.memref_squeeze %dma_start3A_300 : memref<1x1x128xi32, #tpu.memory_space<vmem>> -> memref<128xi32, #tpu.memory_space<vmem>>
        %dma_start3A_302 = arith.constant 0 : i32
        %dma_start3A_303 = arith.constant 0 : i32
        %dma_start3A_304 = tpu.memref_slice %arg6[%dma_start3A_302, %dma_start3A_303] : memref<1000000x64xf32, #tpu.memory_space<hbm>> -> memref<1000000x64xf32, #tpu.memory_space<hbm>>
        tpu.enqueue_indirect_dma source(%dma_start3A_304 : memref<1000000x64xf32, #tpu.memory_space<hbm>>) target(%dma_start3A_298 : memref<128x64xf32, #tpu.memory_space<vmem>>) offsets(%dma_start3A_301 : memref<128xi32, #tpu.memory_space<vmem>>) semaphore(%arg19 : memref<!tpu.dma_semaphore, #tpu.memory_space<semaphore_mem>>)
      } else {
      }
    }
    %scan3A_98 = arith.constant 100 : i32
    %dma_wait3A = arith.constant 0 : i32
    %dma_wait3A_99 = arith.constant 198 : i32
    %dma_wait3A_100 = arith.constant 0 : i32
    %dma_wait3A_101 = arith.constant 0 : i32
    %dma_wait3A_102 = arith.constant 0 : i32
    %dma_wait3A_103 = tpu.memref_slice %arg13[%dma_wait3A, %dma_wait3A_100, %dma_wait3A_101, %dma_wait3A_102] : memref<2x8x8x128xf32, #tpu.memory_space<vmem>> -> memref<1x8x8x128xf32, #tpu.memory_space<vmem>>
    %dma_wait3A_104 = tpu.memref_squeeze %dma_wait3A_103 : memref<1x8x8x128xf32, #tpu.memory_space<vmem>> -> memref<8x8x128xf32, #tpu.memory_space<vmem>>
    %dma_wait3A_105 = arith.constant 0 : i32
    %dma_wait3A_106 = arith.constant 0 : i32
    %dma_wait3A_107 = arith.constant 0 : i32
    %dma_wait3A_108 = tpu.memref_slice %arg7[%dma_wait3A_99, %dma_wait3A_105, %add3A, %dma_wait3A_106, %dma_wait3A_107] : memref<200x8x32x8x128xf32, #tpu.memory_space<hbm>> -> memref<1x8x1x8x128xf32, #tpu.memory_space<hbm>>
    %dma_wait3A_109 = tpu.memref_squeeze %dma_wait3A_108 : memref<1x8x1x8x128xf32, #tpu.memory_space<hbm>> -> memref<8x8x128xf32, #tpu.memory_space<hbm>>
    %dma_wait3A_110 = arith.constant 0 : i32
    %dma_wait3A_111 = arith.constant 0 : i32
    %dma_wait3A_112 = arith.constant 0 : i32
    %dma_wait3A_113 = tpu.memref_slice %arg7[%dma_wait3A_99, %dma_wait3A_110, %add3A, %dma_wait3A_111, %dma_wait3A_112] : memref<200x8x32x8x128xf32, #tpu.memory_space<hbm>> -> memref<1x8x1x8x128xf32, #tpu.memory_space<hbm>>
    %dma_wait3A_114 = tpu.memref_squeeze %dma_wait3A_113 : memref<1x8x1x8x128xf32, #tpu.memory_space<hbm>> -> memref<8x8x128xf32, #tpu.memory_space<hbm>>
    %dma_wait3A_115 = arith.constant 0 : i32
    %dma_wait3A_116 = arith.constant 0 : i32
    %dma_wait3A_117 = arith.constant 0 : i32
    %dma_wait3A_118 = tpu.memref_slice %arg13[%dma_wait3A, %dma_wait3A_115, %dma_wait3A_116, %dma_wait3A_117] : memref<2x8x8x128xf32, #tpu.memory_space<vmem>> -> memref<1x8x8x128xf32, #tpu.memory_space<vmem>>
    %dma_wait3A_119 = tpu.memref_squeeze %dma_wait3A_118 : memref<1x8x8x128xf32, #tpu.memory_space<vmem>> -> memref<8x8x128xf32, #tpu.memory_space<vmem>>
    tpu.wait_dma2 semaphore(%arg20 : memref<!tpu.dma_semaphore, #tpu.memory_space<semaphore_mem>>) src(%dma_wait3A_119 : memref<8x8x128xf32, #tpu.memory_space<vmem>>) dst(%dma_wait3A_114 : memref<8x8x128xf32, #tpu.memory_space<hbm>>)
    %dma_wait3A_120 = arith.constant 1 : i32
    %dma_wait3A_121 = arith.constant 199 : i32
    %dma_wait3A_122 = arith.constant 0 : i32
    %dma_wait3A_123 = arith.constant 0 : i32
    %dma_wait3A_124 = arith.constant 0 : i32
    %dma_wait3A_125 = tpu.memref_slice %arg13[%dma_wait3A_120, %dma_wait3A_122, %dma_wait3A_123, %dma_wait3A_124] : memref<2x8x8x128xf32, #tpu.memory_space<vmem>> -> memref<1x8x8x128xf32, #tpu.memory_space<vmem>>
    %dma_wait3A_126 = tpu.memref_squeeze %dma_wait3A_125 : memref<1x8x8x128xf32, #tpu.memory_space<vmem>> -> memref<8x8x128xf32, #tpu.memory_space<vmem>>
    %dma_wait3A_127 = arith.constant 0 : i32
    %dma_wait3A_128 = arith.constant 0 : i32
    %dma_wait3A_129 = arith.constant 0 : i32
    %dma_wait3A_130 = tpu.memref_slice %arg7[%dma_wait3A_121, %dma_wait3A_127, %add3A, %dma_wait3A_128, %dma_wait3A_129] : memref<200x8x32x8x128xf32, #tpu.memory_space<hbm>> -> memref<1x8x1x8x128xf32, #tpu.memory_space<hbm>>
    %dma_wait3A_131 = tpu.memref_squeeze %dma_wait3A_130 : memref<1x8x1x8x128xf32, #tpu.memory_space<hbm>> -> memref<8x8x128xf32, #tpu.memory_space<hbm>>
    %dma_wait3A_132 = arith.constant 0 : i32
    %dma_wait3A_133 = arith.constant 0 : i32
    %dma_wait3A_134 = arith.constant 0 : i32
    %dma_wait3A_135 = tpu.memref_slice %arg7[%dma_wait3A_121, %dma_wait3A_132, %add3A, %dma_wait3A_133, %dma_wait3A_134] : memref<200x8x32x8x128xf32, #tpu.memory_space<hbm>> -> memref<1x8x1x8x128xf32, #tpu.memory_space<hbm>>
    %dma_wait3A_136 = tpu.memref_squeeze %dma_wait3A_135 : memref<1x8x1x8x128xf32, #tpu.memory_space<hbm>> -> memref<8x8x128xf32, #tpu.memory_space<hbm>>
    %dma_wait3A_137 = arith.constant 0 : i32
    %dma_wait3A_138 = arith.constant 0 : i32
    %dma_wait3A_139 = arith.constant 0 : i32
    %dma_wait3A_140 = tpu.memref_slice %arg13[%dma_wait3A_120, %dma_wait3A_137, %dma_wait3A_138, %dma_wait3A_139] : memref<2x8x8x128xf32, #tpu.memory_space<vmem>> -> memref<1x8x8x128xf32, #tpu.memory_space<vmem>>
    %dma_wait3A_141 = tpu.memref_squeeze %dma_wait3A_140 : memref<1x8x8x128xf32, #tpu.memory_space<vmem>> -> memref<8x8x128xf32, #tpu.memory_space<vmem>>
    tpu.wait_dma2 semaphore(%arg20 : memref<!tpu.dma_semaphore, #tpu.memory_space<semaphore_mem>>) src(%dma_wait3A_141 : memref<8x8x128xf32, #tpu.memory_space<vmem>>) dst(%dma_wait3A_136 : memref<8x8x128xf32, #tpu.memory_space<hbm>>)
    return
  }
}

</mosaic_0001>

<sc_bundles>
// kernel: kernel.3.cloned.1.call-start
scs
__scs_entry_jumppad:
0x0: {  	(pc) =	sbr.rel $0x88, $3  }
0x1: {  	(tag) =	ssettag $0x0;
	lr =	simm.s32 $0x1  }
0x2: {  	[smem:$0x3F9D] =	sst lr;
	_ =	strace $0xD0000000  }
0x3: {  	_ = 	snop  }
0x4: {  	_ = 	snop  }
0x5: {  	_ = 	snop  }
0x6: {  	_ = 	snop  }
0x7: {  	_ = 	snop  }
__scs_overlays_trampoline_lowered:
0x8: {  	[smem:$0x3FAC] =	sst s0  }
0x9: {  	[smem:$0x3FAD] =	sst s1  }
0xa: {  	[smem:$0x3FAE] =	sst s2  }
0xb: {  	[smem:$0x3FAF] =	sst s3  }
0xc: {  	[smem:$0x3FB0] =	sst s4  }
0xd: {  	[smem:$0x3FB1] =	sst s5  }
0xe: {  	[smem:$0x3FB2] =	sst s6  }
0xf: {  	[smem:$0x3FB3] =	sst s7  }
0x10: {  	[smem:$0x3FB4] =	sst s8  }
0x11: {  	[smem:$0x3FB5] =	sst s9;
	s0 =	simm.s32 @!p0 $0x0  }
0x12: {  	s1 =	sld [smem:$0x3F9B];
	s0 =	simm.s32 @p0 $0x1  }
0x13: {  	[smem:$0x3FB6] =	sst s0;
	s0 =	simm.s32 @!p1 $0x0  }
0x14: {  	s2 =	sld [smem:$0x3F9A];
	s0 =	simm.s32 @p1 $0x1  }
0x15: {  	[smem:$0x3FB7] =	sst s0;
	s0 =	simm.s32 @!p2 $0x0  }
0x16: {  	s3 =	sld [smem:$0x3FDB];
	s0 =	simm.s32 @p2 $0x1  }
0x17: {  	s4 =	simm.s32 $0x1BF5;
	[smem:$0x3FB9] =	sst s0  }
0x18: {  	s0 =	sld [smem:$0x3F9C];
	_ =	swait.ge [sflag:s4], $0x0  }
0x19: {  	s7 =	sld [smem:$0x3F9D]  }
0x1a: {  	s8 =	sadd.s32 $0xFFFFE003, lr  }
0x1b: {  	s9 =	sadd.s32 $0xFFFFFEF7, lr;
	s5 =	simm.s32 $0xFFFFFFFF;
	p2 =	slt.u32 s8, $0xFFFFF086  }
0x1c: {  	p1 =	slt.u32 s9, $0xF7A;
	s5 =	simm.s32 @!p2 $0x0  }
0x1d: {  	s5 =	simm.s32 @p1 $0x1;
	p0 =	seq.s32 s7, s2  }
0x1e: {  	s7 =	smul.u32 @!p0 $0xF7A, s2;
	p2 =	seq.s32 @!p0 s5, $0x0  }
0x1f: {  	s9 =	smul.u32 $0xF7A, s1;
	s8 =	simm.s32 @!p0 $0x1BF5;
	p2 =	por !p2, p0  }
0x20: {  	[sflag:s8] =	ssyncset.s32 @!p0 $0xFFFFF086;
	s6 =	sadd.s32 @!p0 s3, s7;
	s7 =	simm.s32 @!p0 $0x108  }
0x21: {  	s3 =	sadd.s32 s3, s9;
	s6 =	sadd.s32 @!p0 $0x88, s6;
	s7 =	simm.s32 @p2 $0x1082  }
0x22: {  	[simem:s7], [sflag:s8] =	dma.local @!p0 [hbm:s6], $0xF7A  }
0x23: {  	s9 =	sor.u32 $0xD0000000, s2;
	s6 =	simm.s32 $0x108;
	_ =	swait.ge @!p0 [sflag:s8], $0x0  }
0x24: {  	s3 =	sadd.s32 $0x88, s3;
	s6 =	simm.s32 @!p1 $0x1082;
	[sflag:s4] =	ssyncset.s32 $0xFFFFF086  }
0x25: {  	[simem:s6], [sflag:s4] =	dma.local [hbm:s3], $0xF7A  }
0x26: {  	[smem:$0x3F9D] =	sst s1;
	(tag) =	ssettag s2;
	_ =	strace s9  }
0x27: {  	s1 =	sld [smem:$0x3FAD]  }
0x28: {  	s2 =	sld [smem:$0x3FAE]  }
0x29: {  	s4 =	sld [smem:$0x3FB0]  }
0x2a: {  	p0 =	seq.s32 s5, $0x0;
	s5 =	sld [smem:$0x3FB1]  }
0x2b: {  	s6 =	sld [smem:$0x3FB2]  }
0x2c: {  	s7 =	sld [smem:$0x3FB3]  }
0x2d: {  	s3 =	simm.s32 $0x108;
	s8 =	sld [smem:$0x3FB4]  }
0x2e: {  	s3 =	simm.s32 @!p0 $0x1082;
	s9 =	sld [smem:$0x3FB5]  }
0x2f: {  	lr =	sadd.s32 s0, s3;
	s0 =	sld [smem:$0x3FAC]  }
0x30: {  	s3 =	sld [smem:$0x3FAF]  }
0x31: {  	[smem:$0x3FB8] =	sst s10  }
0x32: {  	s10 =	sld [smem:$0x3FB6];
	_ =	sdelay $0x3  }
0x33: {  	p0 =	seq.s32 s10, $0x1;
	s10 =	sld [smem:$0x3FB8];
	_ =	sdelay $0x3  }
0x34: {  	[smem:$0x3FB8] =	sst s10  }
0x35: {  	s10 =	sld [smem:$0x3FB7];
	_ =	sdelay $0x3  }
0x36: {  	p1 =	seq.s32 s10, $0x1;
	s10 =	sld [smem:$0x3FB8];
	_ =	sdelay $0x3  }
0x37: {  	[smem:$0x3FB8] =	sst s10  }
0x38: {  	s10 =	sld [smem:$0x3FB9]  }
0x39: {  	_ = 	snop;
	(pc) =	sbr.ind lr, $3  }
0x3a: {  	_ = 	snop  }
0x3b: {  	_ = 	snop  }
0x3c: {  	p2 =	seq.s32 s10, $0x1;
	s10 =	sld [smem:$0x3FB8]  }
0x3d: {  	_ =	shalt  }
0x3e: {  	_ =	shalt  }
0x3f: {  	_ =	shalt  }
0x40: {  	_ =	shalt  }
0x41: {  	_ =	shalt  }
0x42: {  	_ =	shalt  }
0x43: {  	_ =	shalt  }
0x44: {  	_ =	shalt  }
0x45: {  	_ =	shalt  }
0x46: {  	_ =	shalt  }
0x47: {  	_ =	shalt  }
0x48: {  	_ =	shalt  }
0x49: {  	_ =	shalt  }
0x4a: {  	_ =	shalt  }
0x4b: {  	_ =	shalt  }
0x4c: {  	_ =	shalt  }
0x4d: {  	_ =	shalt  }
0x4e: {  	_ =	shalt  }
0x4f: {  	_ =	shalt  }
0x50: {  	_ =	shalt  }
0x51: {  	_ =	shalt  }
0x52: {  	_ =	shalt  }
0x53: {  	_ =	shalt  }
0x54: {  	_ =	shalt  }
0x55: {  	_ =	shalt  }
0x56: {  	_ =	shalt  }
0x57: {  	_ =	shalt  }
0x58: {  	_ =	shalt  }
0x59: {  	_ =	shalt  }
0x5a: {  	_ =	shalt  }
0x5b: {  	_ =	shalt  }
0x5c: {  	_ =	shalt  }
0x5d: {  	_ =	shalt  }
0x5e: {  	_ =	shalt  }
0x5f: {  	_ =	shalt  }
0x60: {  	_ =	shalt  }
0x61: {  	_ =	shalt  }
0x62: {  	_ =	shalt  }
0x63: {  	_ =	shalt  }
0x64: {  	_ =	shalt  }
0x65: {  	_ =	shalt  }
0x66: {  	_ =	shalt  }
0x67: {  	_ =	shalt  }
0x68: {  	_ =	shalt  }
0x69: {  	_ =	shalt  }
0x6a: {  	_ =	shalt  }
0x6b: {  	_ =	shalt  }
0x6c: {  	_ =	shalt  }
0x6d: {  	_ =	shalt  }
0x6e: {  	_ =	shalt  }
0x6f: {  	_ =	shalt  }
0x70: {  	_ =	shalt  }
0x71: {  	_ =	shalt  }
0x72: {  	_ =	shalt  }
0x73: {  	_ =	shalt  }
0x74: {  	_ =	shalt  }
0x75: {  	_ =	shalt  }
0x76: {  	_ =	shalt  }
0x77: {  	_ =	shalt  }
0x78: {  	_ =	shalt  }
0x79: {  	_ =	shalt  }
0x7a: {  	_ =	shalt  }
0x7b: {  	_ =	shalt  }
0x7c: {  	_ =	shalt  }
0x7d: {  	_ =	shalt  }
0x7e: {  	_ =	shalt  }
0x7f: {  	_ =	shalt  }
0x80: {  	_ =	shalt  }
0x81: {  	_ =	shalt  }
0x82: {  	_ =	shalt  }
0x83: {  	_ =	shalt  }
0x84: {  	_ =	shalt  }
0x85: {  	_ =	shalt  }
0x86: {  	_ =	shalt  }
0x87: {  	_ =	shalt  }
.Lfunc_end0:
.L_simem_size_0:
called_computation_lowered:
.L_overlay_start_0:
0x88: {  	s2 =	sld [smem:$0x3FD9]  }
0x89: {  	s3 =	sld [smem:$0x3FFE];
	_ =	sdelay $0x1  }
0x8a: {  	s1 =	srdreg.scid  }
0x8b: {  	s0 =	sand.u32 $0x1, s1  }
0x8c: {  	s17 =	sshll.u32 s0, $0xA;
	s2 =	sadd.s32 s3, s2  }
0x8d: {  	s2 =	sadd.s32 s2, s17  }
0x8e: {  	[smem:$0x3FC4] =	sst s2  }
0x8f: {  	_ = 	snop  }
0x90: {  	s2 =	sld [smem:$0x3FC9]  }
0x91: {  	s18 =	sld [smem:$0x3FC7]  }
0x92: {  	s4 =	sld [smem:$0x3FC6]  }
0x93: {  	s5 =	sld [smem:$0x3FD0];
	(tm) =	ssettm $0x1  }
0x94: {  	s6 =	sld [smem:$0x3FFB];
	_ =	sdelay $0x3  }
0x95: {  	_ =	strace s6  }
0x96: {  	s6 =	sld [smem:$0x3FFC];
	_ =	sdelay $0x3  }
0x97: {  	_ =	strace s6  }
0x98: {  	s6 =	sld [smem:$0x3FFD];
	_ =	sdelay $0x3  }
0x99: {  	_ =	strace s6  }
0x9a: {  	_ =	strace $0x8FFFFFFF  }
0x9b: {  	s19 =	sld [smem:$0x3FDB];
	_ =	sdelay $0x1  }
0x9c: {  	s7 =	simm.s32 $_scs_section_size  }
0x9d: {  	s8 =	simm.s32 $_size__tile_overlayer_lowered;
	s9 =	simm.s32 $_tile_overlayer_lowered  }
0x9e: {  	s22 =	simm.s32 $0x1BFF;
	s21 =	sshll.u32 s9, $0x1;
	s6 =	sadd.s32 s7, s19  }
0x9f: {  	s10 =	simm.s32 $0x0;
	s20 =	sshll.u32 s8, $0x1;
	s8 =	sadd.s32 s21, s6  }
0xa0: {  	[timem:s10], [sflag:s22] =	dma.local [hbm:s8], s20  }
0xa1: {  	_ =	swait.ge [sflag:s22], s20  }
0xa2: {  	s7 =	ssub.s32 $0x0, s20;
	[sflag:s22] =	ssyncset.done $0x0  }
0xa3: {  	[sflag:s22] =	ssyncadd.s32 s7;
	_ =	sdelay $0x1  }
0xa4: {  	s23 =	simm.s32 $0x1B8B  }
0xa5: {  	_ =	swait.ge [sflag:s23], $0x1  }
0xa6: {  	[sflag:s23] =	ssyncset.done $0x0  }
0xa7: {  	s25 =	simm.s32 $0x1B8E;
	s24 =	sld [smem:$0x3FFE];
	[sflag:s23] =	ssyncadd.s32 $0xFFFFFFFF  }
0xa8: {  	s26 =	simm.s32 $execute0_lowered;
	[smem:$0x3FD2] =	sst s25  }
0xa9: {  	s8 =	sshll.u32 s26, $0x1;
	_ =	strace $0x80000046;
	[dreg:$0x1] =	wrdreg $0xFFFFFFFF  }
0xaa: {  	s28 =	simm.s32 $_size_execute0_lowered;
	s6 =	sadd.s32 s6, s8;
	[dreg:$0x0] =	wrdreg $0x0  }
0xab: {  	s8 =	sshll.u32 s28, $0x1;
	[dreg:$0x2] =	wrdreg s6  }
0xac: {  	[dreg:$0x3] =	wrdreg s8  }
0xad: {  	[dreg:$0x4] =	wrdreg $0xC0  }
0xae: {  	_ =	task [dreg:s10], $0x5FFFF  }
0xaf: {  	[dreg:$0x1] =	wrdreg $0xFFFFFFFF  }
0xb0: {  	[dreg:$0x0] =	wrdreg $0x60  }
0xb1: {  	[dreg:$0x2] =	wrdreg s2  }
0xb2: {  	[dreg:$0x3] =	wrdreg s24  }
0xb3: {  	[dreg:$0x4] =	wrdreg s18  }
0xb4: {  	[dreg:$0x5] =	wrdreg s4  }
0xb5: {  	[dreg:$0x6] =	wrdreg s5  }
0xb6: {  	[dreg:$0x7] =	wrdreg $0x9  }
0xb7: {  	_ =	task.clear_ibuf [dreg:s10], $0x8FFFF;
	_ =	strace $0x90000046  }
0xb8: {  	s29 =	simm.s32 $0x9;
	_ =	strace $0x80000048  }
0xb9: {  	_ =	swait.ge [sflag:s29], $0x1  }
0xba: {  	[sflag:s29] =	ssyncadd.s32 $0xFFFFFFFF  }
0xbb: {  	_ =	strace $0x90000048  }
0xbc: {  	_ =	sfence  }
0xbd: {  	s30 =	sld [smem:$0x0];
	_ =	sdelay $0x2  }
0xbe: {  	s31 =	sshll.u32 s1, $0xD;
	s1 =	sshrl.u32 s1, $0x2  }
0xbf: {  	s3 =	sand.u32 $0x4000, s31;
	s1 =	sadd.s32 s1, s30  }
0xc0: {  	s0 =	sor.u32 s3, s0;
	s1 =	sshll.u32 s1, $0x11  }
0xc1: {  	s0 =	sor.u32 s1, s0  }
0xc2: {  	s0 =	sadd.s32 $0x8F2B, s0  }
0xc3: {  	[sflag:s0] =	ssyncadd.remote.s32 $0x1  }
0xc4: {  	_ =	sfence.sel $0xFFFF  }
0xc5: {  	[dreg:$0x0] =	wrdreg $0xFFFFFFFF;
	(pc) =	sbr.abs _section_cstart, $3  }
0xc6: {  	[dreg:$0x1] =	wrdreg $0xFFFFFFFF  }
0xc7: {  	_ =	task.clear_ibuf [dreg:s10], $0x2FFFF;
	_ =	strace $0x9FFFFFFF  }
0xc8: {  	(tm) =	ssettm $0x7FFFFFFF  }
0xc9: {  	_ =	shalt  }
tec
execute0_lowered:
.L_overlay_start_1:
0x0: {  	(tag) =	ssettag $0x1  }
0x1: {  	s0 =	rddreg [dreg:$0x0]  }
0x2: {  	s1 =	rddreg [dreg:$0x1]  }
0x3: {  	s3 =	simm.s32 $0x0;
	s2 =	srdreg.scid;
	s4 =	stileid.u32  }
0x4: {  	s20 =	simm.s32 $0x1;
	s21 =	simm.s32 $0x13680;
	s22 =	simm.s32 $0x13E80  }
0x5: {  	s23 =	simm.s32 $0x14680;
	s24 =	simm.s32 $0x14700;
	s25 =	simm.s32 $0xD680  }
0x6: {  	[smem:$0x7FF] =	sst s3;
	s2 =	sand.u32 $0x1, s2;
	s4 =	sshll.u32 s4, $0xB  }
0x7: {  	s28 =	sadd.s32 $0x600, s1;
	s26 =	ssub.s32 $0x2, s2;
	s2 =	sshll.u32 s2, $0xA  }
.Ltmp0:
0x8: {  	v1 =	vlaneseq.u32;
	_ =	strace $0x80000047;
	s4 =	sor.u32 s2, s4;
	(pc) =	sbr.rel .LBB2_1-.Ltmp0, $4  }
0x9: {  	v61 =	vmul.u32 $0x80, v1;
	[dreg:$0x7] =	wrdreg s28;
	s5 =	sshrl.u32 s26, $0x1;
	s30 =	sshrl.u32 s4, $0x3  }
0xa: {  	v62 =	vmul.u32 $0x10, v1;
	s29 =	ssub.s32 s26, s5;
	[dreg:$0x6] =	wrdreg s4;
	s0 =	sadd.s32 s0, s30  }
0xb: {  	s8 =	sadd.s32 $0xF42A00, s1;
	[tilespmem:$0x1FFE0] =	vst v61;
	s31 =	smax.u32 s29, $0x1;
	[dreg:$0x8] =	wrdreg s0  }
0xc: {  	v2 =	vor.u32 $0x800, v61;
	v3 =	vor.u32 $0x1000, v61;
	v4 =	vor.u32 $0x1800, v61;
	s2 =	simm.s32 $0x0;
	[tilespmem:$0x1FFF0] =	vst v62;
	s26 =	simm.s32 $0xF680;
	[dreg:$0x9] =	wrdreg s31  }
.LBB2_46:
0xd: {  	s1 =	simm.s32 $0x2  }
0xe: {  	_ =	swait.ge [sflag:s1], $0x2000  }
0xf: {  	[sflag:s1] =	ssyncset.done $0x0  }
0x10: {  	[sflag:s1] =	ssyncadd.s32 $0xFFFFE000  }
0x11: {  	_ =	swait.ge [sflag:s1], $0x2000  }
0x12: {  	s2 =	rddreg [dreg:$0xa]  }
0x13: {  	s0 =	rddreg [dreg:$0x9];
	s2 =	sadd.s32 $0x1, s2  }
0x14: {  	p0 =	sne.s32 s2, s0  }
.Ltmp1:
0x15: {  	_ = 	snop;
	(pc) =	sbr.rel @!p0 .LBB2_47-.Ltmp1, $3  }
0x16: {  	_ =	sdelay $0x1  }
0x17: {  	[sflag:s1] =	ssyncset.done $0x0  }
0x18: {  	[sflag:s1] =	ssyncadd.s32 $0xFFFFE000  }
.LBB2_1:
0x19: {  	[dreg:$0xa] =	wrdreg s2  }
0x1a: {  	s1 =	simm.s32 $0x0;
	s0 =	rddreg [dreg:$0x8]  }
0x1b: {  	s12 =	simm.s32 $0x400;
	s3 =	simm.s32 $0x8000;
	s13 =	simm.s32 $0x3  }
0x1c: {  	[tilespmem:s1], [sflag:$0x3] =	stream.strided.gather [hbm4b:s0+s12], $0x6400, s3, s12, $0x38;
	[tilespmem:$0x14780] =	vst v63  }
0x1d: {  	_ =	swait.ge [sflag:s13], $0x6400  }
0x1e: {  	[sflag:s13] =	ssyncset.done $0x0  }
0x1f: {  	s15 =	simm.s32 $0x6400;
	s14 =	rddreg [dreg:$0x7];
	[sflag:s13] =	ssyncadd.s32 $0xFFFF9C00  }
0x20: {  	[tilespmem:s15], [sflag:$0x3] =	stream.linear.gather [hbm4b:s14+s1], $0x3200, $0x38;
	[tilespmem:$0x14780] =	vst v63  }
0x21: {  	_ =	swait.ge [sflag:s13], $0x3200  }
0x22: {  	[sflag:s13] =	ssyncset.done $0x0  }
0x23: {  	[sflag:s13] =	ssyncadd.s32 $0xFFFFCE00  }
0x24: {  	s17 =	simm.s32 $0x9600;
	s16 =	rddreg [dreg:$0x2]  }
0x25: {  	[tilespmem:s17], [sflag:$0x3] =	stream.linear.gather [hbm4b:s16+s1], $0x40, $0x38;
	[tilespmem:$0x14780] =	vst v63  }
0x26: {  	_ =	swait.ge [sflag:s13], $0x40  }
0x27: {  	[sflag:s13] =	ssyncset.done $0x0  }
0x28: {  	[sflag:s13] =	ssyncadd.s32 $0xFFFFFFC0  }
0x29: {  	s19 =	simm.s32 $0x9640;
	s18 =	rddreg [dreg:$0x3]  }
0x2a: {  	[tilespmem:s19], [sflag:$0x3] =	stream.linear.gather [hbm4b:s18+s1], $0x40, $0x38;
	[tilespmem:$0x14780] =	vst v63  }
0x2b: {  	_ =	swait.ge [sflag:s13], $0x40  }
0x2c: {  	[sflag:s13] =	ssyncset.done $0x0  }
0x2d: {  	[sflag:s13] =	ssyncadd.s32 $0xFFFFFFC0  }
0x2e: {  	v5 =	vld [tilespmem:$0x9600]  }
0x2f: {  	v6 =	vld [tilespmem:$0x9610]  }
0x30: {  	v7 =	vld [tilespmem:$0x9620]  }
0x31: {  	v8 =	vld [tilespmem:$0x9630]  }
0x32: {  	v9 =	vld [tilespmem:$0x9640]  }
0x33: {  	v10 =	vld [tilespmem:$0x9650]  }
0x34: {  	s28 =	simm.s32 $0x80;
	s29 =	simm.s32 $0x9680;
	v11 =	vld [tilespmem:$0x9660]  }
0x35: {  	v12 =	vld [tilespmem:$0x9670];
	[tilespmem:s29], [sflag:$0x1] =	stream.indirect.gather [hbm4b:s8+s28], $0x40, s1, s28, $0xb8  }
0x36: {  	s31 =	simm.s32 $0xB680;
	s30 =	simm.s32 $0x0  }
0x37: {  	[tilespmem:s31], [sflag:$0x1] =	stream.indirect.gather [hbm4b:s8+s28], $0x40, s28, s28, $0xb8;
	[tilespmem:$0x14780] =	vst v63  }
.LBB2_2:
0x38: {  	p0 =	seq.s32 s30, $0x0  }
0x39: {  	s0 =	simm.s32 @!p0 $0x2  }
0x3a: {  	_ =	swait.ge @!p0 [sflag:s0], $0x2000  }
0x3b: {  	[sflag:s0] =	ssyncset.done @!p0 $0x0  }
0x3c: {  	[sflag:s0] =	ssyncadd.s32 @!p0 $0xFFFFE000  }
0x3d: {  	_ =	swait.ge [sflag:s20], $0x2000  }
0x3e: {  	s16 =	sshll.u32 s30, $0x7;
	[sflag:s20] =	ssyncset.done $0x0  }
0x3f: {  	s0 =	sand.u32 $0x3FFFFF80, s16;
	[sflag:s20] =	ssyncadd.s32 $0xFFFFE000  }
0x40: {  	v14 =	vld [tilespmem:s0+$0x6400]  }
0x41: {  	v15 =	vld [tilespmem:s0+$0x6410]  }
0x42: {  	v13 =	vld [tilespmem:s0+$0x6420]  }
0x43: {  	s17 =	simm.s32 $0x9700;
	v16 =	vld [tilespmem:s0+$0x6430]  }
0x44: {  	v17 =	vld [tilespmem:s17+$0xFFFFFFC0]  }
0x45: {  	v18 =	vld [tilespmem:s17+$0x10]  }
0x46: {  	v19 =	vld [tilespmem:s17+$0x70]  }
0x47: {  	v20 =	vld [tilespmem:s17+$0xFFFFFF80]  }
0x48: {  	v21 =	vld [tilespmem:s17+$0x60]  }
0x49: {  	v22 =	vld [tilespmem:s17+$0xFFFFFFE0]  }
0x4a: {  	v23 =	vld [tilespmem:s17+$0xFFFFFFF0]  }
0x4b: {  	v24 =	vld [tilespmem:s17+$0x0]  }
0x4c: {  	v25 =	vld [tilespmem:s17+$0x50]  }
0x4d: {  	v26 =	vld [tilespmem:s17+$0x40]  }
0x4e: {  	v27 =	vld [tilespmem:s17+$0xFFFFFF90]  }
0x4f: {  	v28 =	vld [tilespmem:s17+$0xFFFFFFD0]  }
0x50: {  	v35 =	vld [tilespmem:s17+$0xFFFFFFA0]  }
0x51: {  	v39 =	vld [tilespmem:s17+$0x30];
	v18 =	vadd.f32 v18, v15;
	v17 =	vadd.f32 v17, v14  }
0x52: {  	s18 =	simm.s32 $0x9800;
	v42 =	vld [tilespmem:s17+$0x20];
	v21 =	vadd.f32 v21, v13;
	v20 =	vadd.f32 v20, v14  }
0x53: {  	v47 =	vld [tilespmem:s18+$0xFFFFFF80];
	v22 =	vadd.f32 v22, v13;
	v31 =	vadd.f32 v23, v16  }
0x54: {  	v32 =	vadd.f32 v24, v14;
	v26 =	vadd.f32 v26, v14  }
0x55: {  	v34 =	vadd.f32 v27, v15;
	v25 =	vadd.f32 v25, v15  }
0x56: {  	v33 =	vadd.f32 v19, v16;
	v28 =	vadd.f32 v28, v15  }
0x57: {  	v57 =	vld [tilespmem:s18+$0xFFFFFFC0];
	v35 =	vadd.f32 v35, v13;
	v39 =	vadd.f32 v39, v16  }
0x58: {  	v45 =	vld [tilespmem:s18+$0x70];
	v42 =	vadd.f32 v42, v13;
	v47 =	vadd.f32 v47, v14  }
0x59: {  	v52 =	vld [tilespmem:s18+$0xFFFFFFE0];
	v23 =	vmul.f32 v31, v31;
	v24 =	vmul.f32 v20, v20;
	v29 =	vadd.f32 v31, v22  }
0x5a: {  	v19 =	vmul.f32 v34, v34;
	v30 =	vmul.f32 v17, v17;
	v36 =	vadd.f32 v25, v26  }
0x5b: {  	s1 =	simm.s32 $0x11700;
	v37 =	vadd.f32 v33, v21;
	v38 =	vmul.f32 v28, v28;
	v41 =	vadd.f32 v28, v17  }
0x5c: {  	v59 =	vld [tilespmem:s18+$0x10];
	v58 =	vmul.f32 v25, v25;
	v46 =	vadd.f32 v18, v32;
	v49 =	vadd.f32 v39, v42;
	[tilespmem:s1+$0x40] =	vst v26  }
0x5d: {  	v48 =	vld [tilespmem:s18+$0x60];
	v50 =	vmul.f32 v26, v26;
	v26 =	vadd.f32 v57, v14;
	v55 =	vadd.f32 v34, v20;
	[tilespmem:s1+$0x50] =	vst v25  }
0x5e: {  	v27 =	vld [tilespmem:s17+$0xFFFFFFB0];
	v62 =	vmul.f32 v21, v21;
	v25 =	vadd.f32 v52, v13;
	[tilespmem:s1+$0xFFFFFFF0] =	vst v31;
	v31 =	vadd.f32 v45, v16  }
0x5f: {  	v51 =	vmul.f32 v33, v33;
	[tilespmem:s1+$0xFFFFFFC0] =	vst v17;
	v40 =	vadd.f32 v19, v24;
	v19 =	vadd.f32 v37, v36  }
0x60: {  	v53 =	vld [tilespmem:s18+$0x0];
	v43 =	vmul.f32 v18, v18;
	[tilespmem:s1+$0x60] =	vst v21;
	v30 =	vadd.f32 v38, v30;
	v37 =	vadd.f32 v29, v41  }
0x61: {  	v56 =	vmul.f32 v32, v32;
	v17 =	vld [tilespmem:s18+$0x50];
	[tilespmem:s1+$0xFFFFFFD0] =	vst v28;
	v36 =	vadd.f32 v58, v50;
	v51 =	vadd.f32 v51, v62  }
0x62: {  	v28 =	vld [tilespmem:s18+$0xFFFFFFD0];
	[tilespmem:s1+$0xFFFFFFE0] =	vst v22;
	v24 =	vmul.f32 v22, v22;
	v41 =	vadd.f32 v59, v15;
	v21 =	vadd.f32 v49, v46  }
0x63: {  	v60 =	vmul.f32 v35, v35;
	[tilespmem:s1+$0x70] =	vst v33;
	v46 =	vadd.f32 v48, v13;
	v29 =	vadd.f32 v27, v16  }
0x64: {  	v61 =	vmul.f32 v42, v42;
	[tilespmem:s1+$0xFFFFFF80] =	vst v20;
	v27 =	vadd.f32 v43, v56;
	v56 =	vld [tilespmem:s18+$0xFFFFFF90];
	v23 =	vadd.f32 v23, v24  }
0x65: {  	v63 =	vld [tilespmem:s18+$0xFFFFFFF0];
	[tilespmem:s1+$0x10] =	vst v18;
	v22 =	vadd.f32 v53, v14;
	v44 =	vmul.f32 v29, v29;
	v57 =	vadd.f32 v29, v35  }
0x66: {  	[tilespmem:s1+$0xFFFFFF90] =	vst v34;
	v49 =	vadd.f32 v17, v15;
	v24 =	vadd.f32 v23, v30;
	v23 =	vmul.f32 v39, v39  }
0x67: {  	v54 =	vld [tilespmem:s18+$0x40];
	[tilespmem:s1+$0xFFFFFFA0] =	vst v35;
	v50 =	vadd.f32 v28, v15;
	v30 =	vadd.f32 v44, v60  }
0x68: {  	s3 =	simm.s32 $0x9900;
	[tilespmem:s1+$0x30] =	vst v39;
	v59 =	vmul.f32 v26, v26;
	v53 =	vld [tilespmem:s18+$0x20];
	v33 =	vadd.f32 v57, v55;
	v23 =	vadd.f32 v23, v61  }
0x69: {  	[tilespmem:s1+$0x20] =	vst v42;
	v39 =	vld [tilespmem:s3+$0x10];
	v62 =	vmul.f32 v50, v50;
	v43 =	vadd.f32 v56, v15;
	v61 =	vadd.f32 v31, v46  }
0x6a: {  	s0 =	simm.s32 $0x11800;
	[tilespmem:s1+$0x0] =	vst v32;
	v30 =	vadd.f32 v30, v40;
	v40 =	vadd.f32 v63, v16  }
0x6b: {  	[tilespmem:s0+$0xFFFFFFC0] =	vst v26;
	v17 =	vmul.f32 v47, v47;
	v56 =	vadd.f32 v62, v59;
	v23 =	vadd.f32 v23, v27  }
0x6c: {  	v52 =	vld [tilespmem:s3+$0x70];
	[tilespmem:s0+$0xFFFFFFE0] =	vst v25;
	v57 =	vmul.f32 v22, v22;
	v27 =	vadd.f32 v51, v36;
	v36 =	vadd.f32 v54, v14  }
0x6d: {  	[tilespmem:s0+$0x70] =	vst v31;
	v60 =	vld [tilespmem:s18+$0xFFFFFFA0];
	v18 =	vmul.f32 v43, v43;
	v51 =	vadd.f32 v53, v13;
	v53 =	vadd.f32 v41, v22  }
0x6e: {  	[tilespmem:s0+$0x60] =	vst v46;
	v63 =	vld [tilespmem:s18+$0x30];
	v54 =	vmul.f32 v41, v41;
	v48 =	vadd.f32 v40, v25;
	v45 =	vadd.f32 v39, v15  }
0x6f: {  	v58 =	vld [tilespmem:s18+$0xFFFFFFB0];
	(xrf2) =	vadd.scan.msk.f32 $0xffff, v37;
	v20 =	vmul.f32 v40, v40;
	v28 =	vadd.f32 v49, v36;
	v35 =	vadd.f32 v18, v17  }
0x70: {  	[tilespmem:s1+$0xFFFFFFB0] =	vst v29;
	v17 =	vmul.f32 v25, v25;
	v18 =	vadd.f32 v50, v26;
	v32 =	vadd.f32 v54, v57  }
0x71: {  	v38 =	vmul.f32 v49, v49;
	[tilespmem:s0+$0x50] =	vst v49;
	v49 =	vadd.f32 v52, v16;
	v28 =	vadd.f32 v61, v28  }
0x72: {  	v55 =	vld [tilespmem:s3+$0xFFFFFF80];
	[tilespmem:s0+$0xFFFFFFD0] =	vst v50;
	v46 =	vmul.f32 v46, v46;
	v17 =	vadd.f32 v20, v17;
	v42 =	vadd.f32 v48, v18  }
0x73: {  	v26 =	vld [tilespmem:s3+$0xFFFFFFC0];
	[tilespmem:s0+$0x40] =	vst v36;
	v36 =	vmul.f32 v36, v36;
	v20 =	vadd.f32 v60, v13;
	v44 =	vadd.f32 v63, v16  }
0x74: {  	[tilespmem:s0+$0xFFFFFF80] =	vst v47;
	v50 =	vld [tilespmem:s3+$0xFFFFFFB0];
	v18 =	vadd.f32 v58, v16;
	v60 =	vmul.f32 v51, v51;
	v63 =	vmul.f32 v31, v31  }
0x75: {  	[tilespmem:s0+$0x10] =	vst v41;
	v61 =	vld [tilespmem:s3+$0x60];
	v31 =	vadd.f32 v38, v36;
	v58 =	vmul.f32 v20, v20;
	v54 =	vmul.f32 v44, v44  }
0x76: {  	[tilespmem:s0+$0x0] =	vst v22;
	v59 =	vmul.f32 v18, v18;
	v17 =	vadd.f32 v17, v56;
	v62 =	vadd.f32 v44, v51;
	v56 =	vld [tilespmem:s3+$0xFFFFFFE0]  }
0x77: {  	[tilespmem:s0+$0xFFFFFF90] =	vst v43;
	v57 =	vadd.f32 v63, v46;
	v25 =	vadd.f32 v54, v60;
	v54 =	vld [tilespmem:s3+$0xFFFFFFF0]  }
0x78: {  	[tilespmem:s0+$0xFFFFFFF0] =	vst v40;
	v46 =	vadd.f32 v55, v14;
	v34 =	vadd.f32 v59, v58;
	v58 =	vld [tilespmem:s3+$0x0]  }
0x79: {  	[tilespmem:s0+$0xFFFFFFA0] =	vst v20;
	v20 =	vadd.f32 v18, v20;
	v37 =	vadd.f32 v57, v31;
	v31 =	vld [tilespmem:s3+$0x40]  }
0x7a: {  	s2 =	simm.s32 $0x136A0;
	(xrf2) =	vadd.scan.msk.f32 $0xffff, v21;
	[tilespmem:s0+$0x20] =	vst v51;
	v21, _, _ =	vpop (xrf2);
	v26 =	vadd.f32 v26, v14;
	v59 =	vadd.f32 v43, v47;
	v60 =	vld [tilespmem:s3+$0xFFFFFF90]  }
0x7b: {  	[tilespmem:s2+$0xFFFFFFF0] =	vst v21;
	v41 =	vadd.f32 v61, v13;
	v61 =	vld [tilespmem:s3+$0xFFFFFFD0];
	v34 =	vadd.f32 v34, v35  }
0x7c: {  	s19 =	simm.s32 $0x9A00;
	(xrf2) =	vadd.scan.msk.f32 $0xffff, v19;
	[tilespmem:s0+$0x30] =	vst v44;
	v39 =	vadd.f32 v25, v32;
	v25 =	vld [tilespmem:s3+$0x50];
	v32 =	vadd.f32 v62, v53  }
0x7d: {  	s4 =	simm.s32 $0x11900;
	(xrf2) =	vadd.scan.msk.f32 $0xffff, v42;
	v22 =	vmul.f32 v46, v46;
	v21 =	vadd.f32 v20, v59;
	v47 =	vadd.f32 v56, v13;
	v56 =	vld [tilespmem:s19+$0x70]  }
0x7e: {  	v52 =	vld [tilespmem:s3+$0xFFFFFFA0];
	[tilespmem:s4+$0xFFFFFF80] =	vst v46;
	v36 =	vmul.f32 v26, v26;
	v62 =	vadd.f32 v49, v41;
	v48 =	vadd.f32 v54, v16  }
0x7f: {  	[tilespmem:s4+$0x60] =	vst v41;
	v41 =	vmul.f32 v41, v41;
	v38 =	vadd.f32 v58, v14;
	v40 =	vadd.f32 v60, v15  }
0x80: {  	[tilespmem:s4+$0xFFFFFFC0] =	vst v26;
	v31 =	vadd.f32 v31, v14;
	v19 =	vmul.f32 v47, v47;
	v51 =	vadd.f32 v61, v15  }
0x81: {  	[tilespmem:s4+$0x70] =	vst v49;
	v60 =	vld [tilespmem:s3+$0x30];
	v35 =	vadd.f32 v48, v47;
	v25 =	vadd.f32 v25, v15;
	v20 =	vmul.f32 v40, v40  }
0x82: {  	v44 =	vmul.f32 v48, v48;
	[tilespmem:s4+$0xFFFFFF90] =	vst v40;
	v40 =	vadd.f32 v40, v46;
	v46 =	vadd.f32 v56, v16  }
0x83: {  	(xrf2) =	vadd.scan.msk.f32 $0xffff, v32;
	v61 =	vmul.f32 v45, v45;
	v43 =	vadd.f32 v25, v31;
	v22 =	vadd.f32 v20, v22  }
0x84: {  	v59 =	vld [tilespmem:s19+$0xFFFFFFE0];
	v63 =	vmul.f32 v51, v51;
	[tilespmem:s4+$0xFFFFFFD0] =	vst v51;
	v20 =	vadd.f32 v51, v26;
	v44 =	vadd.f32 v44, v19  }
0x85: {  	v26 =	vld [tilespmem:s3+$0x20];
	[tilespmem:s4+$0x50] =	vst v25;
	v51 =	vadd.f32 v52, v13;
	v19 =	vadd.f32 v50, v16;
	v25 =	vmul.f32 v25, v25  }
0x86: {  	[tilespmem:s4+$0x40] =	vst v31;
	v31 =	vmul.f32 v31, v31;
	v36 =	vadd.f32 v63, v36;
	v50 =	vadd.f32 v60, v16  }
0x87: {  	[tilespmem:s4+$0xFFFFFFE0] =	vst v47;
	v58, _, _ =	vpop (xrf2);
	v43 =	vadd.f32 v62, v43;
	v35 =	vadd.f32 v35, v20;
	v63 =	vmul.f32 v51, v51  }
0x88: {  	[tilespmem:s2+$0x0] =	vst v58;
	v58 =	vld [tilespmem:s19+$0x50];
	v60 =	vmul.f32 v19, v19;
	v31 =	vadd.f32 v25, v31;
	v20 =	vadd.f32 v44, v36  }
0x89: {  	[tilespmem:s4+$0x10] =	vst v45;
	v62 =	vmul.f32 v38, v38;
	v36 =	vadd.f32 v45, v38;
	v45 =	vadd.f32 v59, v13;
	v59 =	vld [tilespmem:s19+$0xFFFFFFD0]  }
0x8a: {  	[tilespmem:s4+$0xFFFFFFF0] =	vst v48;
	v52 =	vld [tilespmem:s19+$0xFFFFFFC0];
	v53 =	vadd.f32 v60, v63;
	v63 =	vmul.f32 v49, v49;
	v55 =	vadd.f32 v26, v13  }
0x8b: {  	[tilespmem:s4+$0xFFFFFFA0] =	vst v51;
	v51 =	vadd.f32 v19, v51;
	v47 =	vadd.f32 v61, v62;
	v61 =	vmul.f32 v50, v50;
	v26 =	vld [tilespmem:s19+$0x10]  }
0x8c: {  	v57 =	vld [tilespmem:s19+$0xFFFFFF80];
	[tilespmem:s4+$0x0] =	vst v38;
	v22 =	vadd.f32 v53, v22;
	v60, _, _ =	vpop (xrf2);
	v41 =	vadd.f32 v63, v41;
	v62 =	vmul.f32 v55, v55  }
0x8d: {  	v49 =	vld [tilespmem:s19+$0x60];
	v42 =	vadd.f32 v50, v55;
	[tilespmem:s2+$0x10] =	vst v60;
	v60, _, _ =	vpop (xrf2);
	(xrf2) =	vadd.scan.msk.f32 $0xffff, v27;
	v27 =	vadd.f32 v51, v40  }
0x8e: {  	[tilespmem:s4+$0x30] =	vst v50;
	v63 =	vld [tilespmem:s19+$0xFFFFFF90];
	v40 =	vadd.f32 v58, v15;
	v50 =	vadd.f32 v59, v15  }
0x8f: {  	s15 =	simm.s32 $0x136E0;
	[tilespmem:s4+$0x20] =	vst v55;
	v44 =	vadd.f32 v61, v62;
	v42 =	vadd.f32 v42, v36  }
0x90: {  	s14 =	simm.s32 $0x11A00;
	[tilespmem:s15+$0xFFFFFFF0] =	vst v60;
	v61 =	vld [tilespmem:s19+$0xFFFFFFF0];
	v36 =	vadd.f32 v52, v14;
	v53 =	vadd.f32 v26, v15  }
0x91: {  	(xrf2) =	vadd.scan.msk.f32 $0xffff, v23;
	v62 =	vld [tilespmem:s19+$0x0];
	[tilespmem:s14+$0xFFFFFFE0] =	vst v45;
	v26 =	vadd.f32 v41, v31;
	v25 =	vadd.f32 v44, v47  }
0x92: {  	(xrf2) =	vadd.scan.msk.f32 $0xffff, v28;
	v31 =	vld [tilespmem:s19+$0x40];
	[tilespmem:s14+$0x70] =	vst v46;
	v47 =	vadd.f32 v49, v13;
	v49 =	vadd.f32 v57, v14  }
0x93: {  	v54 =	vld [tilespmem:s19+$0xFFFFFFA0];
	v28 =	vmul.f32 v45, v45;
	[tilespmem:s14+$0xFFFFFFC0] =	vst v36;
	v41 =	vadd.f32 v63, v15;
	v55 =	vmul.f32 v36, v36  }
0x94: {  	v36 =	vadd.f32 v50, v36;
	[tilespmem:s14+$0x60] =	vst v47;
	v23 =	vmul.f32 v49, v49;
	v57 =	vadd.f32 v46, v47  }
0x95: {  	v51 =	vld [tilespmem:s19+$0xFFFFFFB0];
	[tilespmem:s14+$0xFFFFFF80] =	vst v49;
	v47 =	vmul.f32 v47, v47;
	v46 =	vmul.f32 v46, v46;
	v49 =	vadd.f32 v41, v49  }
0x96: {  	v59 =	vld [tilespmem:s19+$0x30];
	[tilespmem:s14+$0xFFFFFFD0] =	vst v50;
	v60 =	vmul.f32 v53, v53;
	v48 =	vadd.f32 v61, v16;
	v44 =	vadd.f32 v62, v14  }
0x97: {  	[tilespmem:s14+$0x50] =	vst v40;
	v52 =	vadd.f32 v31, v14;
	v31 =	vmul.f32 v41, v41;
	v46 =	vadd.f32 v46, v47  }
0x98: {  	s5 =	simm.s32 $0x9B00;
	[tilespmem:s14+$0xFFFFFF90] =	vst v41;
	v61 =	vld [tilespmem:s19+$0x20];
	v38 =	vadd.f32 v48, v45;
	v32 =	vmul.f32 v48, v48;
	v45 =	vadd.f32 v54, v13  }
0x99: {  	[tilespmem:s14+$0x10] =	vst v53;
	v47 =	vld [tilespmem:s5+$0xFFFFFFF0];
	v62 =	vmul.f32 v44, v44;
	v56 =	vadd.f32 v40, v52;
	v58 =	vadd.f32 v31, v23  }
0x9a: {  	[tilespmem:s14+$0xFFFFFFF0] =	vst v48;
	v23 =	vmul.f32 v50, v50;
	v28 =	vadd.f32 v32, v28;
	v32 =	vadd.f32 v38, v36  }
0x9b: {  	[tilespmem:s14+$0x0] =	vst v44;
	v36 =	vadd.f32 v60, v62;
	v38 =	vmul.f32 v40, v40;
	v40 =	vadd.f32 v59, v16;
	v62 =	vld [tilespmem:s5+$0x60]  }
0x9c: {  	(xrf2) =	vadd.scan.msk.f32 $0xffff, v30;
	[tilespmem:s14+$0x40] =	vst v52;
	v55 =	vadd.f32 v23, v55;
	v23 =	vadd.f32 v51, v16;
	v51 =	vld [tilespmem:s5+$0xFFFFFFC0]  }
0x9d: {  	v50 =	vld [tilespmem:s5+$0x10];
	v54 =	vmul.f32 v45, v45;
	v31 =	vadd.f32 v57, v56;
	v57, _, _ =	vpop (xrf2);
	v48 =	vadd.f32 v61, v13;
	(xrf2) =	vadd.scan.msk.f32 $0xffff, v35  }
0x9e: {  	v53 =	vadd.f32 v53, v44;
	[tilespmem:s15+$0x0] =	vst v57;
	v57 =	vld [tilespmem:s5+$0xFFFFFF80];
	v47 =	vadd.f32 v47, v16;
	v56 =	vmul.f32 v23, v23  }
0x9f: {  	v59 =	vmul.f32 v40, v40;
	[tilespmem:s14+$0x30] =	vst v40;
	v28 =	vadd.f32 v28, v55;
	v61 =	vadd.f32 v40, v48;
	v40 =	vld [tilespmem:s5+$0xFFFFFF90]  }
0xa0: {  	[tilespmem:s14+$0xFFFFFFA0] =	vst v45;
	v45 =	vadd.f32 v23, v45;
	v55, _, _ =	vpop (xrf2);
	v30 =	vadd.f32 v56, v54;
	v56 =	vmul.f32 v48, v48  }
0xa1: {  	v60 =	vld [tilespmem:s5+$0x70];
	v35 =	vmul.f32 v52, v52;
	(xrf2) =	vadd.scan.msk.f32 $0xffff, v33;
	v41 =	vadd.f32 v62, v13;
	v54, _, _ =	vpop (xrf2);
	v51 =	vadd.f32 v51, v14  }
0xa2: {  	[tilespmem:s14+$0x20] =	vst v48;
	v52, _, _ =	vpop (xrf2);
	v30 =	vadd.f32 v30, v58;
	v63 =	vadd.f32 v59, v56;
	v56 =	vld [tilespmem:s5+$0xFFFFFFE0]  }
0xa3: {  	s18 =	simm.s32 $0x13EA0;
	(xrf2) =	vadd.scan.msk.f32 $0xffff, v42;
	v58 =	vld [tilespmem:s5+$0x0];
	v29 =	vadd.f32 v57, v14;
	[tilespmem:s15+$0x10] =	vst v52;
	v52 =	vadd.f32 v38, v35  }
0xa4: {  	[tilespmem:s18+$0x10] =	vst v55;
	v59 =	vld [tilespmem:s5+$0x40];
	(xrf2) =	vadd.scan.msk.f32 $0xffff, v37;
	v38 =	vadd.f32 v50, v15;
	v37 =	vadd.f32 v40, v15  }
0xa5: {  	s16 =	simm.s32 $0x11B00;
	[tilespmem:s18+$0x0] =	vst v54;
	v40 =	vadd.f32 v45, v49;
	v35 =	vadd.f32 v63, v36;
	v63 =	vld [tilespmem:s5+$0x50]  }
0xa6: {  	v48, _, _ =	vpop (xrf2);
	(xrf2) =	vadd.scan.msk.f32 $0xffff, v39;
	v36 =	vadd.f32 v61, v53;
	v61 =	vld [tilespmem:s5+$0xFFFFFFD0];
	[tilespmem:s16+$0xFFFFFFC0] =	vst v51;
	v45 =	vmul.f32 v29, v29  }
0xa7: {  	s7 =	simm.s32 $0x13720;
	[tilespmem:s16+$0x60] =	vst v41;
	v33 =	vadd.f32 v46, v52;
	v53 =	vmul.f32 v38, v38;
	v46 =	vadd.f32 v60, v16;
	v62, _, _ =	vpop (xrf2)  }
0xa8: {  	v52 =	vld [tilespmem:s5+$0xFFFFFFB0];
	v57 =	vmul.f32 v37, v37;
	v54 =	vadd.f32 v56, v13;
	v42 =	vadd.f32 v58, v14;
	[tilespmem:s7+$0xFFFFFFF0] =	vst v62  }
0xa9: {  	v44 =	vadd.f32 v59, v14;
	v56 =	vmul.f32 v47, v47;
	v59 =	vld [tilespmem:s5+$0xFFFFFFA0];
	v60 =	vadd.f32 v46, v41;
	[tilespmem:s16+$0x70] =	vst v46  }
0xaa: {  	v58 =	vmul.f32 v51, v51;
	v45 =	vadd.f32 v57, v45;
	[tilespmem:s16+$0xFFFFFF80] =	vst v29;
	v49 =	vadd.f32 v63, v15  }
0xab: {  	v55 =	vadd.f32 v61, v15;
	v57 =	vmul.f32 v54, v54;
	[tilespmem:s16+$0x40] =	vst v44;
	v63, _, _ =	vpop (xrf2);
	(xrf2) =	vadd.scan.msk.f32 $0xffff, v43  }
0xac: {  	v50 =	vadd.f32 v47, v54;
	v61 =	vld [tilespmem:s5+$0x30];
	v62 =	vmul.f32 v42, v42;
	[tilespmem:s2+$0xFFFFFFE0] =	vst v63;
	v39 =	vadd.f32 v49, v44  }
0xad: {  	v51 =	vadd.f32 v55, v51;
	v57 =	vadd.f32 v56, v57;
	v56 =	vld [tilespmem:s5+$0x20];
	[tilespmem:s18+$0xFFFFFFE0] =	vst v48;
	v48 =	vmul.f32 v55, v55  }
0xae: {  	s31 =	sshll.u32 s30, $0x1;
	s9 =	simm.s32 $0x13F20;
	s10 =	simm.s32 $0x13760;
	[tilespmem:s16+$0xFFFFFFE0] =	vst v54;
	(xrf2) =	vadd.scan.msk.f32 $0xffff, v24;
	v24 =	vadd.f32 v52, v16;
	v43 =	vadd.f32 v59, v13  }
0xaf: {  	s13 =	simm.s32 $0x13F60;
	s11 =	simm.s32 $0x13FA0;
	s12 =	simm.s32 $0x9C00;
	[tilespmem:s16+$0xFFFFFFD0] =	vst v55;
	v39 =	vadd.f32 v60, v39;
	v58 =	vadd.f32 v48, v58  }
0xb0: {  	s28 =	simm.s32 $0x11C00;
	s29 =	simm.s32 $0x137A0;
	s17 =	simm.s32 $0x10;
	[tilespmem:s16+$0x50] =	vst v49;
	v54 =	vadd.f32 v50, v51;
	v55, _, _ =	vpop (xrf2);
	v48 =	vadd.f32 v53, v62  }
0xb1: {  	s3 =	simm.s32 $0x137A0;
	s19 =	simm.s32 $0x13EE0;
	s5 =	simm.s32 $0x13FA0;
	v53 =	vmul.f32 v49, v49;
	v52 =	vadd.f32 v61, v16;
	v51, _, _ =	vpop (xrf2);
	(xrf2) =	vadd.scan.msk.f32 $0xffff, v34;
	v50 =	vadd.f32 v57, v58  }
.LBB2_3:
0xb2: {  	v57 =	vld [tilespmem:s12+$0xFFFFFFC0];
	s17 =	sadd.s32 $0x4, s17;
	v58 =	vmul.f32 v43, v43;
	v59 =	vmul.f32 v24, v24;
	[tilespmem:s16+$0xFFFFFFF0] =	vst v47;
	v56 =	vadd.f32 v56, v13;
	s3 =	sadd.s32 $0x40, s3;
	s11 =	sadd.s32 $0x40, s11;
	v47, _, _ =	vpop (xrf2)  }
0xb3: {  	v61 =	vadd.f32 v38, v42;
	v34 =	vmovc v30;
	v49 =	vmov v28;
	v60 =	vld [tilespmem:s12+$0x10];
	p0 =	slt.u32 s17, $0x7C;
	[tilespmem:s16+$0x10] =	vst v38;
	v38 =	vmul.f32 v52, v52  }
0xb4: {  	v41 =	vmul.f32 v41, v41;
	v62 =	vld [tilespmem:s12+$0x70];
	v0 =	vadd.f32 v59, v58;
	v58 =	vmul.f32 v56, v56;
	[tilespmem:s7+$0x0] =	vst v55  }
0xb5: {  	v44 =	vmul.f32 v44, v44;
	v46 =	vmul.f32 v46, v46;
	v59 =	vadd.f32 v52, v56;
	v55 =	vld [tilespmem:s12+$0xFFFFFF80];
	(xrf2) =	vadd.scan.msk.f32 $0xffff, v32;
	v63, _, _ =	vpop (xrf2)  }
0xb6: {  	v28 =	vmovc v50;
	v32 =	vmov v54;
	v1 =	vld [tilespmem:s12+$0x60];
	v30 =	vadd.f32 v0, v45;
	v45 =	vadd.f32 v38, v58;
	[tilespmem:s19+$0x0] =	vst v47  }
0xb7: {  	v44 =	vadd.f32 v53, v44;
	v41 =	vadd.f32 v46, v41;
	v47 =	vld [tilespmem:s12+$0xFFFFFFE0];
	[tilespmem:s7+$0x10] =	vst v63  }
0xb8: {  	v46 =	vld [tilespmem:s12+$0xFFFFFFF0];
	v38 =	vadd.f32 v60, v15;
	v45 =	vadd.f32 v45, v48;
	[tilespmem:s0+$0xFFFFFFB0] =	vst v18;
	(xrf2) =	vadd.scan.msk.f32 $0xffff, v21;
	v48, _, _ =	vpop (xrf2);
	s0 =	smov.u32 s4;
	s4 =	smov.u32 s14;
	s14 =	smov.u32 s16  }
0xb9: {  	v0 =	vadd.f32 v59, v61;
	v44 =	vadd.f32 v41, v44;
	v21 =	vmovc v27;
	v27 =	vmov v40;
	s16 =	smov.u32 s28;
	v50 =	vld [tilespmem:s12+$0x0];
	[tilespmem:s14+$0xFFFFFF90] =	vst v37  }
0xba: {  	v53 =	vadd.f32 v57, v14;
	v40 =	vadd.f32 v37, v29;
	v57 =	vmul.f32 v38, v38;
	v54 =	vld [tilespmem:s12+$0x50];
	[tilespmem:s14+$0xFFFFFFA0] =	vst v43  }
0xbb: {  	v37 =	vld [tilespmem:s12+$0x40];
	v41 =	vadd.f32 v1, v13;
	[tilespmem:s14+$0x30] =	vst v52;
	(xrf2) =	vadd.scan.msk.f32 $0xffff, v36;
	v1, _, _ =	vpop (xrf2);
	v36 =	vmov v0  }
0xbc: {  	v18 =	vmovc v19;
	v19 =	vmov v23;
	v29 =	vadd.f32 v55, v14;
	v52 =	vld [tilespmem:s12+$0xFFFFFF90];
	v58 =	vadd.f32 v47, v13;
	[tilespmem:s19+$0x10] =	vst v51  }
0xbd: {  	v23 =	vmov v24;
	v51 =	vld [tilespmem:s12+$0xFFFFFFD0];
	v47 =	vadd.f32 v46, v16;
	[tilespmem:s14+$0x20] =	vst v56  }
0xbe: {  	[tilespmem:s28+$0xFFFFFFC0] =	vst v53;
	v24 =	vadd.f32 v50, v14;
	(xrf2) =	vadd.scan.msk.f32 $0xffff, v26;
	v26 =	vmovc v33;
	v33 =	vmov v44  }
0xbf: {  	v43 =	vadd.f32 v23, v43;
	v50 =	vmul.f32 v47, v47;
	[tilespmem:s14+$0x0] =	vst v42;
	v42, _, _ =	vpop (xrf2)  }
0xc0: {  	v59 =	vadd.f32 v47, v58;
	v60 =	vmul.f32 v24, v24;
	v44 =	vadd.f32 v37, v14;
	[tilespmem:s10+$0xFFFFFFF0] =	vst v42  }
0xc1: {  	v40 =	vadd.f32 v43, v40;
	v37 =	vadd.f32 v52, v15;
	[tilespmem:s28+$0x60] =	vst v41;
	(xrf2) =	vadd.scan.msk.f32 $0xffff, v25;
	v25 =	vmovc v35  }
0xc2: {  	v46 =	vadd.f32 v62, v16;
	v42 =	vmul.f32 v29, v29;
	v52 =	vadd.f32 v54, v15;
	v35, _, _ =	vpop (xrf2);
	[tilespmem:s18+$0xFFFFFFF0] =	vst v48;
	s18 =	smov.u32 s19;
	s19 =	smov.u32 s9;
	s9 =	smov.u32 s13  }
0xc3: {  	v48 =	vadd.f32 v51, v15;
	v51 =	vmul.f32 v53, v53;
	v61 =	vld [tilespmem:s12+$0xFFFFFFB0];
	v43 =	vmul.f32 v37, v37;
	[tilespmem:s15+$0xFFFFFFE0] =	vst v35;
	s15 =	smov.u32 s7;
	s7 =	smov.u32 s10;
	s10 =	smov.u32 s29  }
0xc4: {  	v63 =	vadd.f32 v46, v41;
	s13 =	smov.u32 s5;
	s5 =	smov.u32 s11;
	v54 =	vadd.f32 v52, v44;
	v35 =	vmovc v45;
	s29 =	smov.u32 s3;
	v62 =	vld [tilespmem:s12+$0xFFFFFFA0];
	(xrf2) =	vadd.scan.msk.f32 $0xffff, v31;
	[tilespmem:s18+$0xFFFFFFE0] =	vst v1  }
0xc5: {  	v1 =	vmul.f32 v48, v48;
	v45 =	vadd.f32 v43, v42;
	v43 =	vmul.f32 v58, v58;
	v0 =	vld [tilespmem:s12+$0x30];
	[tilespmem:s28+$0x40] =	vst v44;
	v55, _, _ =	vpop (xrf2)  }
.Ltmp2:
0xc6: {  	v31 =	vmovc v39;
	v42 =	vmov v24;
	v39 =	vadd.f32 v63, v54;
	[tilespmem:s28+$0xFFFFFFD0] =	vst v48;
	v48 =	vadd.f32 v48, v53;
	v56 =	vld [tilespmem:s12+$0x20];
	(pc) =	sbr.rel @p0 .LBB2_3-.Ltmp2, $4  }
0xc7: {  	v1 =	vadd.f32 v1, v51;
	v50 =	vadd.f32 v50, v43;
	[tilespmem:s28+$0x50] =	vst v52;
	(xrf2) =	vadd.scan.msk.f32 $0xffff, v17;
	v17 =	vmovc v20  }
0xc8: {  	v20 =	vmov v49;
	[tilespmem:s28+$0xFFFFFFE0] =	vst v58;
	v54 =	vadd.f32 v59, v48;
	v48 =	vadd.f32 v57, v60;
	v51, _, _ =	vpop (xrf2)  }
0xc9: {  	s2 =	simm.s32 $0x14690;
	s1 =	simm.s32 $0x14710;
	s6 =	simm.s32 $0x10;
	v53 =	vmul.f32 v52, v52;
	v24 =	vadd.f32 v61, v16;
	v43 =	vadd.f32 v62, v13;
	[tilespmem:s28+$0x70] =	vst v46  }
0xca: {  	s12 =	sadd.s32 $0x100, s12;
	v50 =	vadd.f32 v50, v1;
	s28 =	sadd.s32 $0x100, s28;
	[tilespmem:s16+$0xFFFFFF80] =	vst v29;
	v52 =	vadd.f32 v0, v16;
	(xrf2) =	vadd.scan.msk.f32 $0xffff, v22;
	v22 =	vmovc v34  }
0xcb: {  	[tilespmem:s16+$0xFFFFFFF0] =	vst v47  }
0xcc: {  	[tilespmem:s16+$0x10] =	vst v38  }
0xcd: {  	(xrf2) =	vadd.scan.msk.f32 $0xffff, v32;
	[tilespmem:s7+$0x0] =	vst v55  }
0xce: {  	v0, _, _ =	vpop (xrf2);
	[tilespmem:s0+$0xFFFFFFB0] =	vst v18;
	(xrf2) =	vadd.scan.msk.f32 $0xffff, v21  }
0xcf: {  	[tilespmem:s16+$0xFFFFFF90] =	vst v37  }
0xd0: {  	[tilespmem:s16+$0xFFFFFFA0] =	vst v43;
	v1, _, _ =	vpop (xrf2);
	(xrf2) =	vadd.scan.msk.f32 $0xffff, v36  }
0xd1: {  	[tilespmem:s19+$0x0] =	vst v0;
	v0 =	vadd.f32 v56, v13;
	(xrf2) =	vadd.scan.msk.f32 $0xffff, v26  }
0xd2: {  	[tilespmem:s19+$0x10] =	vst v51;
	(xrf2) =	vadd.scan.msk.f32 $0xffff, v25  }
0xd3: {  	[tilespmem:s16+$0x0] =	vst v42;
	v13 =	vadd.f32 v52, v0;
	(xrf2) =	vadd.scan.msk.f32 $0xffff, v31  }
0xd4: {  	[tilespmem:s4+$0xFFFFFFB0] =	vst v19;
	(xrf2) =	vadd.scan.msk.f32 $0xffff, v17  }
0xd5: {  	[tilespmem:s7+$0x10] =	vst v1;
	v1 =	vadd.f32 v38, v42;
	v14, _, _ =	vpop (xrf2);
	(xrf2) =	vadd.scan.msk.f32 $0xffff, v22  }
0xd6: {  	[tilespmem:s14+$0xFFFFFFB0] =	vst v23;
	v15, _, _ =	vpop (xrf2);
	(xrf2) =	vadd.scan.msk.f32 $0xffff, v54  }
0xd7: {  	v1 =	vadd.f32 v13, v1;
	[tilespmem:s18+$0xFFFFFFF0] =	vst v14;
	v13, _, _ =	vpop (xrf2)  }
0xd8: {  	(xrf2) =	vadd.scan.msk.f32 $0xffff, v27;
	[tilespmem:s10+$0xFFFFFFF0] =	vst v13;
	v13, _, _ =	vpop (xrf2)  }
0xd9: {  	v14 =	vmul.f32 v44, v44;
	[tilespmem:s15+$0xFFFFFFE0] =	vst v13  }
0xda: {  	v16 =	vmul.f32 v46, v46;
	(xrf2) =	vadd.scan.msk.f32 $0xffff, v1;
	v13, _, _ =	vpop (xrf2);
	[tilespmem:s19+$0xFFFFFFE0] =	vst v15  }
0xdb: {  	v1 =	vmul.f32 v41, v41;
	(xrf2) =	vadd.scan.msk.f32 $0xffff, v33;
	v15, _, _ =	vpop (xrf2);
	[tilespmem:s10+$0x0] =	vst v13;
	v13 =	vadd.f32 v53, v14  }
0xdc: {  	v59 =	vmul.f32 v52, v52;
	[tilespmem:s16+$0x20] =	vst v0;
	v0 =	vmul.f32 v0, v0;
	(xrf2) =	vadd.scan.msk.f32 $0xffff, v35;
	v60, _, _ =	vpop (xrf2)  }
0xdd: {  	[tilespmem:s16+$0xFFFFFFB0] =	vst v24;
	v1 =	vadd.f32 v16, v1;
	(xrf2) =	vadd.scan.msk.f32 $0xffff, v39;
	v14, _, _ =	vpop (xrf2)  }
0xde: {  	v0 =	vadd.f32 v59, v0;
	(xrf2) =	vadd.scan.msk.f32 $0xffff, v20;
	[tilespmem:s10+$0x10] =	vst v14;
	v14, _, _ =	vpop (xrf2)  }
0xdf: {  	[tilespmem:s16+$0x30] =	vst v52;
	v1 =	vadd.f32 v1, v13;
	v13, _, _ =	vpop (xrf2);
	(xrf2) =	vadd.scan.msk.f32 $0xffff, v30  }
0xe0: {  	v0 =	vadd.f32 v0, v48;
	[tilespmem:s9+$0x10] =	vst v15;
	v15, _, _ =	vpop (xrf2);
	(xrf2) =	vadd.scan.msk.f32 $0xffff, v40  }
0xe1: {  	v61 =	vmul.f32 v43, v43;
	[tilespmem:s9+$0x0] =	vst v60;
	(xrf2) =	vadd.scan.msk.f32 $0xffff, v1  }
0xe2: {  	v62 =	vmul.f32 v24, v24;
	[tilespmem:s29+$0xFFFFFFF0] =	vst v15;
	v15 =	vadd.f32 v24, v43;
	v63, _, _ =	vpop (xrf2);
	(xrf2) =	vadd.scan.msk.f32 $0xffff, v0  }
0xe3: {  	[tilespmem:s19+$0xFFFFFFF0] =	vst v14;
	v1 =	vadd.f32 v37, v29  }
0xe4: {  	v16 =	vadd.f32 v62, v61;
	v0, _, _ =	vpop (xrf2);
	[tilespmem:s7+$0xFFFFFFE0] =	vst v63  }
0xe5: {  	v1 =	vadd.f32 v15, v1;
	[tilespmem:s9+$0xFFFFFFE0] =	vst v13;
	v13, _, _ =	vpop (xrf2)  }
0xe6: {  	v14 =	vadd.f32 v16, v45;
	[tilespmem:s29+$0x0] =	vst v0;
	v15, _, _ =	vpop (xrf2)  }
0xe7: {  	(xrf2) =	vadd.scan.msk.f32 $0xffff, v28;
	[tilespmem:s13+$0x10] =	vst v13;
	v0, _, _ =	vpop (xrf2)  }
0xe8: {  	(xrf2) =	vadd.scan.msk.f32 $0xffff, v14;
	[tilespmem:s29+$0x10] =	vst v0;
	v0, _, _ =	vpop (xrf2)  }
0xe9: {  	(xrf2) =	vadd.scan.msk.f32 $0xffff, v1;
	[tilespmem:s13+$0x0] =	vst v15;
	v1, _, _ =	vpop (xrf2)  }
0xea: {  	[tilespmem:s9+$0xFFFFFFF0] =	vst v0;
	v13, _, _ =	vpop (xrf2)  }
0xeb: {  	v0, _, _ =	vpop (xrf2);
	[tilespmem:s10+$0xFFFFFFE0] =	vst v13  }
0xec: {  	v13, _, _ =	vpop (xrf2);
	[tilespmem:s13+$0xFFFFFFE0] =	vst v1  }
0xed: {  	(xrf2) =	vadd.scan.msk.f32 $0xffff, v50;
	[tilespmem:s5+$0x0] =	vst v13  }
0xee: {  	v36 =	vld [tilespmem:$0x1FFF0];
	_ =	sdelay $0x1  }
0xef: {  	s28 =	simm.s32 $0x0  }
0xf0: {  	v1 =	vmov s28  }
0xf1: {  	v14 =	vmov s6;
	v1 =	vshll.u32 v1, $0x4  }
0xf2: {  	v13, _, _ =	vpop (xrf2);
	v1 =	vor.u32 v36, v1  }
0xf3: {  	v15, _, _ =	vpop (xrf2);
	[tilespmem:s5+$0x10] =	vst v0;
	v0 =	vshll.u32 v14, $0x4;
	v1 =	vor.u32 $0xF, v1  }
0xf4: {  	[tilespmem:s13+$0xFFFFFFF0] =	vst v13;
	v14, _, _ =	vpop (xrf2);
	v0 =	vor.u32 v36, v0  }
0xf5: {  	[tilespmem:s29+$0xFFFFFFE0] =	vst v14;
	v0 =	vor.u32 $0xF, v0  }
0xf6: {  	p3 =	por $0x1, $0x1;
	v13, _, _ =	vpop (xrf2);
	[tilespmem:s5+$0xFFFFFFE0] =	vst v15  }
.Ltmp3:
0xf7: {  	[tilespmem:s5+$0xFFFFFFF0] =	vst v13;
	(pc) =	sbr.rel @!p3 .LBB2_5-.Ltmp3, $4  }
0xf8: {  	v25 =	vld.idx.msk [tilespmem:v1+s21+$0x0], $0xffff  }
0xf9: {  	v24 =	vld.idx.msk [tilespmem:v1+s22+$0x0], $0xffff  }
0xfa: {  	s0 =	simm.s32 $0x30;
	v22 =	vld.idx.msk [tilespmem:v0+s21+$0x0], $0xffff  }
0xfb: {  	p1 =	por $0x0, $0x0;
	p2 =	por $0x0, $0x0;
	p0 =	por $0x0, $0x0;
	v21 =	vld.idx.msk [tilespmem:v0+s22+$0x0], $0xffff  }
0xfc: {  	_ = 	snop  }
0xfd: {  	s3 =	simm.s32 $0x20;
	v14 =	vmul.f32 $1.562500000e-02, v25  }
0xfe: {  	v0 =	vmov s3  }
0xff: {  	v0 =	vshll.u32 v0, $0x4;
	v1 =	vmul.f32 $1.562500000e-02, v24;
	v15 =	vmul.f32 v14, v14  }
0x100: {  	v16 =	vmov s0;
	v0 =	vor.u32 v36, v0;
	v13 =	vmul.f32 $1.562500000e-02, v22  }
0x101: {  	v16 =	vshll.u32 v16, $0x4;
	v0 =	vor.u32 $0xF, v0;
	v1 =	vsub.f32 v1, v15  }
0x102: {  	v15 =	vor.u32 v36, v16;
	v16 =	vmul.f32 $1.562500000e-02, v21;
	v17 =	vmul.f32 v13, v13  }
0x103: {  	v15 =	vor.u32 $0xF, v15;
	v1 =	vadd.f32 $1.000000050e-03, v1  }
0x104: {  	p3 =	por $0x1, $0x1;
	v16 =	vsub.f32 v16, v17  }
.Ltmp4:
0x105: {  	v61 =	vld [tilespmem:$0x1FFE0];
	v17 =	vshra.s32 v1, $0x1;
	v18 =	vmul.f32 $5.000000000e-01, v1;
	(pc) =	sbr.rel @!p3 .LBB2_7-.Ltmp4, $4  }
0x106: {  	v25 =	vld.idx.msk [tilespmem:v0+s21+$0x0], $0xffff;
	v1 =	vadd.f32 $1.000000050e-03, v16;
	v23 =	vsub.s32 $0x5F3759DF, v17  }
0x107: {  	v24 =	vld.idx.msk [tilespmem:v0+s22+$0x0], $0xffff;
	v0 =	vmul.f32 v23, v18  }
0x108: {  	v22 =	vld.idx.msk [tilespmem:v15+s21+$0x0], $0xffff;
	v17 =	vshra.s32 v1, $0x1  }
0x109: {  	s0 =	simm.s32 $0x50;
	p1 =	por $0x1, $0x1;
	v21 =	vld.idx.msk [tilespmem:v15+s22+$0x0], $0xffff;
	v16 =	vmul.f32 $5.000000000e-01, v1;
	v17 =	vsub.s32 $0x5F3759DF, v17;
	v30 =	vmul.f32 v23, v0  }
0x10a: {  	_ = 	snop  }
0x10b: {  	s3 =	simm.s32 $0x40;
	v0 =	vmov s0;
	v31 =	vmul.f32 $1.562500000e-02, v25;
	v1 =	vsub.f32 $1.500000000e+00, v30  }
0x10c: {  	v19 =	vmul.f32 v17, v16;
	v15 =	vmov s3;
	v20 =	vmul.f32 $1.562500000e-02, v24  }
0x10d: {  	v15 =	vshll.u32 v15, $0x4;
	v24 =	vmul.f32 v31, v31;
	v1 =	vmul.f32 v23, v1  }
0x10e: {  	v0 =	vshll.u32 v0, $0x4;
	v23 =	vor.u32 v36, v15;
	v15 =	vmul.f32 $1.562500000e-02, v22  }
0x10f: {  	v22 =	vor.u32 $0xF, v23;
	v20 =	vsub.f32 v20, v24;
	v18 =	vmul.f32 v1, v18  }
0x110: {  	v0 =	vor.u32 v36, v0;
	v21 =	vmul.f32 $1.562500000e-02, v21;
	v23 =	vmul.f32 v15, v15  }
0x111: {  	v0 =	vor.u32 $0xF, v0;
	v20 =	vadd.f32 $1.000000050e-03, v20;
	v24 =	vmul.f32 v18, v1  }
0x112: {  	p3 =	por $0x1, $0x1;
	v19 =	vmul.f32 v17, v19;
	v21 =	vsub.f32 v21, v23  }
.Ltmp5:
0x113: {  	v23 =	vshra.s32 v20, $0x1;
	v18 =	vmul.f32 $5.000000000e-01, v20;
	v20 =	vsub.f32 $1.500000000e+00, v24;
	(pc) =	sbr.rel @!p3 .LBB2_9-.Ltmp5, $4  }
0x114: {  	v25 =	vld.idx.msk [tilespmem:v22+s21+$0x0], $0xffff;
	v26 =	vadd.f32 $1.000000050e-03, v21;
	v23 =	vsub.s32 $0x5F3759DF, v23  }
0x115: {  	v19 =	vsub.f32 $1.500000000e+00, v19;
	v24 =	vld.idx.msk [tilespmem:v22+s22+$0x0], $0xffff;
	v27 =	vmul.f32 v23, v18;
	v1 =	vmul.f32 v20, v1  }
0x116: {  	[tilespmem:s2+$0xFFFFFFF0] =	vst v14;
	v22 =	vld.idx.msk [tilespmem:v0+s21+$0x0], $0xffff;
	v28 =	vshra.s32 v26, $0x1;
	v20 =	vmul.f32 $5.000000000e-01, v26  }
0x117: {  	s0 =	simm.s32 $0x70;
	p2 =	por $0x1, $0x1;
	v19 =	vmul.f32 v17, v19;
	v21 =	vld.idx.msk [tilespmem:v0+s22+$0x0], $0xffff;
	v17 =	vsub.s32 $0x5F3759DF, v28;
	v30 =	vmul.f32 v23, v27;
	[tilespmem:s1+$0xFFFFFFF0] =	vst v1  }
0x118: {  	v0 =	vmov s0  }
0x119: {  	s29 =	simm.s32 $0x60;
	v1 =	vmul.f32 v17, v20;
	v14 =	vmul.f32 $1.562500000e-02, v25;
	v25 =	vsub.f32 $1.500000000e+00, v30  }
0x11a: {  	v26 =	vmul.f32 v19, v16;
	v27 =	vmov s29;
	v24 =	vmul.f32 $1.562500000e-02, v24  }
0x11b: {  	v27 =	vshll.u32 v27, $0x4;
	v29 =	vmul.f32 v14, v14;
	v30 =	vmul.f32 v23, v25  }
0x11c: {  	v0 =	vshll.u32 v0, $0x4;
	v23 =	vor.u32 v36, v27;
	v28 =	vmul.f32 $1.562500000e-02, v22  }
0x11d: {  	v22 =	vor.u32 $0xF, v23;
	v23 =	vsub.f32 v24, v29;
	v18 =	vmul.f32 v30, v18  }
0x11e: {  	v0 =	vor.u32 v36, v0;
	v21 =	vmul.f32 $1.562500000e-02, v21;
	v24 =	vmul.f32 v28, v28  }
0x11f: {  	v0 =	vor.u32 $0xF, v0;
	v23 =	vadd.f32 $1.000000050e-03, v23;
	v25 =	vmul.f32 v18, v30  }
0x120: {  	p4 =	por $0x0, $0x0;
	v1 =	vmul.f32 v17, v1;
	v26 =	vmul.f32 v26, v19;
	v21 =	vsub.f32 v21, v24  }
.Ltmp6:
0x121: {  	v24 =	vshra.s32 v23, $0x1;
	v18 =	vmul.f32 $5.000000000e-01, v23;
	v27 =	vsub.f32 $1.500000000e+00, v25;
	(pc) =	sbr.rel @!p4 .LBB2_11-.Ltmp6, $4  }
0x122: {  	v1 =	vsub.f32 $1.500000000e+00, v1;
	v25 =	vld.idx.msk [tilespmem:v22+s21+$0x0], $0xffff;
	v21 =	vadd.f32 $1.000000050e-03, v21;
	v23 =	vsub.s32 $0x5F3759DF, v24  }
0x123: {  	[tilespmem:s2+$0x0] =	vst v13;
	s0 =	simm.s32 $0x146B0;
	v33 =	vsub.f32 $1.500000000e+00, v26;
	v24 =	vld.idx.msk [tilespmem:v22+s22+$0x0], $0xffff;
	v29 =	vmul.f32 v23, v18;
	v32 =	vmul.f32 v27, v30  }
0x124: {  	s5 =	simm.s32 $0x6;
	s3 =	simm.s32 $0x14730;
	[tilespmem:s0+$0xFFFFFFF0] =	vst v31;
	v22 =	vld.idx.msk [tilespmem:v0+s21+$0x0], $0xffff;
	v34 =	vshra.s32 v21, $0x1;
	v26 =	vmul.f32 $5.000000000e-01, v21;
	v27 =	vmul.f32 v17, v1  }
0x125: {  	s6 =	simm.s32 $0x90;
	p3 =	por $0x1, $0x1;
	s4 =	simm.s32 $0x14710;
	v21 =	vld.idx.msk [tilespmem:v0+s22+$0x0], $0xffff;
	v17 =	vsub.s32 $0x5F3759DF, v34;
	v30 =	vmul.f32 v23, v29;
	[tilespmem:s3+$0xFFFFFFF0] =	vst v32;
	v29 =	vmul.f32 v33, v19  }
.LBB2_12:
0x126: {  	s7 =	sadd.s32 $0xFFFFFFF0, s6;
	v0 =	vmov s6;
	s5 =	sadd.s32 $0x2, s5;
	v1 =	vmul.f32 v17, v26;
	v31 =	vmul.f32 v27, v20;
	[tilespmem:s0+$0x0] =	vst v15;
	v15 =	vmovc v28;
	v20 =	vmovc v26  }
0x127: {  	v32 =	vmul.f32 $1.562500000e-02, v25;
	v26 =	vmov s7;
	p4 =	slt.u32 s5, $0x6;
	v25 =	vsub.f32 $1.500000000e+00, v30;
	[tilespmem:s4+$0x0] =	vst v29;
	v29 =	vmovc v27;
	s4 =	smov.u32 s3  }
0x128: {  	v0 =	vshll.u32 v0, $0x4;
	v24 =	vmul.f32 $1.562500000e-02, v24;
	v26 =	vshll.u32 v26, $0x4  }
0x129: {  	v27 =	vmul.f32 v32, v32;
	v26 =	vor.u32 v36, v26;
	v30 =	vmul.f32 v23, v25  }
0x12a: {  	v0 =	vor.u32 v36, v0;
	v28 =	vmul.f32 $1.562500000e-02, v22;
	v23 =	vor.u32 $0xF, v26  }
0x12b: {  	v0 =	vor.u32 $0xF, v0;
	v22 =	vsub.f32 v24, v27;
	v18 =	vmul.f32 v30, v18  }
0x12c: {  	v21 =	vmul.f32 $1.562500000e-02, v21;
	v24 =	vmul.f32 v28, v28  }
0x12d: {  	v1 =	vmul.f32 v17, v1;
	v22 =	vadd.f32 $1.000000050e-03, v22;
	v26 =	vmul.f32 v18, v30  }
0x12e: {  	v27 =	vmul.f32 v31, v29;
	v21 =	vsub.f32 v21, v24  }
.Ltmp7:
0x12f: {  	v31 =	vshra.s32 v22, $0x1;
	v18 =	vmul.f32 $5.000000000e-01, v22;
	v25 =	vld.idx.msk [tilespmem:v23+s21+$0x0], $0xffff;
	v26 =	vsub.f32 $1.500000000e+00, v26;
	(pc) =	sbr.rel @p4 .LBB2_12-.Ltmp7, $4  }
0x130: {  	v1 =	vsub.f32 $1.500000000e+00, v1;
	v24 =	vld.idx.msk [tilespmem:v23+s22+$0x0], $0xffff;
	v23 =	vsub.s32 $0x5F3759DF, v31;
	v31 =	vadd.f32 $1.000000050e-03, v21  }
0x131: {  	s0 =	sadd.s32 $0x20, s0;
	v35 =	vsub.f32 $1.500000000e+00, v27;
	v22 =	vld.idx.msk [tilespmem:v0+s21+$0x0], $0xffff;
	v33 =	vmul.f32 v23, v18;
	v34 =	vmul.f32 v26, v30  }
0x132: {  	s3 =	sadd.s32 $0x20, s3;
	v27 =	vmul.f32 v17, v1;
	v21 =	vld.idx.msk [tilespmem:v0+s22+$0x0], $0xffff;
	v0 =	vshra.s32 v31, $0x1;
	v26 =	vmul.f32 $5.000000000e-01, v31;
	[tilespmem:s0+$0xFFFFFFF0] =	vst v14;
	v14 =	vmovc v32  }
0x133: {  	s6 =	sadd.s32 $0x20, s6;
	v29 =	vmul.f32 v35, v29;
	v30 =	vmul.f32 v23, v33;
	v17 =	vsub.s32 $0x5F3759DF, v0;
	[tilespmem:s3+$0xFFFFFFF0] =	vst v34  }
0x134: {  	v32 =	vmov v15;
	v15 =	vmov v28  }
.LBB2_14:
0x135: {  	v0 =	vmul.f32 $1.562500000e-02, v25  }
0x136: {  	v1 =	vmul.f32 $1.562500000e-02, v24  }
0x137: {  	v22 =	vmul.f32 $1.562500000e-02, v22;
	v57 =	vmul.f32 v0, v0;
	_ =	sdelay $0x1  }
0x138: {  	v21 =	vmul.f32 $1.562500000e-02, v21;
	v58 =	vmul.f32 v22, v22;
	v1 =	vsub.f32 v1, v57  }
0x139: {  	v25 =	vsub.f32 @p1 $1.500000000e+00, v30  }
0x13a: {  	v21 =	vsub.f32 v21, v58;
	v1 =	vadd.f32 $1.000000050e-03, v1  }
0x13b: {  	v24 =	vmul.f32 @p1 v17, v26;
	v23 =	vmul.f32 @p1 v23, v25  }
0x13c: {  	v21 =	vadd.f32 $1.000000050e-03, v21;
	v28 =	vshra.s32 v1, $0x1;
	v1 =	vmul.f32 $5.000000000e-01, v1  }
0x13d: {  	v24 =	vmul.f32 @p1 v17, v24;
	v18 =	vmul.f32 @p1 v23, v18;
	v59 =	vsub.s32 $0x5F3759DF, v28  }
0x13e: {  	v60 =	vshra.s32 v21, $0x1;
	v21 =	vmul.f32 $5.000000000e-01, v21;
	v28 =	vmul.f32 v59, v1  }
0x13f: {  	v24 =	vsub.f32 @p1 $1.500000000e+00, v24;
	v18 =	vmul.f32 @p1 v18, v23;
	v30 =	vsub.s32 $0x5F3759DF, v60  }
0x140: {  	v31 =	vmul.f32 v30, v21;
	v28 =	vmul.f32 v59, v28  }
0x141: {  	v17 =	vmul.f32 @p1 v17, v24;
	v18 =	vsub.f32 @p1 $1.500000000e+00, v18  }
0x142: {  	v31 =	vmul.f32 v30, v31;
	v28 =	vsub.f32 $1.500000000e+00, v28  }
0x143: {  	v20 =	vmul.f32 @p2 v27, v20;
	v17 =	vpsel p1, v17, v19;
	v18 =	vmul.f32 @p1 v18, v23;
	v23 =	vmovc @p1 v26  }
0x144: {  	v16 =	vpsel p1, v23, v16;
	v63 =	vsub.f32 $1.500000000e+00, v31;
	v62 =	vmul.f32 v59, v28  }
0x145: {  	[tilespmem:s0+$0x0] =	vst @p2 v32;
	s0 =	sadd.s32 @p2 $0x20, s0;
	s5 =	simm.s32 $0x14690;
	v20 =	vmul.f32 @p2 v20, v27;
	v16 =	vmul.f32 @p1 v17, v16  }
0x146: {  	[tilespmem:s4+$0x0] =	vst @p3 v29;
	s5 =	smov.u32 @p2 s0;
	v19 =	vmul.f32 v30, v63;
	v1 =	vmul.f32 v62, v1  }
0x147: {  	s4 =	simm.s32 $0x14710;
	s0 =	sadd.s32 @p2 $0x20, s3;
	[tilespmem:s5+$0xFFFFFFF0] =	vst @p1 v14;
	v20 =	vsub.f32 @p2 $1.500000000e+00, v20;
	v14 =	vmul.f32 @p1 v16, v17  }
0x148: {  	v13 =	vpsel p1, v15, v13;
	s4 =	smov.u32 @p2 s0;
	s0 =	smov.u32 @p2 s3;
	s3 =	sadd.s32 @p1 $0x20, s5;
	v16 =	vmul.f32 v19, v21;
	v1 =	vmul.f32 v1, v62  }
0x149: {  	[tilespmem:s5+$0x0] =	vst @p1 v13;
	s2 =	smov.u32 @p1 s3;
	v20 =	vmul.f32 @p2 v20, v27;
	v13 =	vsub.f32 @p1 $1.500000000e+00, v14  }
0x14a: {  	[tilespmem:s2+$0xFFFFFFF0] =	vst v0;
	v14 =	vmul.f32 v16, v19;
	v1 =	vsub.f32 $1.500000000e+00, v1  }
0x14b: {  	s28 =	simm.s32 $0x1;
	s0 =	smov.u32 @p2 s0;
	[tilespmem:s2+$0x0] =	vst v22;
	v15 =	vpsel p2, v20, v0;
	v0 =	vmul.f32 @p1 v13, v17  }
0x14c: {  	s29 =	simm.s32 $0x2;
	[tilespmem:s0+$0x0] =	vst @p2 v15;
	s0 =	sadd.s32 @p1 $0x20, s4;
	v21 =	vmov s28;
	v13 =	vsub.f32 $1.500000000e+00, v14;
	v1 =	vmul.f32 v1, v62  }
0x14d: {  	s19 =	simm.s32 $0x0;
	v22 =	vmov s29;
	s1 =	smov.u32 @p1 s0;
	s0 =	smov.u32 @p1 s4;
	[tilespmem:s4+$0xFFFFFFF0] =	vst @p1 v18  }
0x14e: {  	v23 =	vmov s19;
	s0 =	smov.u32 @p1 s0;
	v0 =	vpsel p1, v0, v0;
	[tilespmem:s1+$0xFFFFFFF0] =	vst v1;
	v1 =	vmul.f32 v13, v19  }
0x14f: {  	[tilespmem:s0+$0x0] =	vst @p1 v0  }
0x150: {  	p1 =	por $0x1, $0x1;
	[tilespmem:s1+$0x0] =	vst v1  }
.Ltmp8:
0x151: {  	v14 =	vld.idx.msk [tilespmem:v21+s24+$0x0], $0xffff;
	(pc) =	sbr.rel @!p1 .LBB2_15-.Ltmp8, $3  }
0x152: {  	v15 =	vld.idx.msk [tilespmem:v22+s24+$0x0], $0xffff  }
0x153: {  	v13 =	vld.idx.msk [tilespmem:v23+s24+$0x0], $0xffff;
	_ =	sdelay $0x1  }
0x154: {  	s4 =	simm.s32 $0x3;
	s0 =	simm.s32 $0x11700;
	s1 =	simm.s32 $0x4;
	v17 =	vld.idx.msk [tilespmem:v23+s23+$0x0], $0xffff  }
0x155: {  	_ =	sdelay $0x2  }
0x156: {  	v0 =	vmov s4  }
0x157: {  	v30 =	vld.idx.msk [tilespmem:v21+s23+$0x0], $0xffff  }
0x158: {  	v1 =	vld [tilespmem:s0+$0x40]  }
0x159: {  	v18 =	vld [tilespmem:s0+$0xFFFFFF80]  }
0x15a: {  	v19 =	vld [tilespmem:s0+$0xFFFFFFC0]  }
0x15b: {  	v38 =	vld.idx.msk [tilespmem:v0+s23+$0x0], $0xffff  }
0x15c: {  	v27 =	vld.idx.msk [tilespmem:v22+s23+$0x0], $0xffff  }
0x15d: {  	v31 =	vld.idx.msk [tilespmem:v0+s24+$0x0], $0xffff  }
0x15e: {  	v20 =	vld [tilespmem:s0+$0x0]  }
0x15f: {  	v18 =	vsub.f32 v18, v17  }
0x160: {  	v16 =	vand.u32 $0x7C, v23;
	v24 =	vand.u32 $0x7D, v21;
	v1 =	vsub.f32 v1, v38  }
0x161: {  	v32 =	vand.u32 $0x7F, v0;
	v0 =	vsub.f32 v19, v30;
	v18 =	vmul.f32 v18, v13  }
0x162: {  	v23 =	vor.u32 v61, v16;
	v19 =	vor.u32 v61, v32;
	v1 =	vmul.f32 v1, v31  }
0x163: {  	v20 =	vsub.f32 v20, v27;
	v0 =	vmul.f32 v0, v14;
	v18 =	vmul.f32 v18, v5  }
0x164: {  	v26 =	vand.u32 $0x7E, v22;
	v21 =	vor.u32 v61, v24;
	v1 =	vmul.f32 v1, v5  }
0x165: {  	v20 =	vmul.f32 v20, v15;
	v0 =	vmul.f32 v0, v5;
	v18 =	vadd.f32 v18, v9  }
0x166: {  	v22 =	vor.u32 v61, v26;
	v1 =	vadd.f32 v1, v9  }
0x167: {  	v20 =	vmul.f32 v20, v5;
	v0 =	vadd.f32 v0, v9;
	[tilespmem:v23+s25+$0x0] =	vst.idx.msk $0xffff, v18  }
0x168: {  	[tilespmem:v19+s25+$0x0] =	vst.idx.msk $0xffff, v1  }
0x169: {  	v18 =	vadd.f32 v20, v9;
	[tilespmem:v21+s25+$0x0] =	vst.idx.msk $0xffff, v0;
	v1 =	vld [tilespmem:s0+$0x50]  }
0x16a: {  	v0 =	vld [tilespmem:s0+$0xFFFFFFD0]  }
0x16b: {  	[tilespmem:v22+s25+$0x0] =	vst.idx.msk $0xffff, v18;
	v19 =	vld [tilespmem:s0+$0xFFFFFF90]  }
0x16c: {  	v23 =	vmov s1;
	v18 =	vld [tilespmem:s0+$0x10]  }
0x16d: {  	s29 =	simm.s32 $0x6  }
0x16e: {  	s28 =	simm.s32 $0x5;
	v22 =	vmov s29;
	v1 =	vsub.f32 v1, v38  }
0x16f: {  	p2 =	por $0x1, $0x1;
	v21 =	vmov s28;
	v0 =	vsub.f32 v0, v30  }
.Ltmp9:
0x170: {  	v19 =	vsub.f32 v19, v17;
	v1 =	vmul.f32 v1, v31;
	(pc) =	sbr.rel @!p2 .LBB2_17-.Ltmp9, $4  }
0x171: {  	v40 =	vor.u32 v2, v16;
	v25 =	vld.idx.msk [tilespmem:v23+s24+$0x0], $0xffff;
	v18 =	vsub.f32 v18, v27;
	v0 =	vmul.f32 v0, v14  }
0x172: {  	v43 =	vor.u32 v2, v24;
	v20 =	vld.idx.msk [tilespmem:v23+s23+$0x0], $0xffff;
	v28 =	vmul.f32 v19, v13;
	v1 =	vmul.f32 v1, v6  }
0x173: {  	v44 =	vor.u32 v2, v26;
	v45 =	vor.u32 v2, v32;
	v47 =	vmul.f32 v18, v15;
	v18 =	vld.idx.msk [tilespmem:v22+s24+$0x0], $0xffff  }
0x174: {  	s4 =	simm.s32 $0x7;
	s2 =	simm.s32 $0x8;
	p1 =	por $0x1, $0x1;
	v52 =	vmul.f32 v0, v6;
	v19 =	vld.idx.msk [tilespmem:v21+s24+$0x0], $0xffff;
	v51 =	vmul.f32 v28, v6;
	v53 =	vadd.f32 v1, v10  }
0x175: {  	_ =	sdelay $0x3  }
0x176: {  	v37 =	vld.idx.msk [tilespmem:v21+s23+$0x0], $0xffff  }
0x177: {  	v39 =	vld.idx.msk [tilespmem:v22+s23+$0x0], $0xffff;
	[tilespmem:v45+s25+$0x0] =	vst.idx.msk $0xffff, v53  }
0x178: {  	v0 =	vmov s4;
	s1 =	simm.s32 $0x11800;
	v1 =	vadd.f32 v51, v10;
	v29 =	vld [tilespmem:s0+$0x60]  }
0x179: {  	v33 =	vmul.f32 v47, v6;
	v34 =	vand.u32 $0x7C, v23;
	v28 =	vadd.f32 v52, v10;
	v23 =	vld [tilespmem:s1+$0x40]  }
0x17a: {  	v58 =	vld [tilespmem:s1+$0xFFFFFF80];
	[tilespmem:v40+s25+$0x0] =	vst.idx.msk $0xffff, v1  }
0x17b: {  	v33 =	vadd.f32 v33, v10;
	[tilespmem:v43+s25+$0x0] =	vst.idx.msk $0xffff, v28;
	v1 =	vld [tilespmem:s0+$0xFFFFFFA0]  }
0x17c: {  	v36 =	vld [tilespmem:s0+$0xFFFFFFE0]  }
0x17d: {  	[tilespmem:v44+s25+$0x0] =	vst.idx.msk $0xffff, v33;
	v28 =	vld.idx.msk [tilespmem:v0+s23+$0x0], $0xffff;
	v35 =	vsub.f32 v29, v38  }
0x17e: {  	v42 =	vor.u32 v3, v16;
	v41 =	vor.u32 v3, v24;
	v46 =	vor.u32 v3, v26;
	v48 =	vld [tilespmem:s0+$0x20]  }
0x17f: {  	v57 =	vor.u32 v61, v34;
	v40 =	vor.u32 v2, v34;
	v29 =	vld.idx.msk [tilespmem:v0+s24+$0x0], $0xffff;
	v59 =	vmul.f32 v35, v31  }
0x180: {  	v33 =	vand.u32 $0x7E, v22;
	v22 =	vor.u32 v3, v32;
	v35 =	vand.u32 $0x7D, v21;
	v21 =	vld [tilespmem:s1+$0xFFFFFFC0]  }
0x181: {  	v60 =	vld [tilespmem:s1+$0x0];
	v43 =	vsub.f32 v58, v20;
	v1 =	vsub.f32 v1, v17;
	v45 =	vmul.f32 v59, v7  }
0x182: {  	v50 =	vor.u32 v61, v33;
	v36 =	vsub.f32 v36, v30;
	v23 =	vsub.f32 v23, v28  }
0x183: {  	v48 =	vsub.f32 v48, v27;
	v1 =	vmul.f32 v1, v13;
	v45 =	vadd.f32 v45, v11  }
0x184: {  	v49 =	vmul.f32 v36, v14;
	v36 =	vand.u32 $0x7F, v0;
	v23 =	vmul.f32 v23, v29  }
0x185: {  	v0 =	vsub.f32 v21, v37;
	v21 =	vor.u32 v61, v36;
	[tilespmem:v22+s25+$0x0] =	vst.idx.msk $0xffff, v45  }
0x186: {  	v63 =	vsub.f32 v60, v39;
	v23 =	vmul.f32 v23, v5;
	v22 =	vmul.f32 v43, v25;
	v52 =	vld [tilespmem:s0+$0x70]  }
0x187: {  	v62 =	vor.u32 v61, v35;
	v48 =	vmul.f32 v48, v15;
	v0 =	vmul.f32 v0, v19  }
0x188: {  	v43 =	vmul.f32 v63, v18;
	v23 =	vadd.f32 v23, v9;
	v22 =	vmul.f32 v22, v5  }
0x189: {  	v44 =	vor.u32 v2, v33;
	v53 =	vmul.f32 v49, v7;
	v0 =	vmul.f32 v0, v5  }
0x18a: {  	v43 =	vmul.f32 v43, v5;
	v22 =	vadd.f32 v22, v9;
	[tilespmem:v21+s25+$0x0] =	vst.idx.msk $0xffff, v23  }
0x18b: {  	v1 =	vmul.f32 v1, v7;
	v0 =	vadd.f32 v0, v9;
	v54 =	vld [tilespmem:s1+$0x50];
	v21 =	vsub.f32 v52, v38  }
0x18c: {  	v45 =	vadd.f32 v53, v11;
	[tilespmem:v57+s25+$0x0] =	vst.idx.msk $0xffff, v22;
	v22 =	vadd.f32 v43, v9  }
0x18d: {  	v23 =	vmul.f32 v48, v7;
	v55 =	vld [tilespmem:s1+$0xFFFFFF90];
	[tilespmem:v62+s25+$0x0] =	vst.idx.msk $0xffff, v0;
	v0 =	vmul.f32 v21, v31  }
0x18e: {  	v1 =	vadd.f32 v1, v11;
	v57 =	vor.u32 v4, v32;
	v56 =	vld [tilespmem:s1+$0xFFFFFFD0];
	[tilespmem:v50+s25+$0x0] =	vst.idx.msk $0xffff, v22  }
0x18f: {  	[tilespmem:v41+s25+$0x0] =	vst.idx.msk $0xffff, v45;
	v31 =	vadd.f32 v23, v11;
	v23 =	vmov s2;
	v58 =	vld [tilespmem:s1+$0x10];
	v0 =	vmul.f32 v0, v8  }
0x190: {  	s28 =	simm.s32 $0x9;
	v41 =	vor.u32 v4, v24;
	[tilespmem:v42+s25+$0x0] =	vst.idx.msk $0xffff, v1;
	v60 =	vld [tilespmem:s0+$0xFFFFFFF0];
	v59 =	vsub.f32 v54, v28  }
0x191: {  	s29 =	simm.s32 $0xA;
	v42 =	vor.u32 v4, v26;
	v21 =	vmov s28;
	[tilespmem:v46+s25+$0x0] =	vst.idx.msk $0xffff, v31;
	v31 =	vld [tilespmem:s0+$0xFFFFFFB0];
	v0 =	vadd.f32 v0, v12  }
0x192: {  	p2 =	por $0x1, $0x1;
	v22 =	vmov s29;
	v1 =	vld [tilespmem:s0+$0x30];
	v24 =	vsub.f32 v55, v20;
	v26 =	vmul.f32 v59, v29  }
.Ltmp10:
0x193: {  	v45 =	vor.u32 v2, v36;
	v62 =	vsub.f32 v56, v37;
	[tilespmem:v57+s25+$0x0] =	vst.idx.msk $0xffff, v0;
	(pc) =	sbr.rel @!p2 .LBB2_19-.Ltmp10, $4  }
0x194: {  	v50 =	vld.idx.msk [tilespmem:v23+s24+$0x0], $0xffff;
	v0 =	vmul.f32 v24, v25;
	v24 =	vsub.f32 v58, v39;
	v26 =	vmul.f32 v26, v6  }
0x195: {  	v43 =	vor.u32 v2, v35;
	v54 =	vsub.f32 v60, v30;
	v48 =	vld.idx.msk [tilespmem:v23+s23+$0x0], $0xffff;
	v63 =	vmul.f32 v62, v19  }
0x196: {  	s4 =	simm.s32 $0xB;
	v49 =	vld.idx.msk [tilespmem:v21+s24+$0x0], $0xffff;
	v51 =	vmul.f32 v0, v6;
	v47 =	vmul.f32 v24, v18;
	v53 =	vadd.f32 v26, v10  }
0x197: {  	s3 =	simm.s32 $0xC;
	p0 =	por $0x1, $0x1;
	s2 =	simm.s32 $0x11800;
	v46 =	vld.idx.msk [tilespmem:v22+s24+$0x0], $0xffff;
	v55 =	vsub.f32 v31, v17;
	v56 =	vsub.f32 v1, v27;
	v52 =	vmul.f32 v63, v6  }
.LBB2_20:
0x198: {  	p2 =	slt.u32 s3, $0x7C;
	v0 =	vld.idx.msk [tilespmem:v21+s23+$0x0], $0xffff;
	v1 =	vmov s4;
	v38 =	vadd.f32 v51, v10;
	v26 =	vmul.f32 v47, v6;
	[tilespmem:v45+s25+$0x0] =	vst.idx.msk $0xffff, v53  }
0x199: {  	v14 =	vmul.f32 v54, v14;
	v24 =	vmovc v37;
	v27 =	vadd.f32 v52, v10;
	v30 =	vld [tilespmem:s1+$0x60];
	v15 =	vmul.f32 v56, v15  }
0x19a: {  	v37 =	vmul.f32 v55, v13;
	v31 =	vld.idx.msk [tilespmem:v22+s23+$0x0], $0xffff;
	[tilespmem:v40+s25+$0x0] =	vst.idx.msk $0xffff, v38;
	v26 =	vadd.f32 v26, v10  }
0x19b: {  	v17 =	vmov v39;
	v14 =	vmul.f32 v14, v8;
	v32 =	vld [tilespmem:s1+$0xFFFFFFA0];
	[tilespmem:v43+s25+$0x0] =	vst.idx.msk $0xffff, v27;
	v15 =	vmul.f32 v15, v8  }
0x19c: {  	v38 =	vor.u32 v4, v16;
	v16 =	vmov v34;
	v27 =	vld [tilespmem:s1+$0xFFFFFFE0];
	[tilespmem:v44+s25+$0x0] =	vst.idx.msk $0xffff, v26;
	v26 =	vmul.f32 v37, v8  }
0x19d: {  	v13 =	vmovc v25;
	v34 =	vand.u32 $0x7C, v23;
	s1 =	sadd.s32 $0x100, s1;
	v14 =	vadd.f32 v14, v12;
	v23 =	vld.idx.msk [tilespmem:v1+s23+$0x0], $0xffff;
	v15 =	vadd.f32 v15, v12  }
0x19e: {  	v43 =	vor.u32 v3, v16;
	v37 =	vmovc v0;
	v25 =	vld [tilespmem:s1+$0x40];
	v30 =	vsub.f32 v30, v28;
	v26 =	vadd.f32 v26, v12  }
0x19f: {  	v44 =	vor.u32 v3, v35;
	v0 =	vor.u32 v61, v34;
	v40 =	vld.idx.msk [tilespmem:v1+s24+$0x0], $0xffff;
	[tilespmem:v41+s25+$0x0] =	vst.idx.msk $0xffff, v14  }
0x1a0: {  	v45 =	vand.u32 $0x7D, v21;
	v14 =	vld [tilespmem:s1+$0xFFFFFF80];
	v21 =	vsub.f32 v32, v20;
	v30 =	vmul.f32 v30, v29;
	[tilespmem:v42+s25+$0x0] =	vst.idx.msk $0xffff, v15  }
0x1a1: {  	v32 =	vand.u32 $0x7E, v22;
	v15 =	vld [tilespmem:s1+$0xFFFFFFC0];
	v22 =	vsub.f32 v27, v24;
	v27 =	vor.u32 v3, v36;
	[tilespmem:v38+s25+$0x0] =	vst.idx.msk $0xffff, v26  }
0x1a2: {  	v39 =	vmovc v31;
	v38 =	vor.u32 v3, v33;
	v26 =	vld [tilespmem:s1+$0x0];
	v21 =	vmul.f32 v21, v13;
	v30 =	vmul.f32 v30, v7  }
0x1a3: {  	v31 =	vor.u32 v61, v45;
	v41 =	vsub.f32 v25, v23;
	v22 =	vmul.f32 v22, v19;
	v42 =	vld [tilespmem:s2+$0x20];
	v25 =	vmovc v50  }
0x1a4: {  	v55 =	vmovc v20;
	v47 =	vor.u32 v61, v32;
	v21 =	vmul.f32 v21, v7;
	v30 =	vadd.f32 v30, v11  }
0x1a5: {  	v1 =	vand.u32 $0x7F, v1;
	v20 =	vmovc v48;
	v50 =	vsub.f32 v14, v48;
	v41 =	vmul.f32 v41, v40;
	v14 =	vmovc v19  }
0x1a6: {  	v51 =	vor.u32 v61, v1;
	v19 =	vmov v49;
	v48 =	vsub.f32 v15, v37;
	[tilespmem:v27+s25+$0x0] =	vst.idx.msk $0xffff, v30  }
0x1a7: {  	v15 =	vmovc v18;
	v27 =	vmul.f32 v50, v25;
	v26 =	vsub.f32 v26, v39;
	v30 =	vmul.f32 v41, v5;
	v41 =	vld [tilespmem:s2+$0x70]  }
0x1a8: {  	v22 =	vmul.f32 v22, v7;
	v18 =	vmovc v46;
	v48 =	vmul.f32 v48, v19;
	v42 =	vsub.f32 v42, v17  }
0x1a9: {  	v27 =	vmul.f32 v27, v5;
	v26 =	vmul.f32 v26, v18;
	v30 =	vadd.f32 v30, v9  }
0x1aa: {  	v22 =	vadd.f32 v22, v11;
	v46 =	vmul.f32 v48, v5;
	v42 =	vmul.f32 v42, v15  }
0x1ab: {  	v27 =	vadd.f32 v27, v9;
	v26 =	vmul.f32 v26, v5;
	[tilespmem:v51+s25+$0x0] =	vst.idx.msk $0xffff, v30  }
0x1ac: {  	v30 =	vadd.f32 v46, v9;
	v46 =	vld [tilespmem:s1+$0x50];
	v42 =	vmul.f32 v42, v7;
	v41 =	vsub.f32 v41, v28;
	v28 =	vmovc v23  }
0x1ad: {  	[tilespmem:v0+s25+$0x0] =	vst.idx.msk $0xffff, v27;
	v0 =	vadd.f32 v26, v9;
	v26 =	vadd.f32 v21, v11  }
0x1ae: {  	v27 =	vld [tilespmem:s1+$0xFFFFFF90];
	[tilespmem:v31+s25+$0x0] =	vst.idx.msk $0xffff, v30;
	v30 =	vadd.f32 v42, v11;
	v21 =	vmul.f32 v41, v29;
	v29 =	vmov v40  }
0x1af: {  	v31 =	vld [tilespmem:s1+$0xFFFFFFD0];
	[tilespmem:v47+s25+$0x0] =	vst.idx.msk $0xffff, v0;
	v0 =	vor.u32 v4, v36;
	v36 =	vmov v1  }
0x1b0: {  	s4 =	sadd.s32 $0x1, s3;
	v23 =	vmov s3;
	v40 =	vor.u32 v2, v34;
	v1 =	vld [tilespmem:s1+$0x10];
	[tilespmem:v44+s25+$0x0] =	vst.idx.msk $0xffff, v22;
	v44 =	vmul.f32 v21, v8  }
0x1b1: {  	v41 =	vor.u32 v4, v35;
	v35 =	vmovc v45;
	v21 =	vmov s4;
	s4 =	sadd.s32 $0x2, s3;
	v46 =	vsub.f32 v46, v28;
	v47 =	vld [tilespmem:s2+$0xFFFFFFF0];
	[tilespmem:v38+s25+$0x0] =	vst.idx.msk $0xffff, v30  }
0x1b2: {  	v42 =	vor.u32 v4, v33;
	v33 =	vmovc v32;
	v22 =	vmov s4;
	[tilespmem:v43+s25+$0x0] =	vst.idx.msk $0xffff, v26;
	v26 =	vld [tilespmem:s2+$0x30];
	v30 =	vadd.f32 v44, v12  }
0x1b3: {  	v43 =	vor.u32 v2, v35;
	v27 =	vsub.f32 v27, v20;
	v32 =	vmul.f32 v46, v29;
	v38 =	vld [tilespmem:s2+$0xFFFFFFB0];
	s2 =	smov.u32 s1  }
.Ltmp11:
0x1b4: {  	v45 =	vor.u32 v2, v36;
	v31 =	vsub.f32 v31, v37;
	[tilespmem:v0+s25+$0x0] =	vst.idx.msk $0xffff, v30;
	(pc) =	sbr.rel @p2 .LBB2_20-.Ltmp11, $4  }
0x1b5: {  	v50 =	vld.idx.msk [tilespmem:v23+s24+$0x0], $0xffff;
	v0 =	vmul.f32 v27, v25;
	v1 =	vsub.f32 v1, v39;
	v27 =	vmul.f32 v32, v6  }
0x1b6: {  	v44 =	vor.u32 v2, v33;
	v48 =	vld.idx.msk [tilespmem:v23+s23+$0x0], $0xffff;
	v30 =	vmul.f32 v31, v19;
	v54 =	vsub.f32 v47, v24  }
0x1b7: {  	v49 =	vld.idx.msk [tilespmem:v21+s24+$0x0], $0xffff;
	v51 =	vmul.f32 v0, v6;
	v47 =	vmul.f32 v1, v18;
	v53 =	vadd.f32 v27, v10  }
0x1b8: {  	s4 =	sadd.s32 $0x3, s3;
	s3 =	sadd.s32 $0x4, s3;
	v56 =	vsub.f32 v26, v17;
	v46 =	vld.idx.msk [tilespmem:v22+s24+$0x0], $0xffff;
	v52 =	vmul.f32 v30, v6;
	v55 =	vsub.f32 v38, v55  }
0x1b9: {  	_ = 	snop  }
0x1ba: {  	v57 =	vmovc v14;
	v58 =	vmovc v15;
	v59 =	vmov v13;
	v60 =	vmov v16;
	v30 =	vmov v37  }
0x1bb: {  	v27 =	vmovc v39;
	v16 =	vmovc v34;
	v34 =	vmov v25;
	v38 =	vmov v28;
	v24 =	vmov v35  }
0x1bc: {  	v28 =	vmovc v20;
	v31 =	vmovc v29;
	v32 =	vmov v36;
	v26 =	vmov v33;
	v29 =	vmov v19  }
0x1bd: {  	v35 =	vmovc v18;
	v13 =	vmovc v50;
	v17 =	vmov v48;
	v14 =	vmov v49;
	v15 =	vmov v46  }
.LBB2_22:
0x1be: {  	_ =	sdelay $0x3  }
0x1bf: {  	v18 =	vld.idx.msk [tilespmem:v21+s23+$0x0], $0xffff  }
0x1c0: {  	v0 =	vmov s4;
	[tilespmem:v45+s25+$0x0] =	vst.idx.msk @p1 $0xffff, v53;
	v19 =	vld.idx.msk [tilespmem:v22+s23+$0x0], $0xffff;
	s3 =	sadd.s32 @p1 $0x100, s1  }
0x1c1: {  	v36 =	vld @p1 [tilespmem:s1+$0x60];
	s0 =	smov.u32 @p1 s3  }
0x1c2: {  	v1 =	vadd.f32 @p1 v51, v10;
	v20 =	vmul.f32 @p1 v47, v6;
	v33 =	vmul.f32 @p0 v54, v57;
	v63 =	vld [tilespmem:s0+$0x40]  }
0x1c3: {  	v37 =	vmul.f32 @p0 v56, v58;
	v39 =	vmul.f32 @p0 v55, v59;
	v45 =	vadd.f32 @p1 v52, v10;
	v49 =	vld [tilespmem:s0+$0xFFFFFFC0]  }
0x1c4: {  	v48 =	vor.u32 @p0 v4, v60;
	v21 =	vand.u32 $0x7D, v21;
	v47 =	vmul.f32 @p0 v33, v8;
	v53 =	vld [tilespmem:s0+$0x0]  }
0x1c5: {  	v57 =	vor.u32 v61, v21;
	v46 =	vadd.f32 @p1 v20, v10;
	v37 =	vmul.f32 @p0 v37, v8;
	v25 =	vld.idx.msk [tilespmem:v0+s23+$0x0], $0xffff  }
0x1c6: {  	[tilespmem:v40+s25+$0x0] =	vst.idx.msk @p1 $0xffff, v1;
	v39 =	vmul.f32 @p0 v39, v8;
	v20 =	vand.u32 $0x7C, v23;
	v55 =	vld [tilespmem:s0+$0xFFFFFF80];
	v23 =	vadd.f32 @p0 v47, v12  }
0x1c7: {  	[tilespmem:v43+s25+$0x0] =	vst.idx.msk @p1 $0xffff, v45;
	v54 =	vor.u32 v61, v20;
	v37 =	vadd.f32 @p0 v37, v12;
	v33 =	vld.idx.msk [tilespmem:v0+s24+$0x0], $0xffff  }
0x1c8: {  	v1 =	vld @p1 [tilespmem:s1+$0xFFFFFFA0];
	v36 =	vsub.f32 @p1 v36, v38;
	[tilespmem:v41+s25+$0x0] =	vst.idx.msk @p0 $0xffff, v23;
	v41 =	vor.u32 @p1 v3, v32  }
0x1c9: {  	v40 =	vld @p1 [tilespmem:s1+$0xFFFFFFE0];
	[tilespmem:v44+s25+$0x0] =	vst.idx.msk @p1 $0xffff, v46;
	v23 =	vand.u32 $0x7F, v0;
	v58 =	vsub.f32 v49, v18;
	v0 =	vsub.f32 v53, v19  }
0x1ca: {  	v22 =	vand.u32 $0x7E, v22;
	[tilespmem:v42+s25+$0x0] =	vst.idx.msk @p0 $0xffff, v37;
	v36 =	vmul.f32 @p1 v36, v31;
	v56 =	vsub.f32 v63, v25  }
0x1cb: {  	v60 =	vsub.f32 v55, v17;
	v46 =	vmul.f32 v58, v14;
	v0 =	vmul.f32 v0, v15  }
0x1cc: {  	v62 =	vor.u32 v61, v23;
	v36 =	vmul.f32 @p1 v36, v7;
	v59 =	vmul.f32 v56, v33  }
0x1cd: {  	v1 =	vsub.f32 @p1 v1, v28;
	v42 =	vmul.f32 v60, v13;
	v46 =	vmul.f32 v46, v5  }
0x1ce: {  	v40 =	vsub.f32 @p1 v40, v30;
	v36 =	vadd.f32 @p1 v36, v11;
	v37 =	vmul.f32 v59, v5  }
0x1cf: {  	v0 =	vmul.f32 v0, v5;
	v52 =	vmul.f32 v42, v5;
	v53 =	vadd.f32 v46, v9  }
0x1d0: {  	v47 =	vld @p1 [tilespmem:s2+$0x20];
	v63 =	vor.u32 v61, v22;
	[tilespmem:v41+s25+$0x0] =	vst.idx.msk @p1 $0xffff, v36;
	v37 =	vadd.f32 v37, v9  }
0x1d1: {  	v0 =	vadd.f32 v0, v9;
	v36 =	vadd.f32 v52, v9;
	v42 =	vld @p1 [tilespmem:s2+$0x70];
	[tilespmem:v57+s25+$0x0] =	vst.idx.msk $0xffff, v53  }
0x1d2: {  	v39 =	vadd.f32 @p0 v39, v12;
	v44 =	vld [tilespmem:s0+$0xFFFFFFD0];
	[tilespmem:v62+s25+$0x0] =	vst.idx.msk $0xffff, v37  }
0x1d3: {  	v40 =	vmul.f32 @p1 v40, v29;
	v1 =	vmul.f32 @p1 v1, v34;
	[tilespmem:v54+s25+$0x0] =	vst.idx.msk $0xffff, v36;
	v43 =	vld [tilespmem:s0+$0x50]  }
0x1d4: {  	[tilespmem:v48+s25+$0x0] =	vst.idx.msk @p0 $0xffff, v39;
	v58 =	vor.u32 v2, v23;
	v60 =	vor.u32 v2, v21;
	v55 =	vld [tilespmem:s0+$0xFFFFFF90]  }
0x1d5: {  	v1 =	vmul.f32 @p1 v1, v7;
	[tilespmem:v63+s25+$0x0] =	vst.idx.msk $0xffff, v0;
	v0 =	vmov @p1 v16;
	v16 =	vmul.f32 @p1 v40, v7  }
0x1d6: {  	v56 =	vor.u32 v2, v20;
	v41 =	vor.u32 @p1 v3, v24;
	v37 =	vsub.f32 @p1 v47, v27  }
0x1d7: {  	v54 =	vld [tilespmem:s0+$0x10];
	v40 =	vor.u32 @p1 v3, v0;
	v16 =	vadd.f32 @p1 v16, v11;
	v44 =	vsub.f32 v44, v18  }
0x1d8: {  	v37 =	vmul.f32 @p1 v37, v35;
	v38 =	vsub.f32 @p1 v42, v38;
	v43 =	vsub.f32 v43, v25  }
0x1d9: {  	v42 =	vor.u32 @p1 v3, v26;
	v39 =	vsub.f32 v55, v17;
	v59 =	vmul.f32 v44, v14  }
0x1da: {  	v1 =	vadd.f32 @p1 v1, v11;
	v37 =	vmul.f32 @p1 v37, v7;
	v57 =	vmul.f32 v43, v33  }
0x1db: {  	[tilespmem:v41+s25+$0x0] =	vst.idx.msk @p1 $0xffff, v16;
	v39 =	vmul.f32 v39, v13;
	v43 =	vmul.f32 v59, v6  }
0x1dc: {  	v36 =	vsub.f32 v54, v19;
	v37 =	vadd.f32 @p1 v37, v11;
	v16 =	vmul.f32 v57, v6  }
0x1dd: {  	[tilespmem:v40+s25+$0x0] =	vst.idx.msk @p1 $0xffff, v1;
	v62 =	vmul.f32 v39, v6;
	v63 =	vadd.f32 v43, v10  }
0x1de: {  	v47 =	vld @p1 [tilespmem:s2+$0xFFFFFFF0];
	v36 =	vmul.f32 v36, v15;
	[tilespmem:v42+s25+$0x0] =	vst.idx.msk @p1 $0xffff, v37;
	v16 =	vadd.f32 v16, v10  }
0x1df: {  	v61 =	vor.u32 v2, v22;
	v1 =	vld @p1 [tilespmem:s2+$0x30];
	v43 =	vadd.f32 v62, v10;
	[tilespmem:v60+s25+$0x0] =	vst.idx.msk $0xffff, v63  }
0x1e0: {  	v36 =	vmul.f32 v36, v6;
	v39 =	vld [tilespmem:s0+$0xFFFFFFE0];
	[tilespmem:v58+s25+$0x0] =	vst.idx.msk $0xffff, v16  }
0x1e1: {  	[tilespmem:v56+s25+$0x0] =	vst.idx.msk $0xffff, v43;
	v48 =	vld [tilespmem:s0+$0x60]  }
0x1e2: {  	v24 =	vor.u32 @p1 v4, v24;
	v42 =	vadd.f32 v36, v10;
	v36 =	vld [tilespmem:s0+$0xFFFFFFA0]  }
0x1e3: {  	v52 =	vor.u32 v3, v23;
	v23 =	vor.u32 v4, v23;
	v53 =	vor.u32 v3, v21  }
0x1e4: {  	v34 =	vpsel p1, v34, v0;
	v24 =	vpsel p1, v24, v0;
	[tilespmem:v61+s25+$0x0] =	vst.idx.msk $0xffff, v42  }
0x1e5: {  	v26 =	vor.u32 @p1 v4, v26;
	v35 =	vpsel p1, v35, v0;
	v49 =	vld [tilespmem:s0+$0x20];
	v51 =	vsub.f32 v39, v18  }
0x1e6: {  	v31 =	vmul.f32 @p1 v38, v31;
	v30 =	vsub.f32 @p1 v47, v30;
	v50 =	vsub.f32 v48, v25  }
0x1e7: {  	v1 =	vsub.f32 @p1 v1, v27;
	v36 =	vsub.f32 v36, v17;
	v37 =	vmul.f32 v51, v14  }
0x1e8: {  	v27 =	vpsel p1, v29, v0;
	v29 =	vpsel p1, v30, v0;
	v30 =	vmul.f32 v50, v33  }
0x1e9: {  	v55 =	vor.u32 v3, v20;
	v38 =	vld @p1 [tilespmem:s2+$0xFFFFFFB0];
	v36 =	vmul.f32 v36, v13;
	v37 =	vmul.f32 v37, v7  }
0x1ea: {  	v16 =	vor.u32 @p1 v4, v32;
	v32 =	vsub.f32 v49, v19;
	v30 =	vmul.f32 v30, v7  }
0x1eb: {  	v54 =	vor.u32 v3, v22;
	v36 =	vmul.f32 v36, v7;
	v37 =	vadd.f32 v37, v11  }
0x1ec: {  	v26 =	vpsel p1, v26, v0;
	v32 =	vmul.f32 v32, v15;
	v30 =	vadd.f32 v30, v11  }
0x1ed: {  	v31 =	vmul.f32 @p1 v31, v8;
	v58 =	vadd.f32 v36, v11;
	[tilespmem:v53+s25+$0x0] =	vst.idx.msk $0xffff, v37  }
0x1ee: {  	v28 =	vsub.f32 @p1 v38, v28;
	v32 =	vmul.f32 v32, v7;
	v59 =	vld [tilespmem:s0+$0xFFFFFFF0];
	[tilespmem:v52+s25+$0x0] =	vst.idx.msk $0xffff, v30  }
0x1ef: {  	v31 =	vadd.f32 @p1 v31, v12;
	v1 =	vpsel p1, v1, v0;
	[tilespmem:v55+s25+$0x0] =	vst.idx.msk $0xffff, v58;
	v57 =	vld [tilespmem:s0+$0x70]  }
0x1f0: {  	v28 =	vpsel p1, v28, v0;
	v1 =	vmul.f32 @p1 v1, v35;
	v56 =	vadd.f32 v32, v11;
	v60 =	vld [tilespmem:s0+$0xFFFFFFB0]  }
0x1f1: {  	v61 =	vor.u32 v4, v21;
	v63 =	vor.u32 v4, v20;
	v28 =	vmul.f32 @p1 v28, v34  }
0x1f2: {  	v27 =	vmul.f32 @p1 v29, v27;
	v1 =	vmul.f32 @p1 v1, v8;
	[tilespmem:v54+s25+$0x0] =	vst.idx.msk $0xffff, v56  }
0x1f3: {  	v0 =	vpsel p1, v0, v0;
	v28 =	vmul.f32 @p1 v28, v8;
	v30 =	vld [tilespmem:s0+$0x30];
	v18 =	vsub.f32 v59, v18  }
0x1f4: {  	v0 =	vor.u32 @p1 v4, v0;
	v1 =	vadd.f32 @p1 v1, v12;
	v25 =	vsub.f32 v57, v25  }
0x1f5: {  	[tilespmem:v16+s25+$0x0] =	vst.idx.msk @p1 $0xffff, v31;
	v16 =	vsub.f32 v60, v17;
	v14 =	vmul.f32 v18, v14  }
0x1f6: {  	v27 =	vmul.f32 @p1 v27, v8;
	[tilespmem:v26+s25+$0x0] =	vst.idx.msk @p1 $0xffff, v1;
	v1 =	vmul.f32 v25, v33  }
0x1f7: {  	v28 =	vadd.f32 @p1 v28, v12;
	v13 =	vmul.f32 v16, v13;
	v14 =	vmul.f32 v14, v8  }
0x1f8: {  	v27 =	vadd.f32 @p1 v27, v12;
	v19 =	vsub.f32 v30, v19;
	v1 =	vmul.f32 v1, v8  }
0x1f9: {  	[tilespmem:v0+s25+$0x0] =	vst.idx.msk @p1 $0xffff, v28;
	v0 =	vmul.f32 v13, v8;
	v13 =	vadd.f32 v14, v12  }
0x1fa: {  	[tilespmem:v24+s25+$0x0] =	vst.idx.msk @p1 $0xffff, v27;
	v15 =	vmul.f32 v19, v15;
	v1 =	vadd.f32 v1, v12  }
0x1fb: {  	v62 =	vor.u32 v4, v22;
	[tilespmem:v61+s25+$0x0] =	vst.idx.msk $0xffff, v13  }
0x1fc: {  	v15 =	vmul.f32 v15, v8;
	[tilespmem:v23+s25+$0x0] =	vst.idx.msk $0xffff, v1  }
0x1fd: {  	s17 =	sshll.u32 s30, $0x13;
	v0 =	vadd.f32 v0, v12;
	s18 =	rddreg [dreg:$0x6]  }
0x1fe: {  	s19 =	rddreg [dreg:$0x4];
	p0 =	seq.s32 s30, $0x63;
	v1 =	vadd.f32 v15, v12;
	s0 =	sor.u32 s18, s17  }
0x1ff: {  	s28 =	simm.s32 $0x400;
	p1 =	seq.s32 @!p0 s30, $0x0;
	[tilespmem:v63+s25+$0x0] =	vst.idx.msk $0xffff, v0;
	s0 =	sshrl.u32 s0, $0x3  }
0x200: {  	s29 =	simm.s32 $0x8000;
	p1 =	por p0, !p1;
	[tilespmem:v62+s25+$0x0] =	vst.idx.msk $0xffff, v1;
	s0 =	sadd.s32 s19, s0  }
0x201: {  	[hbm4b:s0+s28] =	stream.strided.scatter [tilespmem:s25], [sflag:$0x2], $0x2000, s29, s28, $0x38;
	[tilespmem:$0x14780] =	vst v63  }
.Ltmp12:
0x202: {  	s0 =	sshll.u32 @!p0 s30, $0xA;
	(pc) =	sbr.rel @!p1 .LBB2_24-.Ltmp12, $4  }
0x203: {  	s0 =	sadd.s32 @!p0 $0x400, s0  }
0x204: {  	s1 =	simm.s32 @!p0 $0x80;
	s0 =	sand.u32 @!p0 $0x3FC00, s0  }
0x205: {  	s31 =	sor.u32 @!p0 $0x1, s31;
	s2 =	simm.s32 @!p0 $0x9680;
	s0 =	sshrl.u32 @!p0 s0, $0x2  }
0x206: {  	[tilespmem:s2], [sflag:$0x1] =	stream.indirect.gather @!p0 [hbm4b:s8+s1], $0x40, s0, s1, $0xb8;
	[tilespmem:$0x14780] =	vst v63  }
0x207: {  	s0 =	simm.s32 $0x2  }
0x208: {  	_ =	swait.ge [sflag:s0], $0x2000  }
0x209: {  	[sflag:s0] =	ssyncset.done $0x0  }
0x20a: {  	s31 =	simm.s32 @p0 $0xC7;
	[sflag:s0] =	ssyncadd.s32 $0xFFFFE000  }
.LBB2_24:
0x20b: {  	_ =	swait.ge [sflag:s20], $0x2000  }
0x20c: {  	s0 =	sshll.u32 s31, $0x8;
	[sflag:s20] =	ssyncset.done $0x0  }
0x20d: {  	s0 =	sshra.s32 s0, $0x2;
	[sflag:s20] =	ssyncadd.s32 $0xFFFFE000  }
0x20e: {  	v14 =	vld [tilespmem:s0+$0x6400]  }
0x20f: {  	v15 =	vld [tilespmem:s0+$0x6410]  }
0x210: {  	v13 =	vld [tilespmem:s0+$0x6420]  }
0x211: {  	s17 =	simm.s32 $0xB770;
	v16 =	vld [tilespmem:s0+$0x6430]  }
0x212: {  	v0 =	vld [tilespmem:s17+$0xFFFFFF50]  }
0x213: {  	v1 =	vld [tilespmem:s17+$0xFFFFFFA0]  }
0x214: {  	v17 =	vld [tilespmem:s17+$0x0]  }
0x215: {  	v18 =	vld [tilespmem:s17+$0xFFFFFF10]  }
0x216: {  	v19 =	vld [tilespmem:s17+$0xFFFFFFF0]  }
0x217: {  	v20 =	vld [tilespmem:s17+$0xFFFFFF70]  }
0x218: {  	v21 =	vld [tilespmem:s17+$0xFFFFFF80]  }
0x219: {  	v22 =	vld [tilespmem:s17+$0xFFFFFF90]  }
0x21a: {  	v23 =	vld [tilespmem:s17+$0xFFFFFFE0]  }
0x21b: {  	v24 =	vld [tilespmem:s17+$0xFFFFFFD0]  }
0x21c: {  	v25 =	vld [tilespmem:s17+$0xFFFFFF20]  }
0x21d: {  	v26 =	vld [tilespmem:s17+$0xFFFFFF60]  }
0x21e: {  	v37 =	vld [tilespmem:s17+$0xFFFFFFC0];
	v1 =	vadd.f32 v1, v15;
	v0 =	vadd.f32 v0, v14  }
0x21f: {  	s18 =	simm.s32 $0xB870;
	v40 =	vld [tilespmem:s17+$0xFFFFFFB0];
	v27 =	vadd.f32 v19, v13;
	v18 =	vadd.f32 v18, v14  }
0x220: {  	v42 =	vld [tilespmem:s18+$0x0];
	v20 =	vadd.f32 v20, v13;
	v21 =	vadd.f32 v21, v16  }
0x221: {  	v22 =	vadd.f32 v22, v14;
	v28 =	vadd.f32 v24, v14  }
0x222: {  	v25 =	vadd.f32 v25, v15;
	v31 =	vadd.f32 v23, v15  }
0x223: {  	v57 =	vld [tilespmem:s18+$0xFFFFFFA0];
	v17 =	vadd.f32 v17, v16;
	v26 =	vadd.f32 v26, v15  }
0x224: {  	v46 =	vld [tilespmem:s18+$0xFFFFFFF0];
	v37 =	vadd.f32 v37, v16;
	v40 =	vadd.f32 v40, v13  }
0x225: {  	v50 =	vld [tilespmem:s18+$0xFFFFFF70];
	v42 =	vadd.f32 v42, v16;
	v24 =	vmul.f32 v21, v21;
	v19 =	vmul.f32 v18, v18  }
0x226: {  	s1 =	simm.s32 $0x11700;
	v52 =	vld [tilespmem:s18+$0xFFFFFF90];
	v29 =	vadd.f32 v21, v20;
	v30 =	vmul.f32 v25, v25;
	v32 =	vmul.f32 v0, v0  }
0x227: {  	v34 =	vadd.f32 v31, v28;
	v35 =	vadd.f32 v17, v27;
	v36 =	vmul.f32 v26, v26;
	[tilespmem:s1+$0xFFFFFFC0] =	vst v0  }
0x228: {  	v38 =	vmul.f32 v20, v20;
	v39 =	vadd.f32 v26, v0;
	v60 =	vadd.f32 v1, v22;
	[tilespmem:s1+$0x40] =	vst v28  }
0x229: {  	v33 =	vld [tilespmem:s17+$0xFFFFFF30];
	v56 =	vmul.f32 v31, v31;
	v47 =	vadd.f32 v37, v40;
	v0 =	vadd.f32 v57, v15;
	[tilespmem:s1+$0xFFFFFFD0] =	vst v26  }
0x22a: {  	v44 =	vld [tilespmem:s18+$0xFFFFFF10];
	v48 =	vmul.f32 v28, v28;
	v28 =	vadd.f32 v25, v18;
	v26 =	vadd.f32 v46, v13;
	[tilespmem:s1+$0x50] =	vst v31  }
0x22b: {  	v53 =	vld [tilespmem:s18+$0xFFFFFFE0];
	v43 =	vmul.f32 v37, v37;
	v31 =	vadd.f32 v50, v13;
	[tilespmem:s1+$0xFFFFFFE0] =	vst v20;
	v20 =	vadd.f32 v52, v14  }
0x22c: {  	v23 =	vld [tilespmem:s17+$0xFFFFFF40];
	v61 =	vmul.f32 v40, v40;
	v30 =	vadd.f32 v30, v19;
	v19 =	vadd.f32 v35, v34  }
0x22d: {  	v63 =	vld [tilespmem:s18+$0xFFFFFF80];
	v45 =	vmul.f32 v27, v27;
	v32 =	vadd.f32 v36, v32;
	v24 =	vadd.f32 v24, v38  }
0x22e: {  	v49 =	vmul.f32 v17, v17;
	v35 =	vadd.f32 v29, v39;
	v36 =	vadd.f32 v33, v13  }
0x22f: {  	v41 =	vmul.f32 v1, v1;
	v62 =	vadd.f32 v43, v61;
	v34 =	vadd.f32 v56, v48  }
0x230: {  	v54 =	vmul.f32 v22, v22;
	[tilespmem:s1+$0x60] =	vst v27;
	v51 =	vadd.f32 v49, v45;
	v43 =	vadd.f32 v44, v14  }
0x231: {  	[tilespmem:s1+$0x70] =	vst v17;
	v38 =	vadd.f32 v53, v15;
	v29 =	vadd.f32 v23, v16  }
0x232: {  	v55 =	vld [tilespmem:s18+$0xFFFFFF50];
	[tilespmem:s1+$0xFFFFFF80] =	vst v18;
	v23 =	vadd.f32 v41, v54;
	v41 =	vadd.f32 v63, v16  }
0x233: {  	[tilespmem:s1+$0xFFFFFFF0] =	vst v21;
	v56 =	vld [tilespmem:s18+$0xFFFFFF60];
	v58 =	vmul.f32 v36, v36;
	v24 =	vadd.f32 v24, v32;
	v59 =	vmul.f32 v29, v29  }
0x234: {  	[tilespmem:s1+$0x10] =	vst v1;
	v54 =	vld [tilespmem:s18+$0xFFFFFFD0];
	v32 =	vadd.f32 v47, v60;
	v57 =	vadd.f32 v29, v36  }
0x235: {  	s3 =	simm.s32 $0xB970;
	[tilespmem:s1+$0xFFFFFF90] =	vst v25;
	v52 =	vmul.f32 v0, v0;
	v27 =	vadd.f32 v51, v34;
	v60 =	vld [tilespmem:s18+$0xFFFFFF30];
	v39 =	vadd.f32 v59, v58  }
0x236: {  	[tilespmem:s1+$0x30] =	vst v37;
	v21 =	vmul.f32 v43, v43;
	v23 =	vadd.f32 v62, v23;
	v33 =	vadd.f32 v57, v28;
	v57 =	vld [tilespmem:s3+$0xFFFFFFA0]  }
0x237: {  	[tilespmem:s1+$0x20] =	vst v40;
	v37 =	vmul.f32 v38, v38;
	v30 =	vadd.f32 v39, v30;
	v39 =	vadd.f32 v55, v14;
	v55 =	vld [tilespmem:s18+$0xFFFFFF20]  }
0x238: {  	s0 =	simm.s32 $0x11800;
	[tilespmem:s1+$0x0] =	vst v22;
	v51 =	vld [tilespmem:s18+$0xFFFFFFB0];
	v17 =	vadd.f32 v41, v31;
	v44 =	vadd.f32 v56, v15;
	v56 =	vmul.f32 v20, v20  }
0x239: {  	[tilespmem:s0+$0xFFFFFFE0] =	vst v31;
	v18 =	vmul.f32 v41, v41;
	v62 =	vld [tilespmem:s18+$0xFFFFFFC0];
	v28 =	vadd.f32 v42, v26;
	v34 =	vadd.f32 v54, v14  }
0x23a: {  	[tilespmem:s0+$0x60] =	vst v26;
	v61 =	vmul.f32 v44, v44;
	v40 =	vadd.f32 v60, v13;
	v22 =	vadd.f32 v52, v56  }
0x23b: {  	[tilespmem:s0+$0x70] =	vst v42;
	v58 =	vld [tilespmem:s18+$0xFFFFFF40];
	v25 =	vadd.f32 v38, v34;
	v59 =	vmul.f32 v39, v39;
	v63 =	vadd.f32 v44, v39  }
0x23c: {  	[tilespmem:s1+$0xFFFFFFA0] =	vst v36;
	v54 =	vmul.f32 v42, v42;
	v42 =	vadd.f32 v57, v15;
	v57 =	vld [tilespmem:s3+$0xFFFFFF60];
	v46 =	vadd.f32 v55, v15  }
0x23d: {  	[tilespmem:s0+$0x50] =	vst v38;
	v26 =	vmul.f32 v26, v26;
	v28 =	vadd.f32 v28, v25;
	v25 =	vadd.f32 v61, v59;
	v59 =	vld [tilespmem:s3+$0xFFFFFF10]  }
0x23e: {  	(xrf2) =	vadd.scan.msk.f32 $0xffff, v35;
	v50 =	vadd.f32 v51, v13;
	v47 =	vadd.f32 v62, v16;
	v62 =	vld [tilespmem:s3+$0xFFFFFFF0];
	v1 =	vmul.f32 v46, v46  }
0x23f: {  	[tilespmem:s0+$0xFFFFFFF0] =	vst v41;
	v53 =	vmul.f32 v34, v34;
	v26 =	vadd.f32 v54, v26;
	v36 =	vadd.f32 v17, v63;
	v55 =	vld [tilespmem:s3+$0xFFFFFF70]  }
0x240: {  	v45 =	vld [tilespmem:s3+$0xFFFFFF50];
	[tilespmem:s0+$0x10] =	vst v0;
	v63 =	vadd.f32 v47, v50;
	v1 =	vadd.f32 v1, v21;
	v21 =	vmul.f32 v31, v31  }
0x241: {  	v56 =	vld [tilespmem:s3+$0xFFFFFF90];
	[tilespmem:s0+$0x20] =	vst v50;
	v61 =	vmul.f32 v50, v50;
	v50 =	vadd.f32 v57, v15;
	v31 =	vadd.f32 v37, v53  }
0x242: {  	[tilespmem:s0+$0x0] =	vst v20;
	(xrf2) =	vadd.scan.msk.f32 $0xffff, v32;
	v41 =	vadd.f32 v59, v14;
	v21 =	vadd.f32 v18, v21  }
0x243: {  	[tilespmem:s1+$0xFFFFFFB0] =	vst v29;
	v18 =	vadd.f32 v58, v16;
	v37 =	vadd.f32 v26, v31;
	v26 =	vld [tilespmem:s3+$0xFFFFFF20]  }
0x244: {  	v49 =	vld [tilespmem:s3+$0xFFFFFF40];
	[tilespmem:s0+$0xFFFFFFD0] =	vst v44;
	v48 =	vmul.f32 v40, v40;
	v44 =	vadd.f32 v55, v13;
	v31 =	vadd.f32 v62, v13  }
0x245: {  	v51 =	vld [tilespmem:s3+$0x0];
	[tilespmem:s0+$0xFFFFFF80] =	vst v43;
	v58 =	vmul.f32 v18, v18;
	v17 =	vadd.f32 v21, v25;
	v21 =	vadd.f32 v0, v20  }
0x246: {  	s19 =	simm.s32 $0xBA70;
	[tilespmem:s0+$0x40] =	vst v34;
	v59 =	vld [tilespmem:s3+$0xFFFFFF30];
	v0 =	vadd.f32 v45, v14;
	v45 =	vadd.f32 v56, v14  }
0x247: {  	[tilespmem:s0+$0xFFFFFFC0] =	vst v39;
	v53 =	vld [tilespmem:s19+$0xFFFFFFA0];
	v25 =	vmul.f32 v47, v47;
	v60 =	vadd.f32 v58, v48;
	v38 =	vadd.f32 v63, v21  }
0x248: {  	[tilespmem:s0+$0x30] =	vst v47;
	v21 =	vld [tilespmem:s3+$0xFFFFFFD0];
	v58 =	vadd.f32 v18, v40;
	v47 =	vadd.f32 v26, v15  }
0x249: {  	s2 =	simm.s32 $0x136A0;
	(xrf2) =	vadd.scan.msk.f32 $0xffff, v19;
	[tilespmem:s0+$0xFFFFFFA0] =	vst v40;
	v20, _, _ =	vpop (xrf2);
	v34 =	vadd.f32 v60, v1;
	v1 =	vadd.f32 v25, v61;
	v25 =	vld [tilespmem:s3+$0xFFFFFF80]  }
0x24a: {  	[tilespmem:s2+$0xFFFFFFF0] =	vst v20;
	v48 =	vadd.f32 v51, v16;
	v63 =	vld [tilespmem:s3+$0xFFFFFFC0];
	v26 =	vmul.f32 v41, v41;
	v20 =	vmul.f32 v47, v47  }
0x24b: {  	s4 =	simm.s32 $0x11900;
	(xrf2) =	vadd.scan.msk.f32 $0xffff, v36;
	[tilespmem:s0+$0xFFFFFF90] =	vst v46;
	v39 =	vadd.f32 v1, v22;
	v1 =	vld [tilespmem:s3+$0xFFFFFFE0];
	v22 =	vadd.f32 v46, v43  }
0x24c: {  	v62 =	vmul.f32 v50, v50;
	[tilespmem:s4+$0xFFFFFF80] =	vst v41;
	v56, _, _ =	vpop (xrf2);
	v61 =	vadd.f32 v48, v31;
	v26 =	vadd.f32 v20, v26;
	v20 =	vld [tilespmem:s3+$0xFFFFFFB0]  }
0x24d: {  	[tilespmem:s2+$0x0] =	vst v56;
	v40 =	vadd.f32 v21, v14;
	v21 =	vadd.f32 v58, v22;
	v22 =	vmul.f32 v0, v0  }
0x24e: {  	v57 =	vmul.f32 v42, v42;
	[tilespmem:s4+$0xFFFFFFC0] =	vst v0;
	v0 =	vadd.f32 v50, v0;
	v25 =	vadd.f32 v25, v16  }
0x24f: {  	v19 =	vmul.f32 v44, v44;
	[tilespmem:s4+$0xFFFFFFD0] =	vst v50;
	v50 =	vadd.f32 v53, v15;
	v22 =	vadd.f32 v62, v22  }
0x250: {  	[tilespmem:s4+$0xFFFFFFE0] =	vst v44;
	v32 =	vadd.f32 v25, v44;
	v46 =	vmul.f32 v25, v25;
	v1 =	vadd.f32 v1, v15  }
0x251: {  	v54 =	vld [tilespmem:s19+$0xFFFFFF20];
	[tilespmem:s4+$0x60] =	vst v31;
	v31 =	vmul.f32 v31, v31;
	v44 =	vadd.f32 v63, v16;
	v52 =	vadd.f32 v20, v13  }
0x252: {  	[tilespmem:s4+$0xFFFFFF90] =	vst v47;
	v58 =	vmul.f32 v45, v45;
	v60 =	vadd.f32 v1, v40;
	v46 =	vadd.f32 v46, v19  }
0x253: {  	v55 =	vld [tilespmem:s19+$0x0];
	[tilespmem:s4+$0x70] =	vst v48;
	v63 =	vmul.f32 v48, v48;
	v35 =	vadd.f32 v32, v0;
	v0 =	vadd.f32 v59, v13  }
0x254: {  	v51 =	vld [tilespmem:s19+$0xFFFFFF10];
	[tilespmem:s4+$0x10] =	vst v42;
	v19 =	vadd.f32 v49, v16;
	v32 =	vadd.f32 v57, v58  }
0x255: {  	[tilespmem:s4+$0xFFFFFFF0] =	vst v25;
	v25 =	vmul.f32 v40, v40;
	v48 =	vld [tilespmem:s19+$0xFFFFFFF0];
	v31 =	vadd.f32 v63, v31;
	v63 =	vadd.f32 v47, v41  }
0x256: {  	v56 =	vld [tilespmem:s19+$0xFFFFFFE0];
	[tilespmem:s4+$0x50] =	vst v1;
	v1 =	vmul.f32 v1, v1;
	v41 =	vadd.f32 v54, v15;
	v36 =	vadd.f32 v44, v52  }
0x257: {  	[tilespmem:s4+$0x0] =	vst v45;
	v43 =	vadd.f32 v61, v60;
	v60 =	vmul.f32 v19, v19;
	v20 =	vadd.f32 v46, v22  }
0x258: {  	[tilespmem:s4+$0x40] =	vst v40;
	v49 =	vld [tilespmem:s19+$0xFFFFFF50];
	v59 =	vmul.f32 v0, v0;
	v46 =	vadd.f32 v42, v45;
	v1 =	vadd.f32 v1, v25  }
0x259: {  	[tilespmem:s4+$0x30] =	vst v44;
	v57 =	vld [tilespmem:s19+$0xFFFFFF60];
	v61 =	vmul.f32 v44, v44;
	v44 =	vadd.f32 v51, v14;
	v45 =	vadd.f32 v55, v16  }
0x25a: {  	s5 =	simm.s32 $0xBB70;
	v62 =	vmul.f32 v52, v52;
	[tilespmem:s4+$0x20] =	vst v52;
	v48 =	vadd.f32 v48, v13;
	v22 =	vadd.f32 v60, v59;
	v59 =	vld [tilespmem:s19+$0xFFFFFF70]  }
0x25b: {  	[tilespmem:s4+$0xFFFFFFA0] =	vst v0;
	v46 =	vadd.f32 v36, v46;
	v36 =	vadd.f32 v56, v15;
	v56 =	vld [tilespmem:s5+$0xFFFFFF10];
	v60, _, _ =	vpop (xrf2)  }
0x25c: {  	s15 =	simm.s32 $0x136E0;
	v22 =	vadd.f32 v22, v26;
	v26 =	vadd.f32 v61, v62;
	v61 =	vld [tilespmem:s19+$0xFFFFFF80];
	[tilespmem:s2+$0x10] =	vst v60;
	v58, _, _ =	vpop (xrf2)  }
0x25d: {  	s14 =	simm.s32 $0x11A00;
	(xrf2) =	vadd.scan.msk.f32 $0xffff, v38;
	v0 =	vadd.f32 v19, v0;
	v55 =	vadd.f32 v45, v48;
	v62 =	vld [tilespmem:s19+$0xFFFFFF90];
	[tilespmem:s15+$0xFFFFFFF0] =	vst v58  }
0x25e: {  	(xrf2) =	vadd.scan.msk.f32 $0xffff, v27;
	v25 =	vadd.f32 v26, v32;
	v26 =	vadd.f32 v31, v1;
	v1 =	vld [tilespmem:s19+$0xFFFFFFD0];
	[tilespmem:s14+$0x60] =	vst v48  }
0x25f: {  	v27 =	vadd.f32 v0, v63;
	v60 =	vld [tilespmem:s19+$0xFFFFFF30];
	v31 =	vadd.f32 v49, v14;
	(xrf2) =	vadd.scan.msk.f32 $0xffff, v23;
	[tilespmem:s14+$0x50] =	vst v36  }
0x260: {  	v63 =	vld [tilespmem:s19+$0xFFFFFFC0];
	v23 =	vmul.f32 v44, v44;
	v49 =	vadd.f32 v57, v15;
	v57 =	vmul.f32 v50, v50;
	[tilespmem:s14+$0x70] =	vst v45  }
0x261: {  	v32 =	vld [tilespmem:s19+$0xFFFFFF40];
	[tilespmem:s14+$0xFFFFFF80] =	vst v44;
	v42 =	vadd.f32 v59, v13;
	v59 =	vmul.f32 v41, v41;
	v29 =	vadd.f32 v56, v14  }
0x262: {  	v58 =	vld [tilespmem:s19+$0xFFFFFFB0];
	[tilespmem:s14+$0x10] =	vst v50;
	v40 =	vadd.f32 v61, v16;
	v51 =	vadd.f32 v62, v14;
	v61 =	vmul.f32 v31, v31  }
0x263: {  	[tilespmem:s14+$0xFFFFFFD0] =	vst v49;
	v47 =	vadd.f32 v59, v23;
	v23 =	vmul.f32 v49, v49;
	v49 =	vadd.f32 v49, v31  }
0x264: {  	(xrf2) =	vadd.scan.msk.f32 $0xffff, v28;
	v28 =	vmul.f32 v42, v42;
	v52 =	vadd.f32 v60, v13;
	v38 =	vadd.f32 v40, v42  }
0x265: {  	[tilespmem:s14+$0xFFFFFF90] =	vst v41;
	v1 =	vadd.f32 v1, v14;
	v0 =	vmul.f32 v40, v40;
	v53 =	vadd.f32 v23, v61  }
0x266: {  	[tilespmem:s14+$0xFFFFFFC0] =	vst v31;
	v59 =	vmul.f32 v51, v51;
	v23 =	vadd.f32 v32, v16;
	v50 =	vadd.f32 v50, v51  }
0x267: {  	v48 =	vmul.f32 v48, v48;
	[tilespmem:s14+$0xFFFFFFE0] =	vst v42;
	v62 =	vadd.f32 v36, v1;
	v0 =	vadd.f32 v0, v28  }
0x268: {  	[tilespmem:s14+$0xFFFFFFF0] =	vst v40;
	v60 =	vmul.f32 v52, v52;
	v32 =	vadd.f32 v38, v49;
	v42 =	vadd.f32 v57, v59  }
0x269: {  	v54 =	vld [tilespmem:s5+$0xFFFFFF50];
	[tilespmem:s14+$0x0] =	vst v51;
	v36 =	vmul.f32 v36, v36;
	v49 =	vadd.f32 v63, v16;
	v61 =	vmul.f32 v23, v23  }
0x26a: {  	v56 =	vld [tilespmem:s5+$0xFFFFFF60];
	[tilespmem:s14+$0x40] =	vst v1;
	v1 =	vmul.f32 v1, v1;
	v31 =	vadd.f32 v55, v62;
	v28 =	vadd.f32 v0, v53  }
0x26b: {  	(xrf2) =	vadd.scan.msk.f32 $0xffff, v30;
	v40 =	vld [tilespmem:s5+$0xFFFFFFA0];
	[tilespmem:s14+$0xFFFFFFA0] =	vst v52;
	v0 =	vadd.f32 v58, v13;
	v30 =	vadd.f32 v61, v60  }
0x26c: {  	v57 =	vmul.f32 v49, v49;
	v58 =	vld [tilespmem:s5+$0x0];
	v1 =	vadd.f32 v36, v1;
	v61 =	vadd.f32 v41, v44;
	v62, _, _ =	vpop (xrf2);
	(xrf2) =	vadd.scan.msk.f32 $0xffff, v35  }
0x26d: {  	v60 =	vld [tilespmem:s5+$0xFFFFFFF0];
	[tilespmem:s14+$0x30] =	vst v49;
	v55 =	vmul.f32 v0, v0;
	v35 =	vmul.f32 v45, v45;
	v53, _, _ =	vpop (xrf2);
	(xrf2) =	vadd.scan.msk.f32 $0xffff, v33  }
0x26e: {  	v59 =	vadd.f32 v49, v0;
	v30 =	vadd.f32 v30, v47;
	[tilespmem:s15+$0x0] =	vst v62;
	v62 =	vld [tilespmem:s5+$0xFFFFFF20]  }
0x26f: {  	s18 =	simm.s32 $0x13EA0;
	[tilespmem:s14+$0x20] =	vst v0;
	v38, _, _ =	vpop (xrf2);
	v63 =	vadd.f32 v57, v55;
	v55 =	vld [tilespmem:s5+$0xFFFFFF70];
	v57 =	vadd.f32 v35, v48  }
0x270: {  	v36 =	vadd.f32 v59, v50;
	v45, _, _ =	vpop (xrf2);
	[tilespmem:s18+$0x0] =	vst v38;
	v38 =	vadd.f32 v40, v15;
	v40 =	vld [tilespmem:s5+$0xFFFFFF90]  }
0x271: {  	v48 =	vadd.f32 v54, v14;
	v54 =	vadd.f32 v56, v15;
	[tilespmem:s15+$0x10] =	vst v45;
	v45 =	vld [tilespmem:s5+$0xFFFFFF80]  }
0x272: {  	s16 =	simm.s32 $0x11B00;
	[tilespmem:s18+$0x10] =	vst v53;
	v41 =	vadd.f32 v60, v13;
	v33 =	vadd.f32 v57, v1;
	v1 =	vld [tilespmem:s5+$0xFFFFFFD0]  }
0x273: {  	(xrf2) =	vadd.scan.msk.f32 $0xffff, v46;
	v46 =	vadd.f32 v58, v16;
	v35 =	vadd.f32 v63, v42;
	v63 =	vld [tilespmem:s5+$0xFFFFFFE0];
	[tilespmem:s16+$0xFFFFFFC0] =	vst v48  }
0x274: {  	v59 =	vadd.f32 v23, v52;
	v50 =	vld [tilespmem:s5+$0xFFFFFF40];
	v56 =	vmul.f32 v48, v48;
	[tilespmem:s16+$0xFFFFFFD0] =	vst v54;
	v48 =	vadd.f32 v54, v48  }
0x275: {  	(xrf2) =	vadd.scan.msk.f32 $0xffff, v37;
	v0, _, _ =	vpop (xrf2);
	v57 =	vld [tilespmem:s5+$0xFFFFFF30];
	[tilespmem:s16+$0xFFFFFF80] =	vst v29;
	v58 =	vadd.f32 v46, v41;
	v37 =	vadd.f32 v62, v15  }
0x276: {  	(xrf2) =	vadd.scan.msk.f32 $0xffff, v39;
	[tilespmem:s16+$0x60] =	vst v41;
	v55 =	vadd.f32 v55, v13;
	v42 =	vadd.f32 v40, v14;
	v60, _, _ =	vpop (xrf2)  }
0x277: {  	v53 =	vmul.f32 v38, v38;
	[tilespmem:s16+$0x70] =	vst v46;
	v40 =	vadd.f32 v59, v61;
	v47 =	vadd.f32 v45, v16;
	v61, _, _ =	vpop (xrf2)  }
0x278: {  	v62 =	vmul.f32 v29, v29;
	v44 =	vadd.f32 v1, v14;
	v49 =	vadd.f32 v63, v15;
	[tilespmem:s2+$0xFFFFFFE0] =	vst v61  }
0x279: {  	v63 =	vmul.f32 v37, v37;
	(xrf2) =	vadd.scan.msk.f32 $0xffff, v43;
	[tilespmem:s18+$0xFFFFFFE0] =	vst v0;
	v0 =	vmul.f32 v54, v54  }
0x27a: {  	s7 =	simm.s32 $0x13720;
	v59 =	vld [tilespmem:s5+$0xFFFFFFC0];
	v52 =	vmul.f32 v55, v55;
	[tilespmem:s16+$0xFFFFFFE0] =	vst v55;
	v51 =	vadd.f32 v47, v55;
	v39 =	vadd.f32 v49, v44  }
0x27b: {  	v1 =	vmul.f32 v47, v47;
	[tilespmem:s7+$0xFFFFFFF0] =	vst v60;
	v45 =	vadd.f32 v63, v62;
	v0 =	vadd.f32 v0, v56;
	v56 =	vld [tilespmem:s5+$0xFFFFFFB0]  }
0x27c: {  	s9 =	simm.s32 $0x13F20;
	s10 =	simm.s32 $0x13760;
	v60 =	vmul.f32 v42, v42;
	v43 =	vadd.f32 v57, v13;
	(xrf2) =	vadd.scan.msk.f32 $0xffff, v24;
	v24 =	vadd.f32 v50, v16  }
0x27d: {  	s13 =	simm.s32 $0x13F60;
	s11 =	simm.s32 $0x13FA0;
	s12 =	simm.s32 $0xBC70;
	[tilespmem:s16+$0x40] =	vst v44;
	v39 =	vadd.f32 v58, v39;
	v1 =	vadd.f32 v1, v52  }
0x27e: {  	s28 =	simm.s32 $0x11C00;
	s29 =	simm.s32 $0x137A0;
	s17 =	simm.s32 $0x10;
	[tilespmem:s16+$0x50] =	vst v49;
	v55, _, _ =	vpop (xrf2);
	v54 =	vadd.f32 v51, v48;
	v48 =	vadd.f32 v53, v60  }
0x27f: {  	s3 =	simm.s32 $0x137A0;
	s19 =	simm.s32 $0x13EE0;
	v53 =	vmul.f32 v49, v49;
	v52 =	vadd.f32 v59, v16;
	v51, _, _ =	vpop (xrf2);
	(xrf2) =	vadd.scan.msk.f32 $0xffff, v34;
	s5 =	simm.s32 $0x13FA0;
	v50 =	vadd.f32 v1, v0  }
.LBB2_25:
0x280: {  	v0 =	vld [tilespmem:s12+$0xFFFFFF50];
	s17 =	sadd.s32 $0x4, s17;
	v1 =	vmul.f32 v43, v43;
	v57 =	vmul.f32 v24, v24;
	[tilespmem:s16+$0xFFFFFFF0] =	vst v47;
	v56 =	vadd.f32 v56, v13;
	s3 =	sadd.s32 $0x40, s3;
	s11 =	sadd.s32 $0x40, s11;
	v47, _, _ =	vpop (xrf2)  }
0x281: {  	v59 =	vadd.f32 v38, v42;
	v34 =	vmovc v30;
	v49 =	vmov v28;
	v58 =	vld [tilespmem:s12+$0xFFFFFFA0];
	p1 =	slt.u32 s17, $0x7C;
	[tilespmem:s16+$0x10] =	vst v38;
	v38 =	vmul.f32 v52, v52  }
0x282: {  	v41 =	vmul.f32 v41, v41;
	v60 =	vld [tilespmem:s12+$0x0];
	v1 =	vadd.f32 v57, v1;
	v63 =	vmul.f32 v56, v56;
	[tilespmem:s7+$0x0] =	vst v55  }
0x283: {  	v44 =	vmul.f32 v44, v44;
	v46 =	vmul.f32 v46, v46;
	v57 =	vadd.f32 v52, v56;
	v55 =	vld [tilespmem:s12+$0xFFFFFF10];
	(xrf2) =	vadd.scan.msk.f32 $0xffff, v32;
	v61, _, _ =	vpop (xrf2)  }
0x284: {  	v28 =	vmovc v50;
	v32 =	vmov v54;
	v62 =	vld [tilespmem:s12+$0xFFFFFFF0];
	v30 =	vadd.f32 v1, v45;
	v1 =	vadd.f32 v38, v63;
	[tilespmem:s19+$0x0] =	vst v47  }
0x285: {  	v44 =	vadd.f32 v53, v44;
	v41 =	vadd.f32 v46, v41;
	v45 =	vld [tilespmem:s12+$0xFFFFFF70];
	[tilespmem:s7+$0x10] =	vst v61  }
0x286: {  	v46 =	vld [tilespmem:s12+$0xFFFFFF80];
	v38 =	vadd.f32 v58, v15;
	v1 =	vadd.f32 v1, v48;
	[tilespmem:s0+$0xFFFFFFB0] =	vst v18;
	(xrf2) =	vadd.scan.msk.f32 $0xffff, v21;
	v48, _, _ =	vpop (xrf2);
	s0 =	smov.u32 s4;
	s4 =	smov.u32 s14;
	s14 =	smov.u32 s16  }
0x287: {  	v47 =	vadd.f32 v57, v59;
	v44 =	vadd.f32 v41, v44;
	v21 =	vmovc v27;
	v27 =	vmov v40;
	s16 =	smov.u32 s28;
	v50 =	vld [tilespmem:s12+$0xFFFFFF90];
	[tilespmem:s14+$0xFFFFFF90] =	vst v37  }
0x288: {  	v0 =	vadd.f32 v0, v14;
	v40 =	vadd.f32 v37, v29;
	v53 =	vmul.f32 v38, v38;
	v54 =	vld [tilespmem:s12+$0xFFFFFFE0];
	[tilespmem:s14+$0xFFFFFFA0] =	vst v43  }
0x289: {  	v37 =	vld [tilespmem:s12+$0xFFFFFFD0];
	v41 =	vadd.f32 v62, v13;
	[tilespmem:s14+$0x30] =	vst v52;
	(xrf2) =	vadd.scan.msk.f32 $0xffff, v36;
	v52, _, _ =	vpop (xrf2);
	v36 =	vmov v47  }
0x28a: {  	v18 =	vmovc v19;
	v19 =	vmov v23;
	v29 =	vadd.f32 v55, v14;
	v55 =	vld [tilespmem:s12+$0xFFFFFF20];
	v57 =	vadd.f32 v45, v13;
	[tilespmem:s19+$0x10] =	vst v51  }
0x28b: {  	v23 =	vmov v24;
	v45 =	vld [tilespmem:s12+$0xFFFFFF60];
	v47 =	vadd.f32 v46, v16;
	[tilespmem:s14+$0x20] =	vst v56  }
0x28c: {  	[tilespmem:s28+$0xFFFFFFC0] =	vst v0;
	v24 =	vadd.f32 v50, v14;
	(xrf2) =	vadd.scan.msk.f32 $0xffff, v26;
	v26 =	vmovc v33;
	v33 =	vmov v44  }
0x28d: {  	v43 =	vadd.f32 v23, v43;
	v50 =	vmul.f32 v47, v47;
	[tilespmem:s14+$0x0] =	vst v42;
	v42, _, _ =	vpop (xrf2)  }
0x28e: {  	v51 =	vadd.f32 v47, v57;
	v58 =	vmul.f32 v24, v24;
	v44 =	vadd.f32 v37, v14;
	[tilespmem:s10+$0xFFFFFFF0] =	vst v42  }
0x28f: {  	v40 =	vadd.f32 v43, v40;
	v37 =	vadd.f32 v55, v15;
	[tilespmem:s28+$0x60] =	vst v41;
	(xrf2) =	vadd.scan.msk.f32 $0xffff, v25;
	v25 =	vmovc v35  }
0x290: {  	v46 =	vadd.f32 v60, v16;
	v59 =	vadd.f32 v54, v15;
	v42 =	vmul.f32 v29, v29;
	v35, _, _ =	vpop (xrf2);
	[tilespmem:s18+$0xFFFFFFF0] =	vst v48;
	s18 =	smov.u32 s19;
	s19 =	smov.u32 s9;
	s9 =	smov.u32 s13  }
0x291: {  	v54 =	vmul.f32 v0, v0;
	v48 =	vadd.f32 v45, v15;
	v60 =	vld [tilespmem:s12+$0xFFFFFF40];
	v43 =	vmul.f32 v37, v37;
	[tilespmem:s15+$0xFFFFFFE0] =	vst v35;
	s15 =	smov.u32 s7;
	s7 =	smov.u32 s10;
	s10 =	smov.u32 s29  }
0x292: {  	v63 =	vadd.f32 v46, v41;
	v62 =	vadd.f32 v59, v44;
	s13 =	smov.u32 s5;
	s5 =	smov.u32 s11;
	v35 =	vmovc v1;
	s29 =	smov.u32 s3;
	v61 =	vld [tilespmem:s12+$0xFFFFFF30];
	(xrf2) =	vadd.scan.msk.f32 $0xffff, v31;
	[tilespmem:s18+$0xFFFFFFE0] =	vst v52  }
0x293: {  	v1 =	vmul.f32 v48, v48;
	v45 =	vadd.f32 v43, v42;
	v43 =	vmul.f32 v57, v57;
	v52 =	vld [tilespmem:s12+$0xFFFFFFC0];
	[tilespmem:s28+$0x40] =	vst v44;
	v55, _, _ =	vpop (xrf2)  }
.Ltmp13:
0x294: {  	v0 =	vadd.f32 v48, v0;
	v31 =	vmovc v39;
	v39 =	vadd.f32 v63, v62;
	v42 =	vmov v24;
	[tilespmem:s28+$0xFFFFFFD0] =	vst v48;
	v56 =	vld [tilespmem:s12+$0xFFFFFFB0];
	(pc) =	sbr.rel @p1 .LBB2_25-.Ltmp13, $4  }
0x295: {  	v1 =	vadd.f32 v1, v54;
	v50 =	vadd.f32 v50, v43;
	[tilespmem:s28+$0x50] =	vst v59;
	(xrf2) =	vadd.scan.msk.f32 $0xffff, v17;
	v17 =	vmovc v20  }
0x296: {  	v54 =	vadd.f32 v51, v0;
	v48 =	vadd.f32 v53, v58;
	v20 =	vmov v49;
	[tilespmem:s28+$0xFFFFFFE0] =	vst v57;
	v51, _, _ =	vpop (xrf2)  }
0x297: {  	s2 =	simm.s32 $0x14690;
	s1 =	simm.s32 $0x14710;
	s6 =	simm.s32 $0x10;
	v53 =	vmul.f32 v59, v59;
	v24 =	vadd.f32 v60, v16;
	v43 =	vadd.f32 v61, v13;
	[tilespmem:s28+$0x70] =	vst v46  }
0x298: {  	s12 =	sadd.s32 $0x100, s12;
	v50 =	vadd.f32 v50, v1;
	s28 =	sadd.s32 $0x100, s28;
	[tilespmem:s16+$0xFFFFFF80] =	vst v29;
	v52 =	vadd.f32 v52, v16;
	(xrf2) =	vadd.scan.msk.f32 $0xffff, v22;
	v22 =	vmovc v34  }
0x299: {  	[tilespmem:s16+$0xFFFFFFF0] =	vst v47  }
0x29a: {  	[tilespmem:s16+$0x10] =	vst v38  }
0x29b: {  	(xrf2) =	vadd.scan.msk.f32 $0xffff, v32;
	[tilespmem:s7+$0x0] =	vst v55  }
0x29c: {  	v0, _, _ =	vpop (xrf2);
	[tilespmem:s0+$0xFFFFFFB0] =	vst v18;
	(xrf2) =	vadd.scan.msk.f32 $0xffff, v21  }
0x29d: {  	[tilespmem:s16+$0xFFFFFF90] =	vst v37  }
0x29e: {  	[tilespmem:s16+$0xFFFFFFA0] =	vst v43;
	v1, _, _ =	vpop (xrf2);
	(xrf2) =	vadd.scan.msk.f32 $0xffff, v36  }
0x29f: {  	[tilespmem:s19+$0x0] =	vst v0;
	v0 =	vadd.f32 v56, v13;
	(xrf2) =	vadd.scan.msk.f32 $0xffff, v26  }
0x2a0: {  	[tilespmem:s19+$0x10] =	vst v51;
	(xrf2) =	vadd.scan.msk.f32 $0xffff, v25  }
0x2a1: {  	[tilespmem:s16+$0x0] =	vst v42;
	v13 =	vadd.f32 v52, v0;
	(xrf2) =	vadd.scan.msk.f32 $0xffff, v31  }
0x2a2: {  	[tilespmem:s4+$0xFFFFFFB0] =	vst v19;
	(xrf2) =	vadd.scan.msk.f32 $0xffff, v17  }
0x2a3: {  	[tilespmem:s7+$0x10] =	vst v1;
	v1 =	vadd.f32 v38, v42;
	v14, _, _ =	vpop (xrf2);
	(xrf2) =	vadd.scan.msk.f32 $0xffff, v22  }
0x2a4: {  	[tilespmem:s14+$0xFFFFFFB0] =	vst v23;
	v15, _, _ =	vpop (xrf2);
	(xrf2) =	vadd.scan.msk.f32 $0xffff, v54  }
0x2a5: {  	v1 =	vadd.f32 v13, v1;
	[tilespmem:s18+$0xFFFFFFF0] =	vst v14;
	v13, _, _ =	vpop (xrf2)  }
0x2a6: {  	(xrf2) =	vadd.scan.msk.f32 $0xffff, v27;
	[tilespmem:s10+$0xFFFFFFF0] =	vst v13;
	v13, _, _ =	vpop (xrf2)  }
0x2a7: {  	v14 =	vmul.f32 v44, v44;
	[tilespmem:s15+$0xFFFFFFE0] =	vst v13  }
0x2a8: {  	v16 =	vmul.f32 v46, v46;
	(xrf2) =	vadd.scan.msk.f32 $0xffff, v1;
	v13, _, _ =	vpop (xrf2);
	[tilespmem:s19+$0xFFFFFFE0] =	vst v15  }
0x2a9: {  	v1 =	vmul.f32 v41, v41;
	(xrf2) =	vadd.scan.msk.f32 $0xffff, v33;
	v15, _, _ =	vpop (xrf2);
	[tilespmem:s10+$0x0] =	vst v13;
	v13 =	vadd.f32 v53, v14  }
0x2aa: {  	v59 =	vmul.f32 v52, v52;
	[tilespmem:s16+$0x20] =	vst v0;
	v0 =	vmul.f32 v0, v0;
	(xrf2) =	vadd.scan.msk.f32 $0xffff, v35;
	v60, _, _ =	vpop (xrf2)  }
0x2ab: {  	[tilespmem:s16+$0xFFFFFFB0] =	vst v24;
	v1 =	vadd.f32 v16, v1;
	(xrf2) =	vadd.scan.msk.f32 $0xffff, v39;
	v14, _, _ =	vpop (xrf2)  }
0x2ac: {  	v0 =	vadd.f32 v59, v0;
	(xrf2) =	vadd.scan.msk.f32 $0xffff, v20;
	[tilespmem:s10+$0x10] =	vst v14;
	v14, _, _ =	vpop (xrf2)  }
0x2ad: {  	[tilespmem:s16+$0x30] =	vst v52;
	v1 =	vadd.f32 v1, v13;
	v13, _, _ =	vpop (xrf2);
	(xrf2) =	vadd.scan.msk.f32 $0xffff, v30  }
0x2ae: {  	v0 =	vadd.f32 v0, v48;
	[tilespmem:s9+$0x10] =	vst v15;
	v15, _, _ =	vpop (xrf2);
	(xrf2) =	vadd.scan.msk.f32 $0xffff, v40  }
0x2af: {  	v61 =	vmul.f32 v43, v43;
	[tilespmem:s9+$0x0] =	vst v60;
	(xrf2) =	vadd.scan.msk.f32 $0xffff, v1  }
0x2b0: {  	v62 =	vmul.f32 v24, v24;
	[tilespmem:s29+$0xFFFFFFF0] =	vst v15;
	v15 =	vadd.f32 v24, v43;
	v63, _, _ =	vpop (xrf2);
	(xrf2) =	vadd.scan.msk.f32 $0xffff, v0  }
0x2b1: {  	[tilespmem:s19+$0xFFFFFFF0] =	vst v14;
	v1 =	vadd.f32 v37, v29  }
0x2b2: {  	v16 =	vadd.f32 v62, v61;
	v0, _, _ =	vpop (xrf2);
	[tilespmem:s7+$0xFFFFFFE0] =	vst v63  }
0x2b3: {  	v1 =	vadd.f32 v15, v1;
	[tilespmem:s9+$0xFFFFFFE0] =	vst v13;
	v13, _, _ =	vpop (xrf2)  }
0x2b4: {  	v14 =	vadd.f32 v16, v45;
	[tilespmem:s29+$0x0] =	vst v0;
	v15, _, _ =	vpop (xrf2)  }
0x2b5: {  	(xrf2) =	vadd.scan.msk.f32 $0xffff, v28;
	[tilespmem:s13+$0x10] =	vst v13;
	v0, _, _ =	vpop (xrf2)  }
0x2b6: {  	(xrf2) =	vadd.scan.msk.f32 $0xffff, v14;
	[tilespmem:s29+$0x10] =	vst v0;
	v0, _, _ =	vpop (xrf2)  }
0x2b7: {  	(xrf2) =	vadd.scan.msk.f32 $0xffff, v1;
	[tilespmem:s13+$0x0] =	vst v15;
	v1, _, _ =	vpop (xrf2)  }
0x2b8: {  	[tilespmem:s9+$0xFFFFFFF0] =	vst v0;
	v13, _, _ =	vpop (xrf2)  }
0x2b9: {  	v0, _, _ =	vpop (xrf2);
	[tilespmem:s10+$0xFFFFFFE0] =	vst v13  }
0x2ba: {  	v13, _, _ =	vpop (xrf2);
	[tilespmem:s13+$0xFFFFFFE0] =	vst v1  }
0x2bb: {  	(xrf2) =	vadd.scan.msk.f32 $0xffff, v50;
	[tilespmem:s5+$0x0] =	vst v13  }
0x2bc: {  	v62 =	vld [tilespmem:$0x1FFF0];
	_ =	sdelay $0x1  }
0x2bd: {  	s28 =	simm.s32 $0x0  }
0x2be: {  	v1 =	vmov s28  }
0x2bf: {  	v14 =	vmov s6;
	v1 =	vshll.u32 v1, $0x4  }
0x2c0: {  	v13, _, _ =	vpop (xrf2);
	v1 =	vor.u32 v62, v1  }
0x2c1: {  	v15, _, _ =	vpop (xrf2);
	[tilespmem:s5+$0x10] =	vst v0;
	v0 =	vshll.u32 v14, $0x4;
	v1 =	vor.u32 $0xF, v1  }
0x2c2: {  	[tilespmem:s13+$0xFFFFFFF0] =	vst v13;
	v14, _, _ =	vpop (xrf2);
	v0 =	vor.u32 v62, v0  }
0x2c3: {  	[tilespmem:s29+$0xFFFFFFE0] =	vst v14;
	v0 =	vor.u32 $0xF, v0  }
0x2c4: {  	p4 =	por $0x1, $0x1;
	v13, _, _ =	vpop (xrf2);
	[tilespmem:s5+$0xFFFFFFE0] =	vst v15  }
.Ltmp14:
0x2c5: {  	[tilespmem:s5+$0xFFFFFFF0] =	vst v13;
	(pc) =	sbr.rel @!p4 .LBB2_27-.Ltmp14, $4  }
0x2c6: {  	v25 =	vld.idx.msk [tilespmem:v1+s21+$0x0], $0xffff  }
0x2c7: {  	v24 =	vld.idx.msk [tilespmem:v1+s22+$0x0], $0xffff  }
0x2c8: {  	s0 =	simm.s32 $0x30;
	v22 =	vld.idx.msk [tilespmem:v0+s21+$0x0], $0xffff  }
0x2c9: {  	p2 =	por $0x0, $0x0;
	p3 =	por $0x0, $0x0;
	p1 =	por $0x0, $0x0;
	v21 =	vld.idx.msk [tilespmem:v0+s22+$0x0], $0xffff  }
0x2ca: {  	_ = 	snop  }
0x2cb: {  	s3 =	simm.s32 $0x20;
	v14 =	vmul.f32 $1.562500000e-02, v25  }
0x2cc: {  	v0 =	vmov s3  }
0x2cd: {  	v0 =	vshll.u32 v0, $0x4;
	v1 =	vmul.f32 $1.562500000e-02, v24;
	v15 =	vmul.f32 v14, v14  }
0x2ce: {  	v16 =	vmov s0;
	v0 =	vor.u32 v62, v0;
	v13 =	vmul.f32 $1.562500000e-02, v22  }
0x2cf: {  	v16 =	vshll.u32 v16, $0x4;
	v0 =	vor.u32 $0xF, v0;
	v1 =	vsub.f32 v1, v15  }
0x2d0: {  	v15 =	vor.u32 v62, v16;
	v16 =	vmul.f32 $1.562500000e-02, v21;
	v17 =	vmul.f32 v13, v13  }
0x2d1: {  	v15 =	vor.u32 $0xF, v15;
	v1 =	vadd.f32 $1.000000050e-03, v1  }
0x2d2: {  	p4 =	por $0x1, $0x1;
	v16 =	vsub.f32 v16, v17  }
.Ltmp15:
0x2d3: {  	v61 =	vld [tilespmem:$0x1FFE0];
	v17 =	vshra.s32 v1, $0x1;
	v18 =	vmul.f32 $5.000000000e-01, v1;
	(pc) =	sbr.rel @!p4 .LBB2_29-.Ltmp15, $4  }
0x2d4: {  	v25 =	vld.idx.msk [tilespmem:v0+s21+$0x0], $0xffff;
	v1 =	vadd.f32 $1.000000050e-03, v16;
	v23 =	vsub.s32 $0x5F3759DF, v17  }
0x2d5: {  	v24 =	vld.idx.msk [tilespmem:v0+s22+$0x0], $0xffff;
	v0 =	vmul.f32 v23, v18  }
0x2d6: {  	v22 =	vld.idx.msk [tilespmem:v15+s21+$0x0], $0xffff;
	v17 =	vshra.s32 v1, $0x1  }
0x2d7: {  	s0 =	simm.s32 $0x50;
	p2 =	por $0x1, $0x1;
	v21 =	vld.idx.msk [tilespmem:v15+s22+$0x0], $0xffff;
	v16 =	vmul.f32 $5.000000000e-01, v1;
	v17 =	vsub.s32 $0x5F3759DF, v17;
	v30 =	vmul.f32 v23, v0  }
0x2d8: {  	_ = 	snop  }
0x2d9: {  	s3 =	simm.s32 $0x40;
	v0 =	vmov s0;
	v31 =	vmul.f32 $1.562500000e-02, v25;
	v1 =	vsub.f32 $1.500000000e+00, v30  }
0x2da: {  	v19 =	vmul.f32 v17, v16;
	v15 =	vmov s3;
	v20 =	vmul.f32 $1.562500000e-02, v24  }
0x2db: {  	v15 =	vshll.u32 v15, $0x4;
	v24 =	vmul.f32 v31, v31;
	v1 =	vmul.f32 v23, v1  }
0x2dc: {  	v0 =	vshll.u32 v0, $0x4;
	v23 =	vor.u32 v62, v15;
	v15 =	vmul.f32 $1.562500000e-02, v22  }
0x2dd: {  	v22 =	vor.u32 $0xF, v23;
	v20 =	vsub.f32 v20, v24;
	v18 =	vmul.f32 v1, v18  }
0x2de: {  	v0 =	vor.u32 v62, v0;
	v21 =	vmul.f32 $1.562500000e-02, v21;
	v23 =	vmul.f32 v15, v15  }
0x2df: {  	v0 =	vor.u32 $0xF, v0;
	v20 =	vadd.f32 $1.000000050e-03, v20;
	v24 =	vmul.f32 v18, v1  }
0x2e0: {  	p4 =	por $0x1, $0x1;
	v19 =	vmul.f32 v17, v19;
	v21 =	vsub.f32 v21, v23  }
.Ltmp16:
0x2e1: {  	v23 =	vshra.s32 v20, $0x1;
	v18 =	vmul.f32 $5.000000000e-01, v20;
	v20 =	vsub.f32 $1.500000000e+00, v24;
	(pc) =	sbr.rel @!p4 .LBB2_31-.Ltmp16, $4  }
0x2e2: {  	v25 =	vld.idx.msk [tilespmem:v22+s21+$0x0], $0xffff;
	v26 =	vadd.f32 $1.000000050e-03, v21;
	v23 =	vsub.s32 $0x5F3759DF, v23  }
0x2e3: {  	v19 =	vsub.f32 $1.500000000e+00, v19;
	v24 =	vld.idx.msk [tilespmem:v22+s22+$0x0], $0xffff;
	v27 =	vmul.f32 v23, v18;
	v1 =	vmul.f32 v20, v1  }
0x2e4: {  	[tilespmem:s2+$0xFFFFFFF0] =	vst v14;
	v22 =	vld.idx.msk [tilespmem:v0+s21+$0x0], $0xffff;
	v28 =	vshra.s32 v26, $0x1;
	v20 =	vmul.f32 $5.000000000e-01, v26  }
0x2e5: {  	s0 =	simm.s32 $0x70;
	p3 =	por $0x1, $0x1;
	v19 =	vmul.f32 v17, v19;
	v21 =	vld.idx.msk [tilespmem:v0+s22+$0x0], $0xffff;
	v17 =	vsub.s32 $0x5F3759DF, v28;
	v30 =	vmul.f32 v23, v27;
	[tilespmem:s1+$0xFFFFFFF0] =	vst v1  }
0x2e6: {  	v0 =	vmov s0  }
0x2e7: {  	s29 =	simm.s32 $0x60;
	v1 =	vmul.f32 v17, v20;
	v14 =	vmul.f32 $1.562500000e-02, v25;
	v25 =	vsub.f32 $1.500000000e+00, v30  }
0x2e8: {  	v26 =	vmul.f32 v19, v16;
	v27 =	vmov s29;
	v24 =	vmul.f32 $1.562500000e-02, v24  }
0x2e9: {  	v27 =	vshll.u32 v27, $0x4;
	v29 =	vmul.f32 v14, v14;
	v30 =	vmul.f32 v23, v25  }
0x2ea: {  	v0 =	vshll.u32 v0, $0x4;
	v23 =	vor.u32 v62, v27;
	v28 =	vmul.f32 $1.562500000e-02, v22  }
0x2eb: {  	v22 =	vor.u32 $0xF, v23;
	v23 =	vsub.f32 v24, v29;
	v18 =	vmul.f32 v30, v18  }
0x2ec: {  	v0 =	vor.u32 v62, v0;
	v21 =	vmul.f32 $1.562500000e-02, v21;
	v24 =	vmul.f32 v28, v28  }
0x2ed: {  	v0 =	vor.u32 $0xF, v0;
	v23 =	vadd.f32 $1.000000050e-03, v23;
	v25 =	vmul.f32 v18, v30  }
0x2ee: {  	p5 =	por $0x0, $0x0;
	v1 =	vmul.f32 v17, v1;
	v26 =	vmul.f32 v26, v19;
	v21 =	vsub.f32 v21, v24  }
.Ltmp17:
0x2ef: {  	v24 =	vshra.s32 v23, $0x1;
	v18 =	vmul.f32 $5.000000000e-01, v23;
	v27 =	vsub.f32 $1.500000000e+00, v25;
	(pc) =	sbr.rel @!p5 .LBB2_33-.Ltmp17, $4  }
0x2f0: {  	v1 =	vsub.f32 $1.500000000e+00, v1;
	v25 =	vld.idx.msk [tilespmem:v22+s21+$0x0], $0xffff;
	v21 =	vadd.f32 $1.000000050e-03, v21;
	v23 =	vsub.s32 $0x5F3759DF, v24  }
0x2f1: {  	[tilespmem:s2+$0x0] =	vst v13;
	s0 =	simm.s32 $0x146B0;
	v33 =	vsub.f32 $1.500000000e+00, v26;
	v24 =	vld.idx.msk [tilespmem:v22+s22+$0x0], $0xffff;
	v29 =	vmul.f32 v23, v18;
	v32 =	vmul.f32 v27, v30  }
0x2f2: {  	s5 =	simm.s32 $0x6;
	s3 =	simm.s32 $0x14730;
	[tilespmem:s0+$0xFFFFFFF0] =	vst v31;
	v22 =	vld.idx.msk [tilespmem:v0+s21+$0x0], $0xffff;
	v34 =	vshra.s32 v21, $0x1;
	v26 =	vmul.f32 $5.000000000e-01, v21;
	v27 =	vmul.f32 v17, v1  }
0x2f3: {  	s6 =	simm.s32 $0x90;
	p4 =	por $0x1, $0x1;
	s4 =	simm.s32 $0x14710;
	v21 =	vld.idx.msk [tilespmem:v0+s22+$0x0], $0xffff;
	v17 =	vsub.s32 $0x5F3759DF, v34;
	v30 =	vmul.f32 v23, v29;
	[tilespmem:s3+$0xFFFFFFF0] =	vst v32;
	v29 =	vmul.f32 v33, v19  }
.LBB2_34:
0x2f4: {  	s7 =	sadd.s32 $0xFFFFFFF0, s6;
	v0 =	vmov s6;
	s5 =	sadd.s32 $0x2, s5;
	v1 =	vmul.f32 v17, v26;
	v31 =	vmul.f32 v27, v20;
	[tilespmem:s0+$0x0] =	vst v15;
	v15 =	vmovc v28;
	v20 =	vmovc v26  }
0x2f5: {  	v32 =	vmul.f32 $1.562500000e-02, v25;
	v26 =	vmov s7;
	p5 =	slt.u32 s5, $0x6;
	v25 =	vsub.f32 $1.500000000e+00, v30;
	[tilespmem:s4+$0x0] =	vst v29;
	v29 =	vmovc v27;
	s4 =	smov.u32 s3  }
0x2f6: {  	v0 =	vshll.u32 v0, $0x4;
	v24 =	vmul.f32 $1.562500000e-02, v24;
	v26 =	vshll.u32 v26, $0x4  }
0x2f7: {  	v27 =	vmul.f32 v32, v32;
	v26 =	vor.u32 v62, v26;
	v30 =	vmul.f32 v23, v25  }
0x2f8: {  	v0 =	vor.u32 v62, v0;
	v28 =	vmul.f32 $1.562500000e-02, v22;
	v23 =	vor.u32 $0xF, v26  }
0x2f9: {  	v0 =	vor.u32 $0xF, v0;
	v22 =	vsub.f32 v24, v27;
	v18 =	vmul.f32 v30, v18  }
0x2fa: {  	v21 =	vmul.f32 $1.562500000e-02, v21;
	v24 =	vmul.f32 v28, v28  }
0x2fb: {  	v1 =	vmul.f32 v17, v1;
	v22 =	vadd.f32 $1.000000050e-03, v22;
	v26 =	vmul.f32 v18, v30  }
0x2fc: {  	v27 =	vmul.f32 v31, v29;
	v21 =	vsub.f32 v21, v24  }
.Ltmp18:
0x2fd: {  	v31 =	vshra.s32 v22, $0x1;
	v18 =	vmul.f32 $5.000000000e-01, v22;
	v25 =	vld.idx.msk [tilespmem:v23+s21+$0x0], $0xffff;
	v26 =	vsub.f32 $1.500000000e+00, v26;
	(pc) =	sbr.rel @p5 .LBB2_34-.Ltmp18, $4  }
0x2fe: {  	v1 =	vsub.f32 $1.500000000e+00, v1;
	v24 =	vld.idx.msk [tilespmem:v23+s22+$0x0], $0xffff;
	v23 =	vsub.s32 $0x5F3759DF, v31;
	v31 =	vadd.f32 $1.000000050e-03, v21  }
0x2ff: {  	s0 =	sadd.s32 $0x20, s0;
	v35 =	vsub.f32 $1.500000000e+00, v27;
	v22 =	vld.idx.msk [tilespmem:v0+s21+$0x0], $0xffff;
	v33 =	vmul.f32 v23, v18;
	v34 =	vmul.f32 v26, v30  }
0x300: {  	s3 =	sadd.s32 $0x20, s3;
	v27 =	vmul.f32 v17, v1;
	v21 =	vld.idx.msk [tilespmem:v0+s22+$0x0], $0xffff;
	v0 =	vshra.s32 v31, $0x1;
	v26 =	vmul.f32 $5.000000000e-01, v31;
	[tilespmem:s0+$0xFFFFFFF0] =	vst v14;
	v14 =	vmovc v32  }
0x301: {  	s6 =	sadd.s32 $0x20, s6;
	v29 =	vmul.f32 v35, v29;
	v30 =	vmul.f32 v23, v33;
	v17 =	vsub.s32 $0x5F3759DF, v0;
	[tilespmem:s3+$0xFFFFFFF0] =	vst v34  }
0x302: {  	v32 =	vmov v15;
	v15 =	vmov v28  }
.LBB2_36:
0x303: {  	v0 =	vmul.f32 $1.562500000e-02, v25  }
0x304: {  	v1 =	vmul.f32 $1.562500000e-02, v24  }
0x305: {  	v22 =	vmul.f32 $1.562500000e-02, v22;
	v57 =	vmul.f32 v0, v0;
	_ =	sdelay $0x1  }
0x306: {  	v21 =	vmul.f32 $1.562500000e-02, v21;
	v58 =	vmul.f32 v22, v22;
	v1 =	vsub.f32 v1, v57  }
0x307: {  	v25 =	vsub.f32 @p2 $1.500000000e+00, v30  }
0x308: {  	v21 =	vsub.f32 v21, v58;
	v1 =	vadd.f32 $1.000000050e-03, v1  }
0x309: {  	v24 =	vmul.f32 @p2 v17, v26;
	v23 =	vmul.f32 @p2 v23, v25  }
0x30a: {  	v21 =	vadd.f32 $1.000000050e-03, v21;
	v28 =	vshra.s32 v1, $0x1;
	v1 =	vmul.f32 $5.000000000e-01, v1  }
0x30b: {  	v24 =	vmul.f32 @p2 v17, v24;
	v18 =	vmul.f32 @p2 v23, v18;
	v59 =	vsub.s32 $0x5F3759DF, v28  }
0x30c: {  	v60 =	vshra.s32 v21, $0x1;
	v21 =	vmul.f32 $5.000000000e-01, v21;
	v28 =	vmul.f32 v59, v1  }
0x30d: {  	v24 =	vsub.f32 @p2 $1.500000000e+00, v24;
	v18 =	vmul.f32 @p2 v18, v23;
	v30 =	vsub.s32 $0x5F3759DF, v60  }
0x30e: {  	v31 =	vmul.f32 v30, v21;
	v28 =	vmul.f32 v59, v28  }
0x30f: {  	v17 =	vmul.f32 @p2 v17, v24;
	v18 =	vsub.f32 @p2 $1.500000000e+00, v18  }
0x310: {  	v31 =	vmul.f32 v30, v31;
	v28 =	vsub.f32 $1.500000000e+00, v28  }
0x311: {  	v20 =	vmul.f32 @p3 v27, v20;
	v17 =	vpsel p2, v17, v19;
	v18 =	vmul.f32 @p2 v18, v23;
	v23 =	vmovc @p2 v26  }
0x312: {  	v16 =	vpsel p2, v23, v16;
	v63 =	vsub.f32 $1.500000000e+00, v31;
	v62 =	vmul.f32 v59, v28  }
0x313: {  	[tilespmem:s0+$0x0] =	vst @p3 v32;
	s0 =	sadd.s32 @p3 $0x20, s0;
	s5 =	simm.s32 $0x14690;
	v20 =	vmul.f32 @p3 v20, v27;
	v16 =	vmul.f32 @p2 v17, v16  }
0x314: {  	[tilespmem:s4+$0x0] =	vst @p4 v29;
	s5 =	smov.u32 @p3 s0;
	v19 =	vmul.f32 v30, v63;
	v1 =	vmul.f32 v62, v1  }
0x315: {  	s4 =	simm.s32 $0x14710;
	s0 =	sadd.s32 @p3 $0x20, s3;
	[tilespmem:s5+$0xFFFFFFF0] =	vst @p2 v14;
	v20 =	vsub.f32 @p3 $1.500000000e+00, v20;
	v14 =	vmul.f32 @p2 v16, v17  }
0x316: {  	v13 =	vpsel p2, v15, v13;
	s4 =	smov.u32 @p3 s0;
	s0 =	smov.u32 @p3 s3;
	s3 =	sadd.s32 @p2 $0x20, s5;
	v16 =	vmul.f32 v19, v21;
	v1 =	vmul.f32 v1, v62  }
0x317: {  	[tilespmem:s5+$0x0] =	vst @p2 v13;
	s2 =	smov.u32 @p2 s3;
	v20 =	vmul.f32 @p3 v20, v27;
	v13 =	vsub.f32 @p2 $1.500000000e+00, v14  }
0x318: {  	[tilespmem:s2+$0xFFFFFFF0] =	vst v0;
	v14 =	vmul.f32 v16, v19;
	v1 =	vsub.f32 $1.500000000e+00, v1  }
0x319: {  	s28 =	simm.s32 $0x1;
	s0 =	smov.u32 @p3 s0;
	[tilespmem:s2+$0x0] =	vst v22;
	v15 =	vpsel p3, v20, v0;
	v0 =	vmul.f32 @p2 v13, v17  }
0x31a: {  	s29 =	simm.s32 $0x2;
	[tilespmem:s0+$0x0] =	vst @p3 v15;
	s0 =	sadd.s32 @p2 $0x20, s4;
	v21 =	vmov s28;
	v13 =	vsub.f32 $1.500000000e+00, v14;
	v1 =	vmul.f32 v1, v62  }
0x31b: {  	s19 =	simm.s32 $0x0;
	v22 =	vmov s29;
	s1 =	smov.u32 @p2 s0;
	s0 =	smov.u32 @p2 s4;
	[tilespmem:s4+$0xFFFFFFF0] =	vst @p2 v18  }
0x31c: {  	v23 =	vmov s19;
	s0 =	smov.u32 @p2 s0;
	v0 =	vpsel p2, v0, v0;
	[tilespmem:s1+$0xFFFFFFF0] =	vst v1;
	v1 =	vmul.f32 v13, v19  }
0x31d: {  	[tilespmem:s0+$0x0] =	vst @p2 v0  }
0x31e: {  	p2 =	por $0x1, $0x1;
	[tilespmem:s1+$0x0] =	vst v1  }
.Ltmp19:
0x31f: {  	v14 =	vld.idx.msk [tilespmem:v21+s24+$0x0], $0xffff;
	(pc) =	sbr.rel @!p2 .LBB2_37-.Ltmp19, $3  }
0x320: {  	v15 =	vld.idx.msk [tilespmem:v22+s24+$0x0], $0xffff  }
0x321: {  	v13 =	vld.idx.msk [tilespmem:v23+s24+$0x0], $0xffff;
	_ =	sdelay $0x1  }
0x322: {  	s4 =	simm.s32 $0x3;
	s0 =	simm.s32 $0x11700;
	s1 =	simm.s32 $0x4;
	v17 =	vld.idx.msk [tilespmem:v23+s23+$0x0], $0xffff  }
0x323: {  	_ =	sdelay $0x2  }
0x324: {  	v0 =	vmov s4  }
0x325: {  	v30 =	vld.idx.msk [tilespmem:v21+s23+$0x0], $0xffff  }
0x326: {  	v1 =	vld [tilespmem:s0+$0x40]  }
0x327: {  	v18 =	vld [tilespmem:s0+$0xFFFFFF80]  }
0x328: {  	v19 =	vld [tilespmem:s0+$0xFFFFFFC0]  }
0x329: {  	v38 =	vld.idx.msk [tilespmem:v0+s23+$0x0], $0xffff  }
0x32a: {  	v27 =	vld.idx.msk [tilespmem:v22+s23+$0x0], $0xffff  }
0x32b: {  	v31 =	vld.idx.msk [tilespmem:v0+s24+$0x0], $0xffff  }
0x32c: {  	v20 =	vld [tilespmem:s0+$0x0]  }
0x32d: {  	v18 =	vsub.f32 v18, v17  }
0x32e: {  	v16 =	vand.u32 $0x7C, v23;
	v24 =	vand.u32 $0x7D, v21;
	v1 =	vsub.f32 v1, v38  }
0x32f: {  	v32 =	vand.u32 $0x7F, v0;
	v0 =	vsub.f32 v19, v30;
	v18 =	vmul.f32 v18, v13  }
0x330: {  	v23 =	vor.u32 v61, v16;
	v19 =	vor.u32 v61, v32;
	v1 =	vmul.f32 v1, v31  }
0x331: {  	v20 =	vsub.f32 v20, v27;
	v0 =	vmul.f32 v0, v14;
	v18 =	vmul.f32 v18, v5  }
0x332: {  	v26 =	vand.u32 $0x7E, v22;
	v21 =	vor.u32 v61, v24;
	v1 =	vmul.f32 v1, v5  }
0x333: {  	v20 =	vmul.f32 v20, v15;
	v0 =	vmul.f32 v0, v5;
	v18 =	vadd.f32 v18, v9  }
0x334: {  	v22 =	vor.u32 v61, v26;
	v1 =	vadd.f32 v1, v9  }
0x335: {  	v20 =	vmul.f32 v20, v5;
	v0 =	vadd.f32 v0, v9;
	[tilespmem:v23+s26+$0x0] =	vst.idx.msk $0xffff, v18  }
0x336: {  	[tilespmem:v19+s26+$0x0] =	vst.idx.msk $0xffff, v1  }
0x337: {  	v18 =	vadd.f32 v20, v9;
	[tilespmem:v21+s26+$0x0] =	vst.idx.msk $0xffff, v0;
	v1 =	vld [tilespmem:s0+$0x50]  }
0x338: {  	v0 =	vld [tilespmem:s0+$0xFFFFFFD0]  }
0x339: {  	[tilespmem:v22+s26+$0x0] =	vst.idx.msk $0xffff, v18;
	v19 =	vld [tilespmem:s0+$0xFFFFFF90]  }
0x33a: {  	v23 =	vmov s1;
	v18 =	vld [tilespmem:s0+$0x10]  }
0x33b: {  	s29 =	simm.s32 $0x6  }
0x33c: {  	s28 =	simm.s32 $0x5;
	v22 =	vmov s29;
	v1 =	vsub.f32 v1, v38  }
0x33d: {  	p3 =	por $0x1, $0x1;
	v21 =	vmov s28;
	v0 =	vsub.f32 v0, v30  }
.Ltmp20:
0x33e: {  	v19 =	vsub.f32 v19, v17;
	v1 =	vmul.f32 v1, v31;
	(pc) =	sbr.rel @!p3 .LBB2_39-.Ltmp20, $4  }
0x33f: {  	v40 =	vor.u32 v2, v16;
	v25 =	vld.idx.msk [tilespmem:v23+s24+$0x0], $0xffff;
	v18 =	vsub.f32 v18, v27;
	v0 =	vmul.f32 v0, v14  }
0x340: {  	v43 =	vor.u32 v2, v24;
	v20 =	vld.idx.msk [tilespmem:v23+s23+$0x0], $0xffff;
	v28 =	vmul.f32 v19, v13;
	v1 =	vmul.f32 v1, v6  }
0x341: {  	v44 =	vor.u32 v2, v26;
	v45 =	vor.u32 v2, v32;
	v47 =	vmul.f32 v18, v15;
	v18 =	vld.idx.msk [tilespmem:v22+s24+$0x0], $0xffff  }
0x342: {  	s4 =	simm.s32 $0x7;
	s2 =	simm.s32 $0x8;
	p2 =	por $0x1, $0x1;
	v52 =	vmul.f32 v0, v6;
	v19 =	vld.idx.msk [tilespmem:v21+s24+$0x0], $0xffff;
	v51 =	vmul.f32 v28, v6;
	v53 =	vadd.f32 v1, v10  }
0x343: {  	_ =	sdelay $0x3  }
0x344: {  	v37 =	vld.idx.msk [tilespmem:v21+s23+$0x0], $0xffff  }
0x345: {  	v39 =	vld.idx.msk [tilespmem:v22+s23+$0x0], $0xffff;
	[tilespmem:v45+s26+$0x0] =	vst.idx.msk $0xffff, v53  }
0x346: {  	v0 =	vmov s4;
	s1 =	simm.s32 $0x11800;
	v1 =	vadd.f32 v51, v10;
	v29 =	vld [tilespmem:s0+$0x60]  }
0x347: {  	v33 =	vmul.f32 v47, v6;
	v34 =	vand.u32 $0x7C, v23;
	v28 =	vadd.f32 v52, v10;
	v23 =	vld [tilespmem:s1+$0x40]  }
0x348: {  	v58 =	vld [tilespmem:s1+$0xFFFFFF80];
	[tilespmem:v40+s26+$0x0] =	vst.idx.msk $0xffff, v1  }
0x349: {  	v33 =	vadd.f32 v33, v10;
	[tilespmem:v43+s26+$0x0] =	vst.idx.msk $0xffff, v28;
	v1 =	vld [tilespmem:s0+$0xFFFFFFA0]  }
0x34a: {  	v36 =	vld [tilespmem:s0+$0xFFFFFFE0]  }
0x34b: {  	[tilespmem:v44+s26+$0x0] =	vst.idx.msk $0xffff, v33;
	v28 =	vld.idx.msk [tilespmem:v0+s23+$0x0], $0xffff;
	v35 =	vsub.f32 v29, v38  }
0x34c: {  	v42 =	vor.u32 v3, v16;
	v41 =	vor.u32 v3, v24;
	v46 =	vor.u32 v3, v26;
	v48 =	vld [tilespmem:s0+$0x20]  }
0x34d: {  	v57 =	vor.u32 v61, v34;
	v40 =	vor.u32 v2, v34;
	v29 =	vld.idx.msk [tilespmem:v0+s24+$0x0], $0xffff;
	v59 =	vmul.f32 v35, v31  }
0x34e: {  	v33 =	vand.u32 $0x7E, v22;
	v22 =	vor.u32 v3, v32;
	v35 =	vand.u32 $0x7D, v21;
	v21 =	vld [tilespmem:s1+$0xFFFFFFC0]  }
0x34f: {  	v60 =	vld [tilespmem:s1+$0x0];
	v43 =	vsub.f32 v58, v20;
	v1 =	vsub.f32 v1, v17;
	v45 =	vmul.f32 v59, v7  }
0x350: {  	v50 =	vor.u32 v61, v33;
	v36 =	vsub.f32 v36, v30;
	v23 =	vsub.f32 v23, v28  }
0x351: {  	v48 =	vsub.f32 v48, v27;
	v1 =	vmul.f32 v1, v13;
	v45 =	vadd.f32 v45, v11  }
0x352: {  	v49 =	vmul.f32 v36, v14;
	v36 =	vand.u32 $0x7F, v0;
	v23 =	vmul.f32 v23, v29  }
0x353: {  	v0 =	vsub.f32 v21, v37;
	v21 =	vor.u32 v61, v36;
	[tilespmem:v22+s26+$0x0] =	vst.idx.msk $0xffff, v45  }
0x354: {  	v63 =	vsub.f32 v60, v39;
	v23 =	vmul.f32 v23, v5;
	v22 =	vmul.f32 v43, v25;
	v52 =	vld [tilespmem:s0+$0x70]  }
0x355: {  	v62 =	vor.u32 v61, v35;
	v48 =	vmul.f32 v48, v15;
	v0 =	vmul.f32 v0, v19  }
0x356: {  	v43 =	vmul.f32 v63, v18;
	v23 =	vadd.f32 v23, v9;
	v22 =	vmul.f32 v22, v5  }
0x357: {  	v44 =	vor.u32 v2, v33;
	v53 =	vmul.f32 v49, v7;
	v0 =	vmul.f32 v0, v5  }
0x358: {  	v43 =	vmul.f32 v43, v5;
	v22 =	vadd.f32 v22, v9;
	[tilespmem:v21+s26+$0x0] =	vst.idx.msk $0xffff, v23  }
0x359: {  	v1 =	vmul.f32 v1, v7;
	v0 =	vadd.f32 v0, v9;
	v54 =	vld [tilespmem:s1+$0x50];
	v21 =	vsub.f32 v52, v38  }
0x35a: {  	v45 =	vadd.f32 v53, v11;
	[tilespmem:v57+s26+$0x0] =	vst.idx.msk $0xffff, v22;
	v22 =	vadd.f32 v43, v9  }
0x35b: {  	v23 =	vmul.f32 v48, v7;
	v55 =	vld [tilespmem:s1+$0xFFFFFF90];
	[tilespmem:v62+s26+$0x0] =	vst.idx.msk $0xffff, v0;
	v0 =	vmul.f32 v21, v31  }
0x35c: {  	v1 =	vadd.f32 v1, v11;
	v57 =	vor.u32 v4, v32;
	v56 =	vld [tilespmem:s1+$0xFFFFFFD0];
	[tilespmem:v50+s26+$0x0] =	vst.idx.msk $0xffff, v22  }
0x35d: {  	[tilespmem:v41+s26+$0x0] =	vst.idx.msk $0xffff, v45;
	v31 =	vadd.f32 v23, v11;
	v23 =	vmov s2;
	v58 =	vld [tilespmem:s1+$0x10];
	v0 =	vmul.f32 v0, v8  }
0x35e: {  	s28 =	simm.s32 $0x9;
	v41 =	vor.u32 v4, v24;
	[tilespmem:v42+s26+$0x0] =	vst.idx.msk $0xffff, v1;
	v60 =	vld [tilespmem:s0+$0xFFFFFFF0];
	v59 =	vsub.f32 v54, v28  }
0x35f: {  	s29 =	simm.s32 $0xA;
	v42 =	vor.u32 v4, v26;
	v21 =	vmov s28;
	[tilespmem:v46+s26+$0x0] =	vst.idx.msk $0xffff, v31;
	v31 =	vld [tilespmem:s0+$0xFFFFFFB0];
	v0 =	vadd.f32 v0, v12  }
0x360: {  	p3 =	por $0x1, $0x1;
	v22 =	vmov s29;
	v1 =	vld [tilespmem:s0+$0x30];
	v24 =	vsub.f32 v55, v20;
	v26 =	vmul.f32 v59, v29  }
.Ltmp21:
0x361: {  	v45 =	vor.u32 v2, v36;
	v62 =	vsub.f32 v56, v37;
	[tilespmem:v57+s26+$0x0] =	vst.idx.msk $0xffff, v0;
	(pc) =	sbr.rel @!p3 .LBB2_41-.Ltmp21, $4  }
0x362: {  	v50 =	vld.idx.msk [tilespmem:v23+s24+$0x0], $0xffff;
	v0 =	vmul.f32 v24, v25;
	v24 =	vsub.f32 v58, v39;
	v26 =	vmul.f32 v26, v6  }
0x363: {  	v43 =	vor.u32 v2, v35;
	v54 =	vsub.f32 v60, v30;
	v48 =	vld.idx.msk [tilespmem:v23+s23+$0x0], $0xffff;
	v63 =	vmul.f32 v62, v19  }
0x364: {  	s4 =	simm.s32 $0xB;
	v49 =	vld.idx.msk [tilespmem:v21+s24+$0x0], $0xffff;
	v51 =	vmul.f32 v0, v6;
	v47 =	vmul.f32 v24, v18;
	v53 =	vadd.f32 v26, v10  }
0x365: {  	s3 =	simm.s32 $0xC;
	p1 =	por $0x1, $0x1;
	s2 =	simm.s32 $0x11800;
	v46 =	vld.idx.msk [tilespmem:v22+s24+$0x0], $0xffff;
	v55 =	vsub.f32 v31, v17;
	v56 =	vsub.f32 v1, v27;
	v52 =	vmul.f32 v63, v6  }
.LBB2_42:
0x366: {  	p3 =	slt.u32 s3, $0x7C;
	v0 =	vld.idx.msk [tilespmem:v21+s23+$0x0], $0xffff;
	v1 =	vmov s4;
	v38 =	vadd.f32 v51, v10;
	v26 =	vmul.f32 v47, v6;
	[tilespmem:v45+s26+$0x0] =	vst.idx.msk $0xffff, v53  }
0x367: {  	v14 =	vmul.f32 v54, v14;
	v24 =	vmovc v37;
	v27 =	vadd.f32 v52, v10;
	v30 =	vld [tilespmem:s1+$0x60];
	v15 =	vmul.f32 v56, v15  }
0x368: {  	v37 =	vmul.f32 v55, v13;
	v31 =	vld.idx.msk [tilespmem:v22+s23+$0x0], $0xffff;
	[tilespmem:v40+s26+$0x0] =	vst.idx.msk $0xffff, v38;
	v26 =	vadd.f32 v26, v10  }
0x369: {  	v17 =	vmov v39;
	v14 =	vmul.f32 v14, v8;
	v32 =	vld [tilespmem:s1+$0xFFFFFFA0];
	[tilespmem:v43+s26+$0x0] =	vst.idx.msk $0xffff, v27;
	v15 =	vmul.f32 v15, v8  }
0x36a: {  	v38 =	vor.u32 v4, v16;
	v16 =	vmov v34;
	v27 =	vld [tilespmem:s1+$0xFFFFFFE0];
	[tilespmem:v44+s26+$0x0] =	vst.idx.msk $0xffff, v26;
	v26 =	vmul.f32 v37, v8  }
0x36b: {  	v13 =	vmovc v25;
	v34 =	vand.u32 $0x7C, v23;
	s1 =	sadd.s32 $0x100, s1;
	v14 =	vadd.f32 v14, v12;
	v23 =	vld.idx.msk [tilespmem:v1+s23+$0x0], $0xffff;
	v15 =	vadd.f32 v15, v12  }
0x36c: {  	v43 =	vor.u32 v3, v16;
	v37 =	vmovc v0;
	v25 =	vld [tilespmem:s1+$0x40];
	v30 =	vsub.f32 v30, v28;
	v26 =	vadd.f32 v26, v12  }
0x36d: {  	v44 =	vor.u32 v3, v35;
	v0 =	vor.u32 v61, v34;
	v40 =	vld.idx.msk [tilespmem:v1+s24+$0x0], $0xffff;
	[tilespmem:v41+s26+$0x0] =	vst.idx.msk $0xffff, v14  }
0x36e: {  	v45 =	vand.u32 $0x7D, v21;
	v14 =	vld [tilespmem:s1+$0xFFFFFF80];
	v21 =	vsub.f32 v32, v20;
	v30 =	vmul.f32 v30, v29;
	[tilespmem:v42+s26+$0x0] =	vst.idx.msk $0xffff, v15  }
0x36f: {  	v32 =	vand.u32 $0x7E, v22;
	v15 =	vld [tilespmem:s1+$0xFFFFFFC0];
	v22 =	vsub.f32 v27, v24;
	v27 =	vor.u32 v3, v36;
	[tilespmem:v38+s26+$0x0] =	vst.idx.msk $0xffff, v26  }
0x370: {  	v39 =	vmovc v31;
	v38 =	vor.u32 v3, v33;
	v26 =	vld [tilespmem:s1+$0x0];
	v21 =	vmul.f32 v21, v13;
	v30 =	vmul.f32 v30, v7  }
0x371: {  	v31 =	vor.u32 v61, v45;
	v41 =	vsub.f32 v25, v23;
	v22 =	vmul.f32 v22, v19;
	v42 =	vld [tilespmem:s2+$0x20];
	v25 =	vmovc v50  }
0x372: {  	v55 =	vmovc v20;
	v47 =	vor.u32 v61, v32;
	v21 =	vmul.f32 v21, v7;
	v30 =	vadd.f32 v30, v11  }
0x373: {  	v1 =	vand.u32 $0x7F, v1;
	v20 =	vmovc v48;
	v50 =	vsub.f32 v14, v48;
	v41 =	vmul.f32 v41, v40;
	v14 =	vmovc v19  }
0x374: {  	v51 =	vor.u32 v61, v1;
	v19 =	vmov v49;
	v48 =	vsub.f32 v15, v37;
	[tilespmem:v27+s26+$0x0] =	vst.idx.msk $0xffff, v30  }
0x375: {  	v15 =	vmovc v18;
	v27 =	vmul.f32 v50, v25;
	v26 =	vsub.f32 v26, v39;
	v30 =	vmul.f32 v41, v5;
	v41 =	vld [tilespmem:s2+$0x70]  }
0x376: {  	v22 =	vmul.f32 v22, v7;
	v18 =	vmovc v46;
	v48 =	vmul.f32 v48, v19;
	v42 =	vsub.f32 v42, v17  }
0x377: {  	v27 =	vmul.f32 v27, v5;
	v26 =	vmul.f32 v26, v18;
	v30 =	vadd.f32 v30, v9  }
0x378: {  	v22 =	vadd.f32 v22, v11;
	v46 =	vmul.f32 v48, v5;
	v42 =	vmul.f32 v42, v15  }
0x379: {  	v27 =	vadd.f32 v27, v9;
	v26 =	vmul.f32 v26, v5;
	[tilespmem:v51+s26+$0x0] =	vst.idx.msk $0xffff, v30  }
0x37a: {  	v30 =	vadd.f32 v46, v9;
	v46 =	vld [tilespmem:s1+$0x50];
	v42 =	vmul.f32 v42, v7;
	v41 =	vsub.f32 v41, v28;
	v28 =	vmovc v23  }
0x37b: {  	[tilespmem:v0+s26+$0x0] =	vst.idx.msk $0xffff, v27;
	v0 =	vadd.f32 v26, v9;
	v26 =	vadd.f32 v21, v11  }
0x37c: {  	v27 =	vld [tilespmem:s1+$0xFFFFFF90];
	[tilespmem:v31+s26+$0x0] =	vst.idx.msk $0xffff, v30;
	v30 =	vadd.f32 v42, v11;
	v21 =	vmul.f32 v41, v29;
	v29 =	vmov v40  }
0x37d: {  	v31 =	vld [tilespmem:s1+$0xFFFFFFD0];
	[tilespmem:v47+s26+$0x0] =	vst.idx.msk $0xffff, v0;
	v0 =	vor.u32 v4, v36;
	v36 =	vmov v1  }
0x37e: {  	s4 =	sadd.s32 $0x1, s3;
	v23 =	vmov s3;
	v40 =	vor.u32 v2, v34;
	v1 =	vld [tilespmem:s1+$0x10];
	[tilespmem:v44+s26+$0x0] =	vst.idx.msk $0xffff, v22;
	v44 =	vmul.f32 v21, v8  }
0x37f: {  	v41 =	vor.u32 v4, v35;
	v35 =	vmovc v45;
	v21 =	vmov s4;
	s4 =	sadd.s32 $0x2, s3;
	v46 =	vsub.f32 v46, v28;
	v47 =	vld [tilespmem:s2+$0xFFFFFFF0];
	[tilespmem:v38+s26+$0x0] =	vst.idx.msk $0xffff, v30  }
0x380: {  	v42 =	vor.u32 v4, v33;
	v33 =	vmovc v32;
	v22 =	vmov s4;
	[tilespmem:v43+s26+$0x0] =	vst.idx.msk $0xffff, v26;
	v26 =	vld [tilespmem:s2+$0x30];
	v30 =	vadd.f32 v44, v12  }
0x381: {  	v43 =	vor.u32 v2, v35;
	v27 =	vsub.f32 v27, v20;
	v32 =	vmul.f32 v46, v29;
	v38 =	vld [tilespmem:s2+$0xFFFFFFB0];
	s2 =	smov.u32 s1  }
.Ltmp22:
0x382: {  	v45 =	vor.u32 v2, v36;
	v31 =	vsub.f32 v31, v37;
	[tilespmem:v0+s26+$0x0] =	vst.idx.msk $0xffff, v30;
	(pc) =	sbr.rel @p3 .LBB2_42-.Ltmp22, $4  }
0x383: {  	v50 =	vld.idx.msk [tilespmem:v23+s24+$0x0], $0xffff;
	v0 =	vmul.f32 v27, v25;
	v1 =	vsub.f32 v1, v39;
	v27 =	vmul.f32 v32, v6  }
0x384: {  	v44 =	vor.u32 v2, v33;
	v48 =	vld.idx.msk [tilespmem:v23+s23+$0x0], $0xffff;
	v30 =	vmul.f32 v31, v19;
	v54 =	vsub.f32 v47, v24  }
0x385: {  	v49 =	vld.idx.msk [tilespmem:v21+s24+$0x0], $0xffff;
	v51 =	vmul.f32 v0, v6;
	v47 =	vmul.f32 v1, v18;
	v53 =	vadd.f32 v27, v10  }
0x386: {  	s4 =	sadd.s32 $0x3, s3;
	s3 =	sadd.s32 $0x4, s3;
	v56 =	vsub.f32 v26, v17;
	v46 =	vld.idx.msk [tilespmem:v22+s24+$0x0], $0xffff;
	v52 =	vmul.f32 v30, v6;
	v55 =	vsub.f32 v38, v55  }
0x387: {  	_ = 	snop  }
0x388: {  	v57 =	vmovc v14;
	v58 =	vmovc v15;
	v59 =	vmov v13;
	v60 =	vmov v16;
	v30 =	vmov v37  }
0x389: {  	v27 =	vmovc v39;
	v16 =	vmovc v34;
	v34 =	vmov v25;
	v38 =	vmov v28;
	v24 =	vmov v35  }
0x38a: {  	v28 =	vmovc v20;
	v31 =	vmovc v29;
	v32 =	vmov v36;
	v26 =	vmov v33;
	v29 =	vmov v19  }
0x38b: {  	v35 =	vmovc v18;
	v13 =	vmovc v50;
	v17 =	vmov v48;
	v14 =	vmov v49;
	v15 =	vmov v46  }
.LBB2_44:
0x38c: {  	_ =	sdelay $0x3  }
0x38d: {  	v18 =	vld.idx.msk [tilespmem:v21+s23+$0x0], $0xffff  }
0x38e: {  	v0 =	vmov s4;
	[tilespmem:v45+s26+$0x0] =	vst.idx.msk @p2 $0xffff, v53;
	v19 =	vld.idx.msk [tilespmem:v22+s23+$0x0], $0xffff;
	s3 =	sadd.s32 @p2 $0x100, s1  }
0x38f: {  	v36 =	vld @p2 [tilespmem:s1+$0x60];
	s0 =	smov.u32 @p2 s3  }
0x390: {  	v1 =	vadd.f32 @p2 v51, v10;
	v20 =	vmul.f32 @p2 v47, v6;
	v33 =	vmul.f32 @p1 v54, v57;
	v63 =	vld [tilespmem:s0+$0x40]  }
0x391: {  	v37 =	vmul.f32 @p1 v56, v58;
	v39 =	vmul.f32 @p1 v55, v59;
	v45 =	vadd.f32 @p2 v52, v10;
	v49 =	vld [tilespmem:s0+$0xFFFFFFC0]  }
0x392: {  	v48 =	vor.u32 @p1 v4, v60;
	v21 =	vand.u32 $0x7D, v21;
	v47 =	vmul.f32 @p1 v33, v8;
	v53 =	vld [tilespmem:s0+$0x0]  }
0x393: {  	v57 =	vor.u32 v61, v21;
	v46 =	vadd.f32 @p2 v20, v10;
	v37 =	vmul.f32 @p1 v37, v8;
	v25 =	vld.idx.msk [tilespmem:v0+s23+$0x0], $0xffff  }
0x394: {  	[tilespmem:v40+s26+$0x0] =	vst.idx.msk @p2 $0xffff, v1;
	v39 =	vmul.f32 @p1 v39, v8;
	v20 =	vand.u32 $0x7C, v23;
	v55 =	vld [tilespmem:s0+$0xFFFFFF80];
	v23 =	vadd.f32 @p1 v47, v12  }
0x395: {  	[tilespmem:v43+s26+$0x0] =	vst.idx.msk @p2 $0xffff, v45;
	v54 =	vor.u32 v61, v20;
	v37 =	vadd.f32 @p1 v37, v12;
	v33 =	vld.idx.msk [tilespmem:v0+s24+$0x0], $0xffff  }
0x396: {  	v1 =	vld @p2 [tilespmem:s1+$0xFFFFFFA0];
	v36 =	vsub.f32 @p2 v36, v38;
	[tilespmem:v41+s26+$0x0] =	vst.idx.msk @p1 $0xffff, v23;
	v41 =	vor.u32 @p2 v3, v32  }
0x397: {  	v40 =	vld @p2 [tilespmem:s1+$0xFFFFFFE0];
	[tilespmem:v44+s26+$0x0] =	vst.idx.msk @p2 $0xffff, v46;
	v23 =	vand.u32 $0x7F, v0;
	v58 =	vsub.f32 v49, v18;
	v0 =	vsub.f32 v53, v19  }
0x398: {  	v22 =	vand.u32 $0x7E, v22;
	[tilespmem:v42+s26+$0x0] =	vst.idx.msk @p1 $0xffff, v37;
	v36 =	vmul.f32 @p2 v36, v31;
	v56 =	vsub.f32 v63, v25  }
0x399: {  	v60 =	vsub.f32 v55, v17;
	v46 =	vmul.f32 v58, v14;
	v0 =	vmul.f32 v0, v15  }
0x39a: {  	v62 =	vor.u32 v61, v23;
	v36 =	vmul.f32 @p2 v36, v7;
	v59 =	vmul.f32 v56, v33  }
0x39b: {  	v1 =	vsub.f32 @p2 v1, v28;
	v42 =	vmul.f32 v60, v13;
	v46 =	vmul.f32 v46, v5  }
0x39c: {  	v40 =	vsub.f32 @p2 v40, v30;
	v36 =	vadd.f32 @p2 v36, v11;
	v37 =	vmul.f32 v59, v5  }
0x39d: {  	v0 =	vmul.f32 v0, v5;
	v52 =	vmul.f32 v42, v5;
	v53 =	vadd.f32 v46, v9  }
0x39e: {  	v47 =	vld @p2 [tilespmem:s2+$0x20];
	v63 =	vor.u32 v61, v22;
	[tilespmem:v41+s26+$0x0] =	vst.idx.msk @p2 $0xffff, v36;
	v37 =	vadd.f32 v37, v9  }
0x39f: {  	v0 =	vadd.f32 v0, v9;
	v36 =	vadd.f32 v52, v9;
	v42 =	vld @p2 [tilespmem:s2+$0x70];
	[tilespmem:v57+s26+$0x0] =	vst.idx.msk $0xffff, v53  }
0x3a0: {  	v39 =	vadd.f32 @p1 v39, v12;
	v44 =	vld [tilespmem:s0+$0xFFFFFFD0];
	[tilespmem:v62+s26+$0x0] =	vst.idx.msk $0xffff, v37  }
0x3a1: {  	v40 =	vmul.f32 @p2 v40, v29;
	v1 =	vmul.f32 @p2 v1, v34;
	[tilespmem:v54+s26+$0x0] =	vst.idx.msk $0xffff, v36;
	v43 =	vld [tilespmem:s0+$0x50]  }
0x3a2: {  	[tilespmem:v48+s26+$0x0] =	vst.idx.msk @p1 $0xffff, v39;
	v58 =	vor.u32 v2, v23;
	v60 =	vor.u32 v2, v21;
	v55 =	vld [tilespmem:s0+$0xFFFFFF90]  }
0x3a3: {  	v1 =	vmul.f32 @p2 v1, v7;
	[tilespmem:v63+s26+$0x0] =	vst.idx.msk $0xffff, v0;
	v0 =	vmov @p2 v16;
	v16 =	vmul.f32 @p2 v40, v7  }
0x3a4: {  	v56 =	vor.u32 v2, v20;
	v41 =	vor.u32 @p2 v3, v24;
	v37 =	vsub.f32 @p2 v47, v27  }
0x3a5: {  	v54 =	vld [tilespmem:s0+$0x10];
	v40 =	vor.u32 @p2 v3, v0;
	v16 =	vadd.f32 @p2 v16, v11;
	v44 =	vsub.f32 v44, v18  }
0x3a6: {  	v37 =	vmul.f32 @p2 v37, v35;
	v38 =	vsub.f32 @p2 v42, v38;
	v43 =	vsub.f32 v43, v25  }
0x3a7: {  	v42 =	vor.u32 @p2 v3, v26;
	v39 =	vsub.f32 v55, v17;
	v59 =	vmul.f32 v44, v14  }
0x3a8: {  	v1 =	vadd.f32 @p2 v1, v11;
	v37 =	vmul.f32 @p2 v37, v7;
	v57 =	vmul.f32 v43, v33  }
0x3a9: {  	[tilespmem:v41+s26+$0x0] =	vst.idx.msk @p2 $0xffff, v16;
	v39 =	vmul.f32 v39, v13;
	v43 =	vmul.f32 v59, v6  }
0x3aa: {  	v36 =	vsub.f32 v54, v19;
	v37 =	vadd.f32 @p2 v37, v11;
	v16 =	vmul.f32 v57, v6  }
0x3ab: {  	[tilespmem:v40+s26+$0x0] =	vst.idx.msk @p2 $0xffff, v1;
	v62 =	vmul.f32 v39, v6;
	v63 =	vadd.f32 v43, v10  }
0x3ac: {  	v47 =	vld @p2 [tilespmem:s2+$0xFFFFFFF0];
	v36 =	vmul.f32 v36, v15;
	[tilespmem:v42+s26+$0x0] =	vst.idx.msk @p2 $0xffff, v37;
	v16 =	vadd.f32 v16, v10  }
0x3ad: {  	v61 =	vor.u32 v2, v22;
	v1 =	vld @p2 [tilespmem:s2+$0x30];
	v43 =	vadd.f32 v62, v10;
	[tilespmem:v60+s26+$0x0] =	vst.idx.msk $0xffff, v63  }
0x3ae: {  	v36 =	vmul.f32 v36, v6;
	v39 =	vld [tilespmem:s0+$0xFFFFFFE0];
	[tilespmem:v58+s26+$0x0] =	vst.idx.msk $0xffff, v16  }
0x3af: {  	[tilespmem:v56+s26+$0x0] =	vst.idx.msk $0xffff, v43;
	v48 =	vld [tilespmem:s0+$0x60]  }
0x3b0: {  	v24 =	vor.u32 @p2 v4, v24;
	v42 =	vadd.f32 v36, v10;
	v36 =	vld [tilespmem:s0+$0xFFFFFFA0]  }
0x3b1: {  	v52 =	vor.u32 v3, v23;
	v23 =	vor.u32 v4, v23;
	v53 =	vor.u32 v3, v21  }
0x3b2: {  	v34 =	vpsel p2, v34, v0;
	v24 =	vpsel p2, v24, v0;
	[tilespmem:v61+s26+$0x0] =	vst.idx.msk $0xffff, v42  }
0x3b3: {  	v26 =	vor.u32 @p2 v4, v26;
	v35 =	vpsel p2, v35, v0;
	v49 =	vld [tilespmem:s0+$0x20];
	v51 =	vsub.f32 v39, v18  }
0x3b4: {  	v31 =	vmul.f32 @p2 v38, v31;
	v30 =	vsub.f32 @p2 v47, v30;
	v50 =	vsub.f32 v48, v25  }
0x3b5: {  	v1 =	vsub.f32 @p2 v1, v27;
	v36 =	vsub.f32 v36, v17;
	v37 =	vmul.f32 v51, v14  }
0x3b6: {  	v27 =	vpsel p2, v29, v0;
	v29 =	vpsel p2, v30, v0;
	v30 =	vmul.f32 v50, v33  }
0x3b7: {  	v55 =	vor.u32 v3, v20;
	v38 =	vld @p2 [tilespmem:s2+$0xFFFFFFB0];
	v36 =	vmul.f32 v36, v13;
	v37 =	vmul.f32 v37, v7  }
0x3b8: {  	v16 =	vor.u32 @p2 v4, v32;
	v32 =	vsub.f32 v49, v19;
	v30 =	vmul.f32 v30, v7  }
0x3b9: {  	v54 =	vor.u32 v3, v22;
	v36 =	vmul.f32 v36, v7;
	v37 =	vadd.f32 v37, v11  }
0x3ba: {  	v26 =	vpsel p2, v26, v0;
	v32 =	vmul.f32 v32, v15;
	v30 =	vadd.f32 v30, v11  }
0x3bb: {  	v31 =	vmul.f32 @p2 v31, v8;
	v58 =	vadd.f32 v36, v11;
	[tilespmem:v53+s26+$0x0] =	vst.idx.msk $0xffff, v37  }
0x3bc: {  	v28 =	vsub.f32 @p2 v38, v28;
	v32 =	vmul.f32 v32, v7;
	v59 =	vld [tilespmem:s0+$0xFFFFFFF0];
	[tilespmem:v52+s26+$0x0] =	vst.idx.msk $0xffff, v30  }
0x3bd: {  	v31 =	vadd.f32 @p2 v31, v12;
	v1 =	vpsel p2, v1, v0;
	[tilespmem:v55+s26+$0x0] =	vst.idx.msk $0xffff, v58;
	v57 =	vld [tilespmem:s0+$0x70]  }
0x3be: {  	v28 =	vpsel p2, v28, v0;
	v1 =	vmul.f32 @p2 v1, v35;
	v56 =	vadd.f32 v32, v11;
	v60 =	vld [tilespmem:s0+$0xFFFFFFB0]  }
0x3bf: {  	v61 =	vor.u32 v4, v21;
	v63 =	vor.u32 v4, v20;
	v28 =	vmul.f32 @p2 v28, v34  }
0x3c0: {  	v27 =	vmul.f32 @p2 v29, v27;
	v1 =	vmul.f32 @p2 v1, v8;
	[tilespmem:v54+s26+$0x0] =	vst.idx.msk $0xffff, v56  }
0x3c1: {  	v0 =	vpsel p2, v0, v0;
	v28 =	vmul.f32 @p2 v28, v8;
	v30 =	vld [tilespmem:s0+$0x30];
	v18 =	vsub.f32 v59, v18  }
0x3c2: {  	v0 =	vor.u32 @p2 v4, v0;
	v1 =	vadd.f32 @p2 v1, v12;
	v25 =	vsub.f32 v57, v25  }
0x3c3: {  	[tilespmem:v16+s26+$0x0] =	vst.idx.msk @p2 $0xffff, v31;
	v16 =	vsub.f32 v60, v17;
	v14 =	vmul.f32 v18, v14  }
0x3c4: {  	v27 =	vmul.f32 @p2 v27, v8;
	[tilespmem:v26+s26+$0x0] =	vst.idx.msk @p2 $0xffff, v1;
	v1 =	vmul.f32 v25, v33  }
0x3c5: {  	v28 =	vadd.f32 @p2 v28, v12;
	v13 =	vmul.f32 v16, v13;
	v14 =	vmul.f32 v14, v8  }
0x3c6: {  	v27 =	vadd.f32 @p2 v27, v12;
	v19 =	vsub.f32 v30, v19;
	v1 =	vmul.f32 v1, v8  }
0x3c7: {  	[tilespmem:v0+s26+$0x0] =	vst.idx.msk @p2 $0xffff, v28;
	v0 =	vmul.f32 v13, v8;
	v13 =	vadd.f32 v14, v12  }
0x3c8: {  	[tilespmem:v24+s26+$0x0] =	vst.idx.msk @p2 $0xffff, v27;
	v15 =	vmul.f32 v19, v15;
	v1 =	vadd.f32 v1, v12  }
0x3c9: {  	v62 =	vor.u32 v4, v22;
	[tilespmem:v61+s26+$0x0] =	vst.idx.msk $0xffff, v13  }
0x3ca: {  	v15 =	vmul.f32 v15, v8;
	[tilespmem:v23+s26+$0x0] =	vst.idx.msk $0xffff, v1  }
.Ltmp23:
0x3cb: {  	s18 =	sshll.u32 s31, $0x12;
	v0 =	vadd.f32 v0, v12;
	s19 =	rddreg [dreg:$0x6];
	(pc) =	sbr.rel @p0 .LBB2_46-.Ltmp23, $4  }
0x3cc: {  	v1 =	vadd.f32 v15, v12;
	s0 =	sor.u32 s19, s18  }
0x3cd: {  	s28 =	rddreg [dreg:$0x4];
	[tilespmem:v63+s26+$0x0] =	vst.idx.msk $0xffff, v0;
	s0 =	sshrl.u32 s0, $0x3  }
0x3ce: {  	s29 =	simm.s32 $0x400;
	s31 =	simm.s32 $0x8000;
	[tilespmem:v62+s26+$0x0] =	vst.idx.msk $0xffff, v1;
	s0 =	sadd.s32 s28, s0  }
0x3cf: {  	[hbm4b:s0+s29] =	stream.strided.scatter [tilespmem:s26], [sflag:$0x2], $0x2000, s31, s29, $0x38;
	[tilespmem:$0x14780] =	vst v63  }
.Ltmp24:
0x3d0: {  	s0 =	sshll.u32 s30, $0xA;
	(pc) =	sbr.rel .LBB2_2-.Ltmp24, $4  }
0x3d1: {  	s0 =	sadd.s32 $0x600, s0  }
0x3d2: {  	s1 =	simm.s32 $0x80;
	s0 =	sand.u32 $0x3FE00, s0  }
0x3d3: {  	s2 =	simm.s32 $0xB680;
	s30 =	sadd.s32 $0x1, s30;
	s0 =	sshrl.u32 s0, $0x2  }
0x3d4: {  	[tilespmem:s2], [sflag:$0x1] =	stream.indirect.gather [hbm4b:s8+s1], $0x40, s0, s1, $0xb8;
	[tilespmem:$0x14780] =	vst v63  }
.LBB2_5:
.Ltmp25:
0x3d5: {  	(pc) =	sbr.rel .LBB2_14-.Ltmp25, $2  }
0x3d6: {  	_ =	sdelay $0x2  }
0x3d7: {  	s0 =	simm.s32 $0x14690;
	s3 =	simm.s32 $0x14710;
	p3 =	por $0x0, $0x0;
	v61 =	vld [tilespmem:$0x1FFE0]  }
.LBB2_15:
.Ltmp26:
0x3d8: {  	(pc) =	sbr.rel .LBB2_22-.Ltmp26, $2  }
0x3d9: {  	_ =	sdelay $0x2  }
0x3da: {  	s1 =	simm.s32 $0x11700;
	p1 =	por $0x0, $0x0  }
.LBB2_27:
.Ltmp27:
0x3db: {  	(pc) =	sbr.rel .LBB2_36-.Ltmp27, $2  }
0x3dc: {  	_ =	sdelay $0x2  }
0x3dd: {  	s0 =	simm.s32 $0x14690;
	s3 =	simm.s32 $0x14710;
	p4 =	por $0x0, $0x0;
	v61 =	vld [tilespmem:$0x1FFE0]  }
.LBB2_37:
.Ltmp28:
0x3de: {  	(pc) =	sbr.rel .LBB2_44-.Ltmp28, $2  }
0x3df: {  	_ =	sdelay $0x2  }
0x3e0: {  	s1 =	simm.s32 $0x11700;
	p2 =	por $0x0, $0x0  }
.LBB2_7:
.Ltmp29:
0x3e1: {  	(pc) =	sbr.rel .LBB2_14-.Ltmp29, $2  }
0x3e2: {  	_ =	sdelay $0x2  }
0x3e3: {  	v15 =	vmov v13;
	s0 =	simm.s32 $0x14690;
	s3 =	simm.s32 $0x14710;
	p3 =	por $0x0, $0x0;
	v26 =	vmov v16  }
.LBB2_17:
.Ltmp30:
0x3e4: {  	_ = 	snop;
	(pc) =	sbr.rel .LBB2_22-.Ltmp30, $3  }
0x3e5: {  	_ =	sdelay $0x1  }
0x3e6: {  	v34 =	vmov v13;
	v28 =	vmov v17;
	v29 =	vmov v14  }
0x3e7: {  	v35 =	vmovc v15;
	s1 =	simm.s32 $0x11700;
	s2 =	simm.s32 $0x11700;
	v13 =	vmovc v25;
	v17 =	vmov v20;
	v15 =	vmov v18;
	v14 =	vmov v19  }
.LBB2_29:
.Ltmp31:
0x3e8: {  	(pc) =	sbr.rel .LBB2_36-.Ltmp31, $2  }
0x3e9: {  	_ =	sdelay $0x2  }
0x3ea: {  	v15 =	vmov v13;
	s0 =	simm.s32 $0x14690;
	s3 =	simm.s32 $0x14710;
	p4 =	por $0x0, $0x0;
	v26 =	vmov v16  }
.LBB2_39:
.Ltmp32:
0x3eb: {  	_ = 	snop;
	(pc) =	sbr.rel .LBB2_44-.Ltmp32, $3  }
0x3ec: {  	_ =	sdelay $0x1  }
0x3ed: {  	v34 =	vmov v13;
	v28 =	vmov v17;
	v29 =	vmov v14  }
0x3ee: {  	v35 =	vmovc v15;
	s1 =	simm.s32 $0x11700;
	s2 =	simm.s32 $0x11700;
	v13 =	vmovc v25;
	v17 =	vmov v20;
	v15 =	vmov v18;
	v14 =	vmov v19  }
.LBB2_9:
.Ltmp33:
0x3ef: {  	(pc) =	sbr.rel .LBB2_14-.Ltmp33, $2  }
0x3f0: {  	_ =	sdelay $0x2  }
0x3f1: {  	v26 =	vmovc v20;
	v20 =	vmovc v16;
	v32 =	vmov v13;
	s0 =	simm.s32 $0x14690;
	s3 =	simm.s32 $0x14710;
	v14 =	vmov v31;
	p3 =	por $0x0, $0x0;
	v27 =	vmov v19  }
.LBB2_19:
.Ltmp34:
0x3f2: {  	_ = 	snop;
	(pc) =	sbr.rel .LBB2_22-.Ltmp34, $4  }
0x3f3: {  	v57 =	vmovc v14;
	v58 =	vmovc v15;
	v59 =	vmov v13;
	v60 =	vmov v16;
	v30 =	vmov v37  }
0x3f4: {  	v27 =	vmovc v39;
	v16 =	vmovc v34;
	v34 =	vmov v25;
	v38 =	vmov v28;
	v24 =	vmov v35  }
0x3f5: {  	v28 =	vmovc v20;
	v31 =	vmovc v29;
	v32 =	vmov v36;
	v26 =	vmov v33;
	v29 =	vmov v19  }
0x3f6: {  	s2 =	simm.s32 $0x11800;
	v35 =	vmovc v18;
	v13 =	vmovc v50;
	v17 =	vmov v48;
	v14 =	vmov v49;
	v15 =	vmov v46  }
.LBB2_31:
.Ltmp35:
0x3f7: {  	(pc) =	sbr.rel .LBB2_36-.Ltmp35, $2  }
0x3f8: {  	_ =	sdelay $0x2  }
0x3f9: {  	v26 =	vmovc v20;
	v20 =	vmovc v16;
	v32 =	vmov v13;
	s0 =	simm.s32 $0x14690;
	s3 =	simm.s32 $0x14710;
	v14 =	vmov v31;
	p4 =	por $0x0, $0x0;
	v27 =	vmov v19  }
.LBB2_41:
.Ltmp36:
0x3fa: {  	_ = 	snop;
	(pc) =	sbr.rel .LBB2_44-.Ltmp36, $4  }
0x3fb: {  	v57 =	vmovc v14;
	v58 =	vmovc v15;
	v59 =	vmov v13;
	v60 =	vmov v16;
	v30 =	vmov v37  }
0x3fc: {  	v27 =	vmovc v39;
	v16 =	vmovc v34;
	v34 =	vmov v25;
	v38 =	vmov v28;
	v24 =	vmov v35  }
0x3fd: {  	v28 =	vmovc v20;
	v31 =	vmovc v29;
	v32 =	vmov v36;
	v26 =	vmov v33;
	v29 =	vmov v19  }
0x3fe: {  	s2 =	simm.s32 $0x11800;
	v35 =	vmovc v18;
	v13 =	vmovc v50;
	v17 =	vmov v48;
	v14 =	vmov v49;
	v15 =	vmov v46  }
.LBB2_11:
.Ltmp37:
0x3ff: {  	(pc) =	sbr.rel .LBB2_14-.Ltmp37, $2  }
0x400: {  	_ =	sdelay $0x2  }
0x401: {  	v32 =	vmov v15;
	v15 =	vmov v28;
	s4 =	simm.s32 $0x14710  }
.LBB2_33:
.Ltmp38:
0x402: {  	(pc) =	sbr.rel .LBB2_36-.Ltmp38, $2  }
0x403: {  	_ =	sdelay $0x2  }
0x404: {  	v32 =	vmov v15;
	v15 =	vmov v28;
	s4 =	simm.s32 $0x14710  }
.LBB2_47:
0x405: {  	_ =	sfence.sel $0x180000  }
0x406: {  	[bflag:$0x0] =	sbarrier.arrive $0xFFFF  }
0x407: {  	_ =	strace $0x90000047  }
0x408: {  	s0 =	stileid.u32;
	[bflag:$0x2] =	sbarrier.arrive $0xFFFF  }
0x409: {  	p0 =	sne.s32 s0, $0x0;
	s0 =	rddreg [dreg:$0x5]  }
0x40a: {  	s0 =	sadd.s32 @!p0 $0x100000, s0  }
0x40b: {  	[sflag:s0] =	ssyncadd.tile.s32 @!p0 $0x1;
	_ =	shalt  }
.Lfunc_end2:
_tile_overlayer_lowered:
.L_overlay_start_2:
0x40c: {  	(tag) =	ssettag $0x2  }
0x40d: {  	s0 =	rddreg [dreg:$0x0];
	s2 =	stileid.u32  }
0x40e: {  	s1 =	rddreg [dreg:$0x1];
	p0 =	sne.s32 s2, $0x0  }
0x40f: {  	s3 =	rddreg [dreg:$0x2];
	[bflag:$0x3] =	sbarrier.arrive $0xFFFF;
	s2 =	simm.s32 @!p0 $0x1C03  }
0x410: {  	[timem:s3], [sflag:s2] =	dma.local @!p0 [hbm:s0], s1  }
0x411: {  	s0 =	simm.s32 @!p0 $0x3  }
0x412: {  	_ =	swait.ge @!p0 [sflag:s0], s1  }
0x413: {  	s1 =	ssub.s32 @!p0 $0x0, s1;
	[sflag:s0] =	ssyncset.done @!p0 $0x0  }
0x414: {  	[sflag:s0] =	ssyncadd.s32 @!p0 s1  }
0x415: {  	[bflag:$0x3] =	sbarrier.arrive $0xFFFF  }
0x416: {  	_ =	shalt  }

</sc_bundles>
